<compile_context>
chip_gen: v7x
topology: tpu7x:2x2x1
jax: 0.10.2.dev20260603
libtpu: 0.0.44.dev20260713+nightly
codegen_flags: <defaults>
</compile_context>

<pallas_src>
import jax
import jax.numpy as jnp
from jax import lax
from jax.experimental import pallas as pl
from jax.experimental.pallas import tpu as pltpu
from jax.experimental.pallas import tpu_sc as plsc

VOCAB = 1000000
EMBED_DIM = 64
BATCH = 4096
HIST = 200

NUM_CORES = 2
NUM_SUBCORES = 16
NW = NUM_CORES * NUM_SUBCORES
SAMP_PER_W = BATCH // NW
HALF = SAMP_PER_W // 2

_COLS = tuple(range(0, HIST - 16, 16)) + (HIST - 16,)


def _emb_body(x_hbm, table_hbm, out_hbm,
              xbuf, idx0, idx1, rows0, rows1, data0, data1,
              gsem0, gsem1, ssem0, ssem1):
    w = lax.axis_index("s") * NUM_CORES + lax.axis_index("c")
    s0 = w * SAMP_PER_W

    idxs = (idx0, idx1)
    bufs = (rows0, rows1)
    dats = (data0, data1)
    gsems = (gsem0, gsem1)
    ssems = (ssem0, ssem1)

    def start_gather(j, b):
        for c in _COLS:
            idxs[b][pl.ds(c, 16)] = xbuf[j % HALF, pl.ds(c, 16)]
        pltpu.async_copy(table_hbm.at[idxs[b]], bufs[b], gsems[b])

    def wait_gather(b):
        pltpu.make_async_copy(
            table_hbm.at[pl.ds(0, HIST)], bufs[b], gsems[b]).wait()

    def start_store(j, b):
        @pl.loop(0, HIST)
        def _row(h):
            for c in range(0, EMBED_DIM, 16):
                dats[b][h, pl.ds(c, 16)] = bufs[b][h, pl.ds(c, 16)]
        pltpu.async_copy(dats[b], out_hbm.at[s0 + j], ssems[b])

    def wait_store(b):
        pltpu.make_async_copy(dats[b], out_hbm.at[s0], ssems[b]).wait()

    def stage_x(half):
        pltpu.sync_copy(x_hbm.at[pl.ds(s0 + half * HALF, HALF)], xbuf)

    stage_x(0)
    start_gather(0, 0)
    wait_gather(0)
    start_gather(1, 1)
    start_store(0, 0)

    @pl.loop(0, (HALF - 2) // 2)
    def _pair(p):
        j = 1 + 2 * p
        for b in (1, 0):
            wait_gather(b)
            wait_store(1 - b)
            start_gather(j + 1, 1 - b)
            start_store(j, b)
            j = j + 1

    wait_gather(1)
    stage_x(1)
    wait_store(0)
    start_gather(HALF, 0)
    start_store(HALF - 1, 1)

    @pl.loop(0, (HALF - 2) // 2)
    def _pair2(p):
        j = HALF + 2 * p
        for b in (0, 1):
            wait_gather(b)
            wait_store(1 - b)
            start_gather(j + 1, 1 - b)
            start_store(j, b)
            j = j + 1

    wait_gather(0)
    wait_store(1)
    start_gather(SAMP_PER_W - 1, 1)
    start_store(SAMP_PER_W - 2, 0)
    wait_gather(1)
    wait_store(0)
    start_store(SAMP_PER_W - 1, 1)
    wait_store(1)


@jax.jit
def _embedding_sc(x, table):
    table128 = jnp.concatenate(
        [table, jnp.zeros((VOCAB, 128 - EMBED_DIM), jnp.float32)], axis=1)
    mesh = plsc.VectorSubcoreMesh(
        core_axis_name="c", subcore_axis_name="s",
        num_cores=NUM_CORES, num_subcores=NUM_SUBCORES)
    return pl.kernel(
        _emb_body,
        out_type=jax.ShapeDtypeStruct((BATCH, HIST, EMBED_DIM), jnp.float32),
        mesh=mesh,
        scratch_types=[
            pltpu.VMEM((HALF, HIST), jnp.int32),
            pltpu.VMEM((HIST,), jnp.int32),
            pltpu.VMEM((HIST,), jnp.int32),
            pltpu.VMEM((HIST, 128), jnp.float32),
            pltpu.VMEM((HIST, 128), jnp.float32),
            pltpu.VMEM((HIST, EMBED_DIM), jnp.float32),
            pltpu.VMEM((HIST, EMBED_DIM), jnp.float32),
            pltpu.SemaphoreType.DMA,
            pltpu.SemaphoreType.DMA,
            pltpu.SemaphoreType.DMA,
            pltpu.SemaphoreType.DMA,
        ],
        compiler_params=pltpu.CompilerParams(use_tc_tiling_on_sc=True),
    )(x, table128)


def kernel(x, table):
    return _embedding_sc(x, table)

# --- scband reference (transcript-rebuilt; emitter-appended) ---
"""Pipeline reference for scband-embedding-47081431499176 (READ-ONLY COPY).

The authoritative reference and input builder live on the scoring server;
editing this copy changes nothing except your own understanding.
"""

import jax, jax.numpy as jnp
import numpy as np

VOCAB = 1000000
EMBED_DIM = 64
BATCH = 4096
HIST = 200

def setup_inputs(seed: int = 0) -> dict:
    key = jax.random.key(seed)
    k1, k2 = jax.random.split(key)
    x = jax.random.randint(k1, (BATCH, HIST), 0, VOCAB, dtype=jnp.int64 if jax.config.jax_enable_x64 else jnp.int32)
    table = jax.random.normal(k2, (VOCAB, EMBED_DIM), dtype=jnp.float32) * 0.02
    return {"x": x, "table": table}

def reference(x, table):
    # Faithful translation of nn.Embedding lookup: embedded = word_embeds(x)
    embedded = jnp.take(table, x, axis=0)
    return embedded

if __name__ == "__main__":
    import jax
    _d = setup_inputs()
    print(jax.jit(kernel)(*tuple(_d.values())))

</pallas_src>

<mosaic_0001>
#map = affine_map<(d0, d1) -> (0, 0)>
#map1 = affine_map<(d0, d1) -> (0, 0, 0)>
module attributes {stable_mosaic.version = 14 : i64} {
  func.func @_emb_body(%arg0: i32, %arg1: i32, %arg2: memref<4096x200xi32, #tpu.memory_space<hbm>>, %arg3: memref<1000000x128xf32, #tpu.memory_space<hbm>>, %arg4: memref<4096x200x64xf32, #tpu.memory_space<hbm>>, %arg5: memref<64x200xi32, #tpu.memory_space<vmem>>, %arg6: memref<200xi32, #tpu.memory_space<vmem>>, %arg7: memref<200xi32, #tpu.memory_space<vmem>>, %arg8: memref<200x128xf32, #tpu.memory_space<vmem>>, %arg9: memref<200x128xf32, #tpu.memory_space<vmem>>, %arg10: memref<200x64xf32, #tpu.memory_space<vmem>>, %arg11: memref<200x64xf32, #tpu.memory_space<vmem>>, %arg12: memref<!tpu.dma_semaphore, #tpu.memory_space<semaphore_mem>>, %arg13: memref<!tpu.dma_semaphore, #tpu.memory_space<semaphore_mem>>, %arg14: memref<!tpu.dma_semaphore, #tpu.memory_space<semaphore_mem>>, %arg15: memref<!tpu.dma_semaphore, #tpu.memory_space<semaphore_mem>>) attributes {dimension_semantics = [#tpu.dimension_semantics<core_parallel>, #tpu.dimension_semantics<subcore_parallel>], iteration_bounds = array<i64: 2, 16>, scalar_prefetch = 0 : i64, scratch_operands = 11 : i64, tpu.core_type = #tpu.core_type<sc_vector_subcore>, window_params = [{transform_indices = #map}, {transform_indices = #map}, {transform_indices = #map1}]} {
    %mul3A = arith.constant 2 : i32
    %mul3A_0 = arith.muli %arg1, %mul3A : i32
    %add3A = arith.addi %mul3A_0, %arg0 : i32
    %mul3A_1 = arith.constant 128 : i32
    %mul3A_2 = arith.muli %add3A, %mul3A_1 : i32
    %add3A_3 = arith.constant 0 : i32
    %add3A_4 = arith.addi %mul3A_2, %add3A_3 : i32
    "tpu.region"() ({
      %run_scoped3A = tpu.sem_alloc : memref<!tpu.dma_semaphore, #tpu.memory_space<semaphore_mem>>
      %dma_start3A_608 = arith.constant 0 : i32
      %dma_start3A_609 = tpu.memref_slice %arg2[%add3A_4, %dma_start3A_608] : memref<4096x200xi32, #tpu.memory_space<hbm>> -> memref<64x200xi32, #tpu.memory_space<hbm>>
      %dma_start3A_610 = arith.constant 0 : i32
      %dma_start3A_611 = tpu.memref_slice %arg2[%add3A_4, %dma_start3A_610] : memref<4096x200xi32, #tpu.memory_space<hbm>> -> memref<64x200xi32, #tpu.memory_space<hbm>>
      tpu.enqueue_dma source(%dma_start3A_611 : memref<64x200xi32, #tpu.memory_space<hbm>>) target(%arg5 : memref<64x200xi32, #tpu.memory_space<vmem>>) target_semaphore(%run_scoped3A : memref<!tpu.dma_semaphore, #tpu.memory_space<semaphore_mem>>)
      %dma_wait3A_612 = arith.constant 0 : i32
      %dma_wait3A_613 = tpu.memref_slice %arg2[%add3A_4, %dma_wait3A_612] : memref<4096x200xi32, #tpu.memory_space<hbm>> -> memref<64x200xi32, #tpu.memory_space<hbm>>
      %dma_wait3A_614 = arith.constant 0 : i32
      %dma_wait3A_615 = tpu.memref_slice %arg2[%add3A_4, %dma_wait3A_614] : memref<4096x200xi32, #tpu.memory_space<hbm>> -> memref<64x200xi32, #tpu.memory_space<hbm>>
      tpu.wait_dma2 semaphore(%run_scoped3A : memref<!tpu.dma_semaphore, #tpu.memory_space<semaphore_mem>>) src(%dma_wait3A_615 : memref<64x200xi32, #tpu.memory_space<hbm>>) dst(%arg5 : memref<64x200xi32, #tpu.memory_space<vmem>>)
      tpu.yield
    }) : () -> ()
    %get3A = arith.constant 0 : i32
    %get3A_5 = arith.index_cast %get3A : i32 to index
    %get3A_6 = arith.constant 0 : index
    %get3A_7 = tpu.vector_load %arg5[%get3A_5, %get3A_6] {strides = array<i32>} : memref<64x200xi32, #tpu.memory_space<vmem>>, vector<1x16xi32>,
    %get3A_8 = vector.shape_cast %get3A_7 : vector<1x16xi32> to vector<16xi32>
    %swap3A = arith.constant 0 : index
    %swap3A_9 = tpu.vector_load %arg6[%swap3A] {strides = array<i32>} : memref<200xi32, #tpu.memory_space<vmem>>, vector<16xi32>,
    %swap3A_10 = vector.shape_cast %swap3A_9 : vector<16xi32> to vector<16xi32>
    %swap3A_11 = vector.shape_cast %get3A_8 : vector<16xi32> to vector<16xi32>
    tpu.vector_store %arg6[%swap3A], %swap3A_11 {strides = array<i32>} : memref<200xi32, #tpu.memory_space<vmem>>, vector<16xi32>,
    %get3A_12 = arith.constant 0 : i32
    %get3A_13 = arith.index_cast %get3A_12 : i32 to index
    %get3A_14 = arith.constant 16 : index
    %get3A_15 = tpu.vector_load %arg5[%get3A_13, %get3A_14] {strides = array<i32>} : memref<64x200xi32, #tpu.memory_space<vmem>>, vector<1x16xi32>,
    %get3A_16 = vector.shape_cast %get3A_15 : vector<1x16xi32> to vector<16xi32>
    %swap3A_17 = arith.constant 16 : index
    %swap3A_18 = tpu.vector_load %arg6[%swap3A_17] {strides = array<i32>} : memref<200xi32, #tpu.memory_space<vmem>>, vector<16xi32>,
    %swap3A_19 = vector.shape_cast %swap3A_18 : vector<16xi32> to vector<16xi32>
    %swap3A_20 = vector.shape_cast %get3A_16 : vector<16xi32> to vector<16xi32>
    tpu.vector_store %arg6[%swap3A_17], %swap3A_20 {strides = array<i32>} : memref<200xi32, #tpu.memory_space<vmem>>, vector<16xi32>,
    %get3A_21 = arith.constant 0 : i32
    %get3A_22 = arith.index_cast %get3A_21 : i32 to index
    %get3A_23 = arith.constant 32 : index
    %get3A_24 = tpu.vector_load %arg5[%get3A_22, %get3A_23] {strides = array<i32>} : memref<64x200xi32, #tpu.memory_space<vmem>>, vector<1x16xi32>,
    %get3A_25 = vector.shape_cast %get3A_24 : vector<1x16xi32> to vector<16xi32>
    %swap3A_26 = arith.constant 32 : index
    %swap3A_27 = tpu.vector_load %arg6[%swap3A_26] {strides = array<i32>} : memref<200xi32, #tpu.memory_space<vmem>>, vector<16xi32>,
    %swap3A_28 = vector.shape_cast %swap3A_27 : vector<16xi32> to vector<16xi32>
    %swap3A_29 = vector.shape_cast %get3A_25 : vector<16xi32> to vector<16xi32>
    tpu.vector_store %arg6[%swap3A_26], %swap3A_29 {strides = array<i32>} : memref<200xi32, #tpu.memory_space<vmem>>, vector<16xi32>,
    %get3A_30 = arith.constant 0 : i32
    %get3A_31 = arith.index_cast %get3A_30 : i32 to index
    %get3A_32 = arith.constant 48 : index
    %get3A_33 = tpu.vector_load %arg5[%get3A_31, %get3A_32] {strides = array<i32>} : memref<64x200xi32, #tpu.memory_space<vmem>>, vector<1x16xi32>,
    %get3A_34 = vector.shape_cast %get3A_33 : vector<1x16xi32> to vector<16xi32>
    %swap3A_35 = arith.constant 48 : index
    %swap3A_36 = tpu.vector_load %arg6[%swap3A_35] {strides = array<i32>} : memref<200xi32, #tpu.memory_space<vmem>>, vector<16xi32>,
    %swap3A_37 = vector.shape_cast %swap3A_36 : vector<16xi32> to vector<16xi32>
    %swap3A_38 = vector.shape_cast %get3A_34 : vector<16xi32> to vector<16xi32>
    tpu.vector_store %arg6[%swap3A_35], %swap3A_38 {strides = array<i32>} : memref<200xi32, #tpu.memory_space<vmem>>, vector<16xi32>,
    %get3A_39 = arith.constant 0 : i32
    %get3A_40 = arith.index_cast %get3A_39 : i32 to index
    %get3A_41 = arith.constant 64 : index
    %get3A_42 = tpu.vector_load %arg5[%get3A_40, %get3A_41] {strides = array<i32>} : memref<64x200xi32, #tpu.memory_space<vmem>>, vector<1x16xi32>,
    %get3A_43 = vector.shape_cast %get3A_42 : vector<1x16xi32> to vector<16xi32>
    %swap3A_44 = arith.constant 64 : index
    %swap3A_45 = tpu.vector_load %arg6[%swap3A_44] {strides = array<i32>} : memref<200xi32, #tpu.memory_space<vmem>>, vector<16xi32>,
    %swap3A_46 = vector.shape_cast %swap3A_45 : vector<16xi32> to vector<16xi32>
    %swap3A_47 = vector.shape_cast %get3A_43 : vector<16xi32> to vector<16xi32>
    tpu.vector_store %arg6[%swap3A_44], %swap3A_47 {strides = array<i32>} : memref<200xi32, #tpu.memory_space<vmem>>, vector<16xi32>,
    %get3A_48 = arith.constant 0 : i32
    %get3A_49 = arith.index_cast %get3A_48 : i32 to index
    %get3A_50 = arith.constant 80 : index
    %get3A_51 = tpu.vector_load %arg5[%get3A_49, %get3A_50] {strides = array<i32>} : memref<64x200xi32, #tpu.memory_space<vmem>>, vector<1x16xi32>,
    %get3A_52 = vector.shape_cast %get3A_51 : vector<1x16xi32> to vector<16xi32>
    %swap3A_53 = arith.constant 80 : index
    %swap3A_54 = tpu.vector_load %arg6[%swap3A_53] {strides = array<i32>} : memref<200xi32, #tpu.memory_space<vmem>>, vector<16xi32>,
    %swap3A_55 = vector.shape_cast %swap3A_54 : vector<16xi32> to vector<16xi32>
    %swap3A_56 = vector.shape_cast %get3A_52 : vector<16xi32> to vector<16xi32>
    tpu.vector_store %arg6[%swap3A_53], %swap3A_56 {strides = array<i32>} : memref<200xi32, #tpu.memory_space<vmem>>, vector<16xi32>,
    %get3A_57 = arith.constant 0 : i32
    %get3A_58 = arith.index_cast %get3A_57 : i32 to index
    %get3A_59 = arith.constant 96 : index
    %get3A_60 = tpu.vector_load %arg5[%get3A_58, %get3A_59] {strides = array<i32>} : memref<64x200xi32, #tpu.memory_space<vmem>>, vector<1x16xi32>,
    %get3A_61 = vector.shape_cast %get3A_60 : vector<1x16xi32> to vector<16xi32>
    %swap3A_62 = arith.constant 96 : index
    %swap3A_63 = tpu.vector_load %arg6[%swap3A_62] {strides = array<i32>} : memref<200xi32, #tpu.memory_space<vmem>>, vector<16xi32>,
    %swap3A_64 = vector.shape_cast %swap3A_63 : vector<16xi32> to vector<16xi32>
    %swap3A_65 = vector.shape_cast %get3A_61 : vector<16xi32> to vector<16xi32>
    tpu.vector_store %arg6[%swap3A_62], %swap3A_65 {strides = array<i32>} : memref<200xi32, #tpu.memory_space<vmem>>, vector<16xi32>,
    %get3A_66 = arith.constant 0 : i32
    %get3A_67 = arith.index_cast %get3A_66 : i32 to index
    %get3A_68 = arith.constant 112 : index
    %get3A_69 = tpu.vector_load %arg5[%get3A_67, %get3A_68] {strides = array<i32>} : memref<64x200xi32, #tpu.memory_space<vmem>>, vector<1x16xi32>,
    %get3A_70 = vector.shape_cast %get3A_69 : vector<1x16xi32> to vector<16xi32>
    %swap3A_71 = arith.constant 112 : index
    %swap3A_72 = tpu.vector_load %arg6[%swap3A_71] {strides = array<i32>} : memref<200xi32, #tpu.memory_space<vmem>>, vector<16xi32>,
    %swap3A_73 = vector.shape_cast %swap3A_72 : vector<16xi32> to vector<16xi32>
    %swap3A_74 = vector.shape_cast %get3A_70 : vector<16xi32> to vector<16xi32>
    tpu.vector_store %arg6[%swap3A_71], %swap3A_74 {strides = array<i32>} : memref<200xi32, #tpu.memory_space<vmem>>, vector<16xi32>,
    %get3A_75 = arith.constant 0 : i32
    %get3A_76 = arith.index_cast %get3A_75 : i32 to index
    %get3A_77 = arith.constant 128 : index
    %get3A_78 = tpu.vector_load %arg5[%get3A_76, %get3A_77] {strides = array<i32>} : memref<64x200xi32, #tpu.memory_space<vmem>>, vector<1x16xi32>,
    %get3A_79 = vector.shape_cast %get3A_78 : vector<1x16xi32> to vector<16xi32>
    %swap3A_80 = arith.constant 128 : index
    %swap3A_81 = tpu.vector_load %arg6[%swap3A_80] {strides = array<i32>} : memref<200xi32, #tpu.memory_space<vmem>>, vector<16xi32>,
    %swap3A_82 = vector.shape_cast %swap3A_81 : vector<16xi32> to vector<16xi32>
    %swap3A_83 = vector.shape_cast %get3A_79 : vector<16xi32> to vector<16xi32>
    tpu.vector_store %arg6[%swap3A_80], %swap3A_83 {strides = array<i32>} : memref<200xi32, #tpu.memory_space<vmem>>, vector<16xi32>,
    %get3A_84 = arith.constant 0 : i32
    %get3A_85 = arith.index_cast %get3A_84 : i32 to index
    %get3A_86 = arith.constant 144 : index
    %get3A_87 = tpu.vector_load %arg5[%get3A_85, %get3A_86] {strides = array<i32>} : memref<64x200xi32, #tpu.memory_space<vmem>>, vector<1x16xi32>,
    %get3A_88 = vector.shape_cast %get3A_87 : vector<1x16xi32> to vector<16xi32>
    %swap3A_89 = arith.constant 144 : index
    %swap3A_90 = tpu.vector_load %arg6[%swap3A_89] {strides = array<i32>} : memref<200xi32, #tpu.memory_space<vmem>>, vector<16xi32>,
    %swap3A_91 = vector.shape_cast %swap3A_90 : vector<16xi32> to vector<16xi32>
    %swap3A_92 = vector.shape_cast %get3A_88 : vector<16xi32> to vector<16xi32>
    tpu.vector_store %arg6[%swap3A_89], %swap3A_92 {strides = array<i32>} : memref<200xi32, #tpu.memory_space<vmem>>, vector<16xi32>,
    %get3A_93 = arith.constant 0 : i32
    %get3A_94 = arith.index_cast %get3A_93 : i32 to index
    %get3A_95 = arith.constant 160 : index
    %get3A_96 = tpu.vector_load %arg5[%get3A_94, %get3A_95] {strides = array<i32>} : memref<64x200xi32, #tpu.memory_space<vmem>>, vector<1x16xi32>,
    %get3A_97 = vector.shape_cast %get3A_96 : vector<1x16xi32> to vector<16xi32>
    %swap3A_98 = arith.constant 160 : index
    %swap3A_99 = tpu.vector_load %arg6[%swap3A_98] {strides = array<i32>} : memref<200xi32, #tpu.memory_space<vmem>>, vector<16xi32>,
    %swap3A_100 = vector.shape_cast %swap3A_99 : vector<16xi32> to vector<16xi32>
    %swap3A_101 = vector.shape_cast %get3A_97 : vector<16xi32> to vector<16xi32>
    tpu.vector_store %arg6[%swap3A_98], %swap3A_101 {strides = array<i32>} : memref<200xi32, #tpu.memory_space<vmem>>, vector<16xi32>,
    %get3A_102 = arith.constant 0 : i32
    %get3A_103 = arith.index_cast %get3A_102 : i32 to index
    %get3A_104 = arith.constant 176 : index
    %get3A_105 = tpu.vector_load %arg5[%get3A_103, %get3A_104] {strides = array<i32>} : memref<64x200xi32, #tpu.memory_space<vmem>>, vector<1x16xi32>,
    %get3A_106 = vector.shape_cast %get3A_105 : vector<1x16xi32> to vector<16xi32>
    %swap3A_107 = arith.constant 176 : index
    %swap3A_108 = tpu.vector_load %arg6[%swap3A_107] {strides = array<i32>} : memref<200xi32, #tpu.memory_space<vmem>>, vector<16xi32>,
    %swap3A_109 = vector.shape_cast %swap3A_108 : vector<16xi32> to vector<16xi32>
    %swap3A_110 = vector.shape_cast %get3A_106 : vector<16xi32> to vector<16xi32>
    tpu.vector_store %arg6[%swap3A_107], %swap3A_110 {strides = array<i32>} : memref<200xi32, #tpu.memory_space<vmem>>, vector<16xi32>,
    %get3A_111 = arith.constant 0 : i32
    %get3A_112 = arith.index_cast %get3A_111 : i32 to index
    %get3A_113 = arith.constant 184 : index
    %get3A_114 = tpu.vector_load %arg5[%get3A_112, %get3A_113] {strides = array<i32>} : memref<64x200xi32, #tpu.memory_space<vmem>>, vector<1x16xi32>,
    %get3A_115 = vector.shape_cast %get3A_114 : vector<1x16xi32> to vector<16xi32>
    %swap3A_116 = arith.constant 184 : index
    %swap3A_117 = tpu.vector_load %arg6[%swap3A_116] {strides = array<i32>} : memref<200xi32, #tpu.memory_space<vmem>>, vector<16xi32>,
    %swap3A_118 = vector.shape_cast %swap3A_117 : vector<16xi32> to vector<16xi32>
    %swap3A_119 = vector.shape_cast %get3A_115 : vector<16xi32> to vector<16xi32>
    tpu.vector_store %arg6[%swap3A_116], %swap3A_119 {strides = array<i32>} : memref<200xi32, #tpu.memory_space<vmem>>, vector<16xi32>,
    %dma_start3A = arith.constant 0 : i32
    %dma_start3A_120 = arith.constant 0 : i32
    %dma_start3A_121 = tpu.memref_slice %arg3[%dma_start3A, %dma_start3A_120] : memref<1000000x128xf32, #tpu.memory_space<hbm>> -> memref<1000000x128xf32, #tpu.memory_space<hbm>>
    tpu.enqueue_indirect_dma source(%dma_start3A_121 : memref<1000000x128xf32, #tpu.memory_space<hbm>>) target(%arg8 : memref<200x128xf32, #tpu.memory_space<vmem>>) offsets(%arg6 : memref<200xi32, #tpu.memory_space<vmem>>) semaphore(%arg12 : memref<!tpu.dma_semaphore, #tpu.memory_space<semaphore_mem>>)
    %dma_wait3A = arith.constant 0 : i32
    %dma_wait3A_122 = arith.constant 0 : i32
    %dma_wait3A_123 = tpu.memref_slice %arg3[%dma_wait3A, %dma_wait3A_122] : memref<1000000x128xf32, #tpu.memory_space<hbm>> -> memref<200x128xf32, #tpu.memory_space<hbm>>
    %dma_wait3A_124 = arith.constant 0 : i32
    %dma_wait3A_125 = arith.constant 0 : i32
    %dma_wait3A_126 = tpu.memref_slice %arg3[%dma_wait3A_124, %dma_wait3A_125] : memref<1000000x128xf32, #tpu.memory_space<hbm>> -> memref<200x128xf32, #tpu.memory_space<hbm>>
    tpu.wait_dma2 semaphore(%arg12 : memref<!tpu.dma_semaphore, #tpu.memory_space<semaphore_mem>>) src(%dma_wait3A_126 : memref<200x128xf32, #tpu.memory_space<hbm>>) dst(%arg8 : memref<200x128xf32, #tpu.memory_space<vmem>>)
    %get3A_127 = arith.constant 1 : i32
    %get3A_128 = arith.index_cast %get3A_127 : i32 to index
    %get3A_129 = arith.constant 0 : index
    %get3A_130 = tpu.vector_load %arg5[%get3A_128, %get3A_129] {strides = array<i32>} : memref<64x200xi32, #tpu.memory_space<vmem>>, vector<1x16xi32>,
    %get3A_131 = vector.shape_cast %get3A_130 : vector<1x16xi32> to vector<16xi32>
    %swap3A_132 = arith.constant 0 : index
    %swap3A_133 = tpu.vector_load %arg7[%swap3A_132] {strides = array<i32>} : memref<200xi32, #tpu.memory_space<vmem>>, vector<16xi32>,
    %swap3A_134 = vector.shape_cast %swap3A_133 : vector<16xi32> to vector<16xi32>
    %swap3A_135 = vector.shape_cast %get3A_131 : vector<16xi32> to vector<16xi32>
    tpu.vector_store %arg7[%swap3A_132], %swap3A_135 {strides = array<i32>} : memref<200xi32, #tpu.memory_space<vmem>>, vector<16xi32>,
    %get3A_136 = arith.constant 1 : i32
    %get3A_137 = arith.index_cast %get3A_136 : i32 to index
    %get3A_138 = arith.constant 16 : index
    %get3A_139 = tpu.vector_load %arg5[%get3A_137, %get3A_138] {strides = array<i32>} : memref<64x200xi32, #tpu.memory_space<vmem>>, vector<1x16xi32>,
    %get3A_140 = vector.shape_cast %get3A_139 : vector<1x16xi32> to vector<16xi32>
    %swap3A_141 = arith.constant 16 : index
    %swap3A_142 = tpu.vector_load %arg7[%swap3A_141] {strides = array<i32>} : memref<200xi32, #tpu.memory_space<vmem>>, vector<16xi32>,
    %swap3A_143 = vector.shape_cast %swap3A_142 : vector<16xi32> to vector<16xi32>
    %swap3A_144 = vector.shape_cast %get3A_140 : vector<16xi32> to vector<16xi32>
    tpu.vector_store %arg7[%swap3A_141], %swap3A_144 {strides = array<i32>} : memref<200xi32, #tpu.memory_space<vmem>>, vector<16xi32>,
    %get3A_145 = arith.constant 1 : i32
    %get3A_146 = arith.index_cast %get3A_145 : i32 to index
    %get3A_147 = arith.constant 32 : index
    %get3A_148 = tpu.vector_load %arg5[%get3A_146, %get3A_147] {strides = array<i32>} : memref<64x200xi32, #tpu.memory_space<vmem>>, vector<1x16xi32>,
    %get3A_149 = vector.shape_cast %get3A_148 : vector<1x16xi32> to vector<16xi32>
    %swap3A_150 = arith.constant 32 : index
    %swap3A_151 = tpu.vector_load %arg7[%swap3A_150] {strides = array<i32>} : memref<200xi32, #tpu.memory_space<vmem>>, vector<16xi32>,
    %swap3A_152 = vector.shape_cast %swap3A_151 : vector<16xi32> to vector<16xi32>
    %swap3A_153 = vector.shape_cast %get3A_149 : vector<16xi32> to vector<16xi32>
    tpu.vector_store %arg7[%swap3A_150], %swap3A_153 {strides = array<i32>} : memref<200xi32, #tpu.memory_space<vmem>>, vector<16xi32>,
    %get3A_154 = arith.constant 1 : i32
    %get3A_155 = arith.index_cast %get3A_154 : i32 to index
    %get3A_156 = arith.constant 48 : index
    %get3A_157 = tpu.vector_load %arg5[%get3A_155, %get3A_156] {strides = array<i32>} : memref<64x200xi32, #tpu.memory_space<vmem>>, vector<1x16xi32>,
    %get3A_158 = vector.shape_cast %get3A_157 : vector<1x16xi32> to vector<16xi32>
    %swap3A_159 = arith.constant 48 : index
    %swap3A_160 = tpu.vector_load %arg7[%swap3A_159] {strides = array<i32>} : memref<200xi32, #tpu.memory_space<vmem>>, vector<16xi32>,
    %swap3A_161 = vector.shape_cast %swap3A_160 : vector<16xi32> to vector<16xi32>
    %swap3A_162 = vector.shape_cast %get3A_158 : vector<16xi32> to vector<16xi32>
    tpu.vector_store %arg7[%swap3A_159], %swap3A_162 {strides = array<i32>} : memref<200xi32, #tpu.memory_space<vmem>>, vector<16xi32>,
    %get3A_163 = arith.constant 1 : i32
    %get3A_164 = arith.index_cast %get3A_163 : i32 to index
    %get3A_165 = arith.constant 64 : index
    %get3A_166 = tpu.vector_load %arg5[%get3A_164, %get3A_165] {strides = array<i32>} : memref<64x200xi32, #tpu.memory_space<vmem>>, vector<1x16xi32>,
    %get3A_167 = vector.shape_cast %get3A_166 : vector<1x16xi32> to vector<16xi32>
    %swap3A_168 = arith.constant 64 : index
    %swap3A_169 = tpu.vector_load %arg7[%swap3A_168] {strides = array<i32>} : memref<200xi32, #tpu.memory_space<vmem>>, vector<16xi32>,
    %swap3A_170 = vector.shape_cast %swap3A_169 : vector<16xi32> to vector<16xi32>
    %swap3A_171 = vector.shape_cast %get3A_167 : vector<16xi32> to vector<16xi32>
    tpu.vector_store %arg7[%swap3A_168], %swap3A_171 {strides = array<i32>} : memref<200xi32, #tpu.memory_space<vmem>>, vector<16xi32>,
    %get3A_172 = arith.constant 1 : i32
    %get3A_173 = arith.index_cast %get3A_172 : i32 to index
    %get3A_174 = arith.constant 80 : index
    %get3A_175 = tpu.vector_load %arg5[%get3A_173, %get3A_174] {strides = array<i32>} : memref<64x200xi32, #tpu.memory_space<vmem>>, vector<1x16xi32>,
    %get3A_176 = vector.shape_cast %get3A_175 : vector<1x16xi32> to vector<16xi32>
    %swap3A_177 = arith.constant 80 : index
    %swap3A_178 = tpu.vector_load %arg7[%swap3A_177] {strides = array<i32>} : memref<200xi32, #tpu.memory_space<vmem>>, vector<16xi32>,
    %swap3A_179 = vector.shape_cast %swap3A_178 : vector<16xi32> to vector<16xi32>
    %swap3A_180 = vector.shape_cast %get3A_176 : vector<16xi32> to vector<16xi32>
    tpu.vector_store %arg7[%swap3A_177], %swap3A_180 {strides = array<i32>} : memref<200xi32, #tpu.memory_space<vmem>>, vector<16xi32>,
    %get3A_181 = arith.constant 1 : i32
    %get3A_182 = arith.index_cast %get3A_181 : i32 to index
    %get3A_183 = arith.constant 96 : index
    %get3A_184 = tpu.vector_load %arg5[%get3A_182, %get3A_183] {strides = array<i32>} : memref<64x200xi32, #tpu.memory_space<vmem>>, vector<1x16xi32>,
    %get3A_185 = vector.shape_cast %get3A_184 : vector<1x16xi32> to vector<16xi32>
    %swap3A_186 = arith.constant 96 : index
    %swap3A_187 = tpu.vector_load %arg7[%swap3A_186] {strides = array<i32>} : memref<200xi32, #tpu.memory_space<vmem>>, vector<16xi32>,
    %swap3A_188 = vector.shape_cast %swap3A_187 : vector<16xi32> to vector<16xi32>
    %swap3A_189 = vector.shape_cast %get3A_185 : vector<16xi32> to vector<16xi32>
    tpu.vector_store %arg7[%swap3A_186], %swap3A_189 {strides = array<i32>} : memref<200xi32, #tpu.memory_space<vmem>>, vector<16xi32>,
    %get3A_190 = arith.constant 1 : i32
    %get3A_191 = arith.index_cast %get3A_190 : i32 to index
    %get3A_192 = arith.constant 112 : index
    %get3A_193 = tpu.vector_load %arg5[%get3A_191, %get3A_192] {strides = array<i32>} : memref<64x200xi32, #tpu.memory_space<vmem>>, vector<1x16xi32>,
    %get3A_194 = vector.shape_cast %get3A_193 : vector<1x16xi32> to vector<16xi32>
    %swap3A_195 = arith.constant 112 : index
    %swap3A_196 = tpu.vector_load %arg7[%swap3A_195] {strides = array<i32>} : memref<200xi32, #tpu.memory_space<vmem>>, vector<16xi32>,
    %swap3A_197 = vector.shape_cast %swap3A_196 : vector<16xi32> to vector<16xi32>
    %swap3A_198 = vector.shape_cast %get3A_194 : vector<16xi32> to vector<16xi32>
    tpu.vector_store %arg7[%swap3A_195], %swap3A_198 {strides = array<i32>} : memref<200xi32, #tpu.memory_space<vmem>>, vector<16xi32>,
    %get3A_199 = arith.constant 1 : i32
    %get3A_200 = arith.index_cast %get3A_199 : i32 to index
    %get3A_201 = arith.constant 128 : index
    %get3A_202 = tpu.vector_load %arg5[%get3A_200, %get3A_201] {strides = array<i32>} : memref<64x200xi32, #tpu.memory_space<vmem>>, vector<1x16xi32>,
    %get3A_203 = vector.shape_cast %get3A_202 : vector<1x16xi32> to vector<16xi32>
    %swap3A_204 = arith.constant 128 : index
    %swap3A_205 = tpu.vector_load %arg7[%swap3A_204] {strides = array<i32>} : memref<200xi32, #tpu.memory_space<vmem>>, vector<16xi32>,
    %swap3A_206 = vector.shape_cast %swap3A_205 : vector<16xi32> to vector<16xi32>
    %swap3A_207 = vector.shape_cast %get3A_203 : vector<16xi32> to vector<16xi32>
    tpu.vector_store %arg7[%swap3A_204], %swap3A_207 {strides = array<i32>} : memref<200xi32, #tpu.memory_space<vmem>>, vector<16xi32>,
    %get3A_208 = arith.constant 1 : i32
    %get3A_209 = arith.index_cast %get3A_208 : i32 to index
    %get3A_210 = arith.constant 144 : index
    %get3A_211 = tpu.vector_load %arg5[%get3A_209, %get3A_210] {strides = array<i32>} : memref<64x200xi32, #tpu.memory_space<vmem>>, vector<1x16xi32>,
    %get3A_212 = vector.shape_cast %get3A_211 : vector<1x16xi32> to vector<16xi32>
    %swap3A_213 = arith.constant 144 : index
    %swap3A_214 = tpu.vector_load %arg7[%swap3A_213] {strides = array<i32>} : memref<200xi32, #tpu.memory_space<vmem>>, vector<16xi32>,
    %swap3A_215 = vector.shape_cast %swap3A_214 : vector<16xi32> to vector<16xi32>
    %swap3A_216 = vector.shape_cast %get3A_212 : vector<16xi32> to vector<16xi32>
    tpu.vector_store %arg7[%swap3A_213], %swap3A_216 {strides = array<i32>} : memref<200xi32, #tpu.memory_space<vmem>>, vector<16xi32>,
    %get3A_217 = arith.constant 1 : i32
    %get3A_218 = arith.index_cast %get3A_217 : i32 to index
    %get3A_219 = arith.constant 160 : index
    %get3A_220 = tpu.vector_load %arg5[%get3A_218, %get3A_219] {strides = array<i32>} : memref<64x200xi32, #tpu.memory_space<vmem>>, vector<1x16xi32>,
    %get3A_221 = vector.shape_cast %get3A_220 : vector<1x16xi32> to vector<16xi32>
    %swap3A_222 = arith.constant 160 : index
    %swap3A_223 = tpu.vector_load %arg7[%swap3A_222] {strides = array<i32>} : memref<200xi32, #tpu.memory_space<vmem>>, vector<16xi32>,
    %swap3A_224 = vector.shape_cast %swap3A_223 : vector<16xi32> to vector<16xi32>
    %swap3A_225 = vector.shape_cast %get3A_221 : vector<16xi32> to vector<16xi32>
    tpu.vector_store %arg7[%swap3A_222], %swap3A_225 {strides = array<i32>} : memref<200xi32, #tpu.memory_space<vmem>>, vector<16xi32>,
    %get3A_226 = arith.constant 1 : i32
    %get3A_227 = arith.index_cast %get3A_226 : i32 to index
    %get3A_228 = arith.constant 176 : index
    %get3A_229 = tpu.vector_load %arg5[%get3A_227, %get3A_228] {strides = array<i32>} : memref<64x200xi32, #tpu.memory_space<vmem>>, vector<1x16xi32>,
    %get3A_230 = vector.shape_cast %get3A_229 : vector<1x16xi32> to vector<16xi32>
    %swap3A_231 = arith.constant 176 : index
    %swap3A_232 = tpu.vector_load %arg7[%swap3A_231] {strides = array<i32>} : memref<200xi32, #tpu.memory_space<vmem>>, vector<16xi32>,
    %swap3A_233 = vector.shape_cast %swap3A_232 : vector<16xi32> to vector<16xi32>
    %swap3A_234 = vector.shape_cast %get3A_230 : vector<16xi32> to vector<16xi32>
    tpu.vector_store %arg7[%swap3A_231], %swap3A_234 {strides = array<i32>} : memref<200xi32, #tpu.memory_space<vmem>>, vector<16xi32>,
    %get3A_235 = arith.constant 1 : i32
    %get3A_236 = arith.index_cast %get3A_235 : i32 to index
    %get3A_237 = arith.constant 184 : index
    %get3A_238 = tpu.vector_load %arg5[%get3A_236, %get3A_237] {strides = array<i32>} : memref<64x200xi32, #tpu.memory_space<vmem>>, vector<1x16xi32>,
    %get3A_239 = vector.shape_cast %get3A_238 : vector<1x16xi32> to vector<16xi32>
    %swap3A_240 = arith.constant 184 : index
    %swap3A_241 = tpu.vector_load %arg7[%swap3A_240] {strides = array<i32>} : memref<200xi32, #tpu.memory_space<vmem>>, vector<16xi32>,
    %swap3A_242 = vector.shape_cast %swap3A_241 : vector<16xi32> to vector<16xi32>
    %swap3A_243 = vector.shape_cast %get3A_239 : vector<16xi32> to vector<16xi32>
    tpu.vector_store %arg7[%swap3A_240], %swap3A_243 {strides = array<i32>} : memref<200xi32, #tpu.memory_space<vmem>>, vector<16xi32>,
    %dma_start3A_244 = arith.constant 0 : i32
    %dma_start3A_245 = arith.constant 0 : i32
    %dma_start3A_246 = tpu.memref_slice %arg3[%dma_start3A_244, %dma_start3A_245] : memref<1000000x128xf32, #tpu.memory_space<hbm>> -> memref<1000000x128xf32, #tpu.memory_space<hbm>>
    tpu.enqueue_indirect_dma source(%dma_start3A_246 : memref<1000000x128xf32, #tpu.memory_space<hbm>>) target(%arg9 : memref<200x128xf32, #tpu.memory_space<vmem>>) offsets(%arg7 : memref<200xi32, #tpu.memory_space<vmem>>) semaphore(%arg13 : memref<!tpu.dma_semaphore, #tpu.memory_space<semaphore_mem>>)
    %scan3A = arith.constant 0 : i32
    %scan3A_247 = arith.constant 200 : i32
    %scan3A_248 = arith.addi %scan3A, %scan3A_247 : i32
    %scan3A_249 = arith.constant 1 : i32
    scf.for %scan3A_608 = %scan3A to %scan3A_248 step %scan3A_249  : i32 {
      %mul3A_609 = arith.constant 1 : i32
      %mul3A_610 = arith.muli %scan3A_608, %mul3A_609 : i32
      %add3A_611 = arith.constant 0 : i32
      %add3A_612 = arith.addi %add3A_611, %mul3A_610 : i32
      %get3A_613 = arith.index_cast %add3A_612 : i32 to index
      %get3A_614 = arith.constant 0 : index
      %get3A_615 = tpu.vector_load %arg8[%get3A_613, %get3A_614] {strides = array<i32>} : memref<200x128xf32, #tpu.memory_space<vmem>>, vector<1x16xf32>,
      %get3A_616 = vector.shape_cast %get3A_615 : vector<1x16xf32> to vector<16xf32>
      %swap3A_617 = arith.index_cast %add3A_612 : i32 to index
      %swap3A_618 = arith.constant 0 : index
      %swap3A_619 = tpu.vector_load %arg10[%swap3A_617, %swap3A_618] {strides = array<i32>} : memref<200x64xf32, #tpu.memory_space<vmem>>, vector<1x16xf32>,
      %swap3A_620 = vector.shape_cast %swap3A_619 : vector<1x16xf32> to vector<16xf32>
      %swap3A_621 = vector.shape_cast %get3A_616 : vector<16xf32> to vector<1x16xf32>
      tpu.vector_store %arg10[%swap3A_617, %swap3A_618], %swap3A_621 {strides = array<i32>} : memref<200x64xf32, #tpu.memory_space<vmem>>, vector<1x16xf32>,
      %get3A_622 = arith.index_cast %add3A_612 : i32 to index
      %get3A_623 = arith.constant 16 : index
      %get3A_624 = tpu.vector_load %arg8[%get3A_622, %get3A_623] {strides = array<i32>} : memref<200x128xf32, #tpu.memory_space<vmem>>, vector<1x16xf32>,
      %get3A_625 = vector.shape_cast %get3A_624 : vector<1x16xf32> to vector<16xf32>
      %swap3A_626 = arith.index_cast %add3A_612 : i32 to index
      %swap3A_627 = arith.constant 16 : index
      %swap3A_628 = tpu.vector_load %arg10[%swap3A_626, %swap3A_627] {strides = array<i32>} : memref<200x64xf32, #tpu.memory_space<vmem>>, vector<1x16xf32>,
      %swap3A_629 = vector.shape_cast %swap3A_628 : vector<1x16xf32> to vector<16xf32>
      %swap3A_630 = vector.shape_cast %get3A_625 : vector<16xf32> to vector<1x16xf32>
      tpu.vector_store %arg10[%swap3A_626, %swap3A_627], %swap3A_630 {strides = array<i32>} : memref<200x64xf32, #tpu.memory_space<vmem>>, vector<1x16xf32>,
      %get3A_631 = arith.index_cast %add3A_612 : i32 to index
      %get3A_632 = arith.constant 32 : index
      %get3A_633 = tpu.vector_load %arg8[%get3A_631, %get3A_632] {strides = array<i32>} : memref<200x128xf32, #tpu.memory_space<vmem>>, vector<1x16xf32>,
      %get3A_634 = vector.shape_cast %get3A_633 : vector<1x16xf32> to vector<16xf32>
      %swap3A_635 = arith.index_cast %add3A_612 : i32 to index
      %swap3A_636 = arith.constant 32 : index
      %swap3A_637 = tpu.vector_load %arg10[%swap3A_635, %swap3A_636] {strides = array<i32>} : memref<200x64xf32, #tpu.memory_space<vmem>>, vector<1x16xf32>,
      %swap3A_638 = vector.shape_cast %swap3A_637 : vector<1x16xf32> to vector<16xf32>
      %swap3A_639 = vector.shape_cast %get3A_634 : vector<16xf32> to vector<1x16xf32>
      tpu.vector_store %arg10[%swap3A_635, %swap3A_636], %swap3A_639 {strides = array<i32>} : memref<200x64xf32, #tpu.memory_space<vmem>>, vector<1x16xf32>,
      %get3A_640 = arith.index_cast %add3A_612 : i32 to index
      %get3A_641 = arith.constant 48 : index
      %get3A_642 = tpu.vector_load %arg8[%get3A_640, %get3A_641] {strides = array<i32>} : memref<200x128xf32, #tpu.memory_space<vmem>>, vector<1x16xf32>,
      %get3A_643 = vector.shape_cast %get3A_642 : vector<1x16xf32> to vector<16xf32>
      %swap3A_644 = arith.index_cast %add3A_612 : i32 to index
      %swap3A_645 = arith.constant 48 : index
      %swap3A_646 = tpu.vector_load %arg10[%swap3A_644, %swap3A_645] {strides = array<i32>} : memref<200x64xf32, #tpu.memory_space<vmem>>, vector<1x16xf32>,
      %swap3A_647 = vector.shape_cast %swap3A_646 : vector<1x16xf32> to vector<16xf32>
      %swap3A_648 = vector.shape_cast %get3A_643 : vector<16xf32> to vector<1x16xf32>
      tpu.vector_store %arg10[%swap3A_644, %swap3A_645], %swap3A_648 {strides = array<i32>} : memref<200x64xf32, #tpu.memory_space<vmem>>, vector<1x16xf32>,
    }
    %scan3A_250 = arith.constant 200 : i32
    %add3A_251 = arith.constant 0 : i32
    %add3A_252 = arith.addi %mul3A_2, %add3A_251 : i32
    %dma_start3A_253 = arith.constant 0 : i32
    %dma_start3A_254 = arith.constant 0 : i32
    %dma_start3A_255 = tpu.memref_slice %arg4[%add3A_252, %dma_start3A_253, %dma_start3A_254] : memref<4096x200x64xf32, #tpu.memory_space<hbm>> -> memref<1x200x64xf32, #tpu.memory_space<hbm>>
    %dma_start3A_256 = tpu.memref_squeeze %dma_start3A_255 : memref<1x200x64xf32, #tpu.memory_space<hbm>> -> memref<200x64xf32, #tpu.memory_space<hbm>>
    %dma_start3A_257 = arith.constant 0 : i32
    %dma_start3A_258 = arith.constant 0 : i32
    %dma_start3A_259 = tpu.memref_slice %arg4[%add3A_252, %dma_start3A_257, %dma_start3A_258] : memref<4096x200x64xf32, #tpu.memory_space<hbm>> -> memref<1x200x64xf32, #tpu.memory_space<hbm>>
    %dma_start3A_260 = tpu.memref_squeeze %dma_start3A_259 : memref<1x200x64xf32, #tpu.memory_space<hbm>> -> memref<200x64xf32, #tpu.memory_space<hbm>>
    tpu.enqueue_dma source(%arg10 : memref<200x64xf32, #tpu.memory_space<vmem>>) target(%dma_start3A_260 : memref<200x64xf32, #tpu.memory_space<hbm>>) target_semaphore(%arg14 : memref<!tpu.dma_semaphore, #tpu.memory_space<semaphore_mem>>)
    %scan3A_261 = arith.constant 0 : i32
    %scan3A_262 = arith.constant 31 : i32
    %scan3A_263 = arith.addi %scan3A_261, %scan3A_262 : i32
    %scan3A_264 = arith.constant 1 : i32
    scf.for %scan3A_608 = %scan3A_261 to %scan3A_263 step %scan3A_264  : i32 {
      %mul3A_609 = arith.constant 1 : i32
      %mul3A_610 = arith.muli %scan3A_608, %mul3A_609 : i32
      %add3A_611 = arith.constant 0 : i32
      %add3A_612 = arith.addi %add3A_611, %mul3A_610 : i32
      %mul3A_613 = arith.constant 2 : i32
      %mul3A_614 = arith.muli %mul3A_613, %add3A_612 : i32
      %add3A_615 = arith.constant 1 : i32
      %add3A_616 = arith.addi %add3A_615, %mul3A_614 : i32
      %dma_wait3A_617 = arith.constant 0 : i32
      %dma_wait3A_618 = arith.constant 0 : i32
      %dma_wait3A_619 = tpu.memref_slice %arg3[%dma_wait3A_617, %dma_wait3A_618] : memref<1000000x128xf32, #tpu.memory_space<hbm>> -> memref<200x128xf32, #tpu.memory_space<hbm>>
      %dma_wait3A_620 = arith.constant 0 : i32
      %dma_wait3A_621 = arith.constant 0 : i32
      %dma_wait3A_622 = tpu.memref_slice %arg3[%dma_wait3A_620, %dma_wait3A_621] : memref<1000000x128xf32, #tpu.memory_space<hbm>> -> memref<200x128xf32, #tpu.memory_space<hbm>>
      tpu.wait_dma2 semaphore(%arg13 : memref<!tpu.dma_semaphore, #tpu.memory_space<semaphore_mem>>) src(%dma_wait3A_622 : memref<200x128xf32, #tpu.memory_space<hbm>>) dst(%arg9 : memref<200x128xf32, #tpu.memory_space<vmem>>)
      %dma_wait3A_623 = arith.constant 0 : i32
      %dma_wait3A_624 = arith.constant 0 : i32
      %dma_wait3A_625 = tpu.memref_slice %arg4[%mul3A_2, %dma_wait3A_623, %dma_wait3A_624] : memref<4096x200x64xf32, #tpu.memory_space<hbm>> -> memref<1x200x64xf32, #tpu.memory_space<hbm>>
      %dma_wait3A_626 = tpu.memref_squeeze %dma_wait3A_625 : memref<1x200x64xf32, #tpu.memory_space<hbm>> -> memref<200x64xf32, #tpu.memory_space<hbm>>
      %dma_wait3A_627 = arith.constant 0 : i32
      %dma_wait3A_628 = arith.constant 0 : i32
      %dma_wait3A_629 = tpu.memref_slice %arg4[%mul3A_2, %dma_wait3A_627, %dma_wait3A_628] : memref<4096x200x64xf32, #tpu.memory_space<hbm>> -> memref<1x200x64xf32, #tpu.memory_space<hbm>>
      %dma_wait3A_630 = tpu.memref_squeeze %dma_wait3A_629 : memref<1x200x64xf32, #tpu.memory_space<hbm>> -> memref<200x64xf32, #tpu.memory_space<hbm>>
      tpu.wait_dma2 semaphore(%arg14 : memref<!tpu.dma_semaphore, #tpu.memory_space<semaphore_mem>>) src(%arg10 : memref<200x64xf32, #tpu.memory_space<vmem>>) dst(%dma_wait3A_630 : memref<200x64xf32, #tpu.memory_space<hbm>>)
      %add3A_631 = arith.constant 1 : i32
      %add3A_632 = arith.addi %add3A_616, %add3A_631 : i32
      %jit3A = arith.constant 64 : i32
      %eq3A = arith.constant 0 : i32
      %eq3A_633 = arith.cmpi eq, %jit3A, %eq3A : i32
      %jit3A_634 = arith.constant 1 : i32
      %select_n3A = arith.select %eq3A_633, %jit3A_634, %jit3A : i32
      %rem3A = arith.remsi %add3A_632, %select_n3A : i32
      %ne3A = arith.constant 0 : i32
      %ne3A_635 = arith.cmpi ne, %rem3A, %ne3A : i32
      %lt3A = arith.constant 0 : i32
      %lt3A_636 = arith.cmpi slt, %rem3A, %lt3A : i32
      %lt3A_637 = arith.constant 0 : i32
      %lt3A_638 = arith.cmpi slt, %select_n3A, %lt3A_637 : i32
      %ne3A_639 = arith.xori %lt3A_636, %lt3A_638 : i1
      %and3A = arith.andi %ne3A_639, %ne3A_635 : i1
      %add3A_640 = arith.addi %rem3A, %select_n3A : i32
      %select_n3A_641 = arith.select %and3A, %add3A_640, %rem3A : i32
      %get3A_642 = arith.index_cast %select_n3A_641 : i32 to index
      %get3A_643 = arith.constant 0 : index
      %get3A_644 = tpu.vector_load %arg5[%get3A_642, %get3A_643] {strides = array<i32>} : memref<64x200xi32, #tpu.memory_space<vmem>>, vector<1x16xi32>,
      %get3A_645 = vector.shape_cast %get3A_644 : vector<1x16xi32> to vector<16xi32>
      %swap3A_646 = arith.constant 0 : index
      %swap3A_647 = tpu.vector_load %arg6[%swap3A_646] {strides = array<i32>} : memref<200xi32, #tpu.memory_space<vmem>>, vector<16xi32>,
      %swap3A_648 = vector.shape_cast %swap3A_647 : vector<16xi32> to vector<16xi32>
      %swap3A_649 = vector.shape_cast %get3A_645 : vector<16xi32> to vector<16xi32>
      tpu.vector_store %arg6[%swap3A_646], %swap3A_649 {strides = array<i32>} : memref<200xi32, #tpu.memory_space<vmem>>, vector<16xi32>,
      %jit3A_650 = arith.constant 64 : i32
      %eq3A_651 = arith.constant 0 : i32
      %eq3A_652 = arith.cmpi eq, %jit3A_650, %eq3A_651 : i32
      %jit3A_653 = arith.constant 1 : i32
      %select_n3A_654 = arith.select %eq3A_652, %jit3A_653, %jit3A_650 : i32
      %rem3A_655 = arith.remsi %add3A_632, %select_n3A_654 : i32
      %ne3A_656 = arith.constant 0 : i32
      %ne3A_657 = arith.cmpi ne, %rem3A_655, %ne3A_656 : i32
      %lt3A_658 = arith.constant 0 : i32
      %lt3A_659 = arith.cmpi slt, %rem3A_655, %lt3A_658 : i32
      %lt3A_660 = arith.constant 0 : i32
      %lt3A_661 = arith.cmpi slt, %select_n3A_654, %lt3A_660 : i32
      %ne3A_662 = arith.xori %lt3A_659, %lt3A_661 : i1
      %and3A_663 = arith.andi %ne3A_662, %ne3A_657 : i1
      %add3A_664 = arith.addi %rem3A_655, %select_n3A_654 : i32
      %select_n3A_665 = arith.select %and3A_663, %add3A_664, %rem3A_655 : i32
      %get3A_666 = arith.index_cast %select_n3A_665 : i32 to index
      %get3A_667 = arith.constant 16 : index
      %get3A_668 = tpu.vector_load %arg5[%get3A_666, %get3A_667] {strides = array<i32>} : memref<64x200xi32, #tpu.memory_space<vmem>>, vector<1x16xi32>,
      %get3A_669 = vector.shape_cast %get3A_668 : vector<1x16xi32> to vector<16xi32>
      %swap3A_670 = arith.constant 16 : index
      %swap3A_671 = tpu.vector_load %arg6[%swap3A_670] {strides = array<i32>} : memref<200xi32, #tpu.memory_space<vmem>>, vector<16xi32>,
      %swap3A_672 = vector.shape_cast %swap3A_671 : vector<16xi32> to vector<16xi32>
      %swap3A_673 = vector.shape_cast %get3A_669 : vector<16xi32> to vector<16xi32>
      tpu.vector_store %arg6[%swap3A_670], %swap3A_673 {strides = array<i32>} : memref<200xi32, #tpu.memory_space<vmem>>, vector<16xi32>,
      %jit3A_674 = arith.constant 64 : i32
      %eq3A_675 = arith.constant 0 : i32
      %eq3A_676 = arith.cmpi eq, %jit3A_674, %eq3A_675 : i32
      %jit3A_677 = arith.constant 1 : i32
      %select_n3A_678 = arith.select %eq3A_676, %jit3A_677, %jit3A_674 : i32
      %rem3A_679 = arith.remsi %add3A_632, %select_n3A_678 : i32
      %ne3A_680 = arith.constant 0 : i32
      %ne3A_681 = arith.cmpi ne, %rem3A_679, %ne3A_680 : i32
      %lt3A_682 = arith.constant 0 : i32
      %lt3A_683 = arith.cmpi slt, %rem3A_679, %lt3A_682 : i32
      %lt3A_684 = arith.constant 0 : i32
      %lt3A_685 = arith.cmpi slt, %select_n3A_678, %lt3A_684 : i32
      %ne3A_686 = arith.xori %lt3A_683, %lt3A_685 : i1
      %and3A_687 = arith.andi %ne3A_686, %ne3A_681 : i1
      %add3A_688 = arith.addi %rem3A_679, %select_n3A_678 : i32
      %select_n3A_689 = arith.select %and3A_687, %add3A_688, %rem3A_679 : i32
      %get3A_690 = arith.index_cast %select_n3A_689 : i32 to index
      %get3A_691 = arith.constant 32 : index
      %get3A_692 = tpu.vector_load %arg5[%get3A_690, %get3A_691] {strides = array<i32>} : memref<64x200xi32, #tpu.memory_space<vmem>>, vector<1x16xi32>,
      %get3A_693 = vector.shape_cast %get3A_692 : vector<1x16xi32> to vector<16xi32>
      %swap3A_694 = arith.constant 32 : index
      %swap3A_695 = tpu.vector_load %arg6[%swap3A_694] {strides = array<i32>} : memref<200xi32, #tpu.memory_space<vmem>>, vector<16xi32>,
      %swap3A_696 = vector.shape_cast %swap3A_695 : vector<16xi32> to vector<16xi32>
      %swap3A_697 = vector.shape_cast %get3A_693 : vector<16xi32> to vector<16xi32>
      tpu.vector_store %arg6[%swap3A_694], %swap3A_697 {strides = array<i32>} : memref<200xi32, #tpu.memory_space<vmem>>, vector<16xi32>,
      %jit3A_698 = arith.constant 64 : i32
      %eq3A_699 = arith.constant 0 : i32
      %eq3A_700 = arith.cmpi eq, %jit3A_698, %eq3A_699 : i32
      %jit3A_701 = arith.constant 1 : i32
      %select_n3A_702 = arith.select %eq3A_700, %jit3A_701, %jit3A_698 : i32
      %rem3A_703 = arith.remsi %add3A_632, %select_n3A_702 : i32
      %ne3A_704 = arith.constant 0 : i32
      %ne3A_705 = arith.cmpi ne, %rem3A_703, %ne3A_704 : i32
      %lt3A_706 = arith.constant 0 : i32
      %lt3A_707 = arith.cmpi slt, %rem3A_703, %lt3A_706 : i32
      %lt3A_708 = arith.constant 0 : i32
      %lt3A_709 = arith.cmpi slt, %select_n3A_702, %lt3A_708 : i32
      %ne3A_710 = arith.xori %lt3A_707, %lt3A_709 : i1
      %and3A_711 = arith.andi %ne3A_710, %ne3A_705 : i1
      %add3A_712 = arith.addi %rem3A_703, %select_n3A_702 : i32
      %select_n3A_713 = arith.select %and3A_711, %add3A_712, %rem3A_703 : i32
      %get3A_714 = arith.index_cast %select_n3A_713 : i32 to index
      %get3A_715 = arith.constant 48 : index
      %get3A_716 = tpu.vector_load %arg5[%get3A_714, %get3A_715] {strides = array<i32>} : memref<64x200xi32, #tpu.memory_space<vmem>>, vector<1x16xi32>,
      %get3A_717 = vector.shape_cast %get3A_716 : vector<1x16xi32> to vector<16xi32>
      %swap3A_718 = arith.constant 48 : index
      %swap3A_719 = tpu.vector_load %arg6[%swap3A_718] {strides = array<i32>} : memref<200xi32, #tpu.memory_space<vmem>>, vector<16xi32>,
      %swap3A_720 = vector.shape_cast %swap3A_719 : vector<16xi32> to vector<16xi32>
      %swap3A_721 = vector.shape_cast %get3A_717 : vector<16xi32> to vector<16xi32>
      tpu.vector_store %arg6[%swap3A_718], %swap3A_721 {strides = array<i32>} : memref<200xi32, #tpu.memory_space<vmem>>, vector<16xi32>,
      %jit3A_722 = arith.constant 64 : i32
      %eq3A_723 = arith.constant 0 : i32
      %eq3A_724 = arith.cmpi eq, %jit3A_722, %eq3A_723 : i32
      %jit3A_725 = arith.constant 1 : i32
      %select_n3A_726 = arith.select %eq3A_724, %jit3A_725, %jit3A_722 : i32
      %rem3A_727 = arith.remsi %add3A_632, %select_n3A_726 : i32
      %ne3A_728 = arith.constant 0 : i32
      %ne3A_729 = arith.cmpi ne, %rem3A_727, %ne3A_728 : i32
      %lt3A_730 = arith.constant 0 : i32
      %lt3A_731 = arith.cmpi slt, %rem3A_727, %lt3A_730 : i32
      %lt3A_732 = arith.constant 0 : i32
      %lt3A_733 = arith.cmpi slt, %select_n3A_726, %lt3A_732 : i32
      %ne3A_734 = arith.xori %lt3A_731, %lt3A_733 : i1
      %and3A_735 = arith.andi %ne3A_734, %ne3A_729 : i1
      %add3A_736 = arith.addi %rem3A_727, %select_n3A_726 : i32
      %select_n3A_737 = arith.select %and3A_735, %add3A_736, %rem3A_727 : i32
      %get3A_738 = arith.index_cast %select_n3A_737 : i32 to index
      %get3A_739 = arith.constant 64 : index
      %get3A_740 = tpu.vector_load %arg5[%get3A_738, %get3A_739] {strides = array<i32>} : memref<64x200xi32, #tpu.memory_space<vmem>>, vector<1x16xi32>,
      %get3A_741 = vector.shape_cast %get3A_740 : vector<1x16xi32> to vector<16xi32>
      %swap3A_742 = arith.constant 64 : index
      %swap3A_743 = tpu.vector_load %arg6[%swap3A_742] {strides = array<i32>} : memref<200xi32, #tpu.memory_space<vmem>>, vector<16xi32>,
      %swap3A_744 = vector.shape_cast %swap3A_743 : vector<16xi32> to vector<16xi32>
      %swap3A_745 = vector.shape_cast %get3A_741 : vector<16xi32> to vector<16xi32>
      tpu.vector_store %arg6[%swap3A_742], %swap3A_745 {strides = array<i32>} : memref<200xi32, #tpu.memory_space<vmem>>, vector<16xi32>,
      %jit3A_746 = arith.constant 64 : i32
      %eq3A_747 = arith.constant 0 : i32
      %eq3A_748 = arith.cmpi eq, %jit3A_746, %eq3A_747 : i32
      %jit3A_749 = arith.constant 1 : i32
      %select_n3A_750 = arith.select %eq3A_748, %jit3A_749, %jit3A_746 : i32
      %rem3A_751 = arith.remsi %add3A_632, %select_n3A_750 : i32
      %ne3A_752 = arith.constant 0 : i32
      %ne3A_753 = arith.cmpi ne, %rem3A_751, %ne3A_752 : i32
      %lt3A_754 = arith.constant 0 : i32
      %lt3A_755 = arith.cmpi slt, %rem3A_751, %lt3A_754 : i32
      %lt3A_756 = arith.constant 0 : i32
      %lt3A_757 = arith.cmpi slt, %select_n3A_750, %lt3A_756 : i32
      %ne3A_758 = arith.xori %lt3A_755, %lt3A_757 : i1
      %and3A_759 = arith.andi %ne3A_758, %ne3A_753 : i1
      %add3A_760 = arith.addi %rem3A_751, %select_n3A_750 : i32
      %select_n3A_761 = arith.select %and3A_759, %add3A_760, %rem3A_751 : i32
      %get3A_762 = arith.index_cast %select_n3A_761 : i32 to index
      %get3A_763 = arith.constant 80 : index
      %get3A_764 = tpu.vector_load %arg5[%get3A_762, %get3A_763] {strides = array<i32>} : memref<64x200xi32, #tpu.memory_space<vmem>>, vector<1x16xi32>,
      %get3A_765 = vector.shape_cast %get3A_764 : vector<1x16xi32> to vector<16xi32>
      %swap3A_766 = arith.constant 80 : index
      %swap3A_767 = tpu.vector_load %arg6[%swap3A_766] {strides = array<i32>} : memref<200xi32, #tpu.memory_space<vmem>>, vector<16xi32>,
      %swap3A_768 = vector.shape_cast %swap3A_767 : vector<16xi32> to vector<16xi32>
      %swap3A_769 = vector.shape_cast %get3A_765 : vector<16xi32> to vector<16xi32>
      tpu.vector_store %arg6[%swap3A_766], %swap3A_769 {strides = array<i32>} : memref<200xi32, #tpu.memory_space<vmem>>, vector<16xi32>,
      %jit3A_770 = arith.constant 64 : i32
      %eq3A_771 = arith.constant 0 : i32
      %eq3A_772 = arith.cmpi eq, %jit3A_770, %eq3A_771 : i32
      %jit3A_773 = arith.constant 1 : i32
      %select_n3A_774 = arith.select %eq3A_772, %jit3A_773, %jit3A_770 : i32
      %rem3A_775 = arith.remsi %add3A_632, %select_n3A_774 : i32
      %ne3A_776 = arith.constant 0 : i32
      %ne3A_777 = arith.cmpi ne, %rem3A_775, %ne3A_776 : i32
      %lt3A_778 = arith.constant 0 : i32
      %lt3A_779 = arith.cmpi slt, %rem3A_775, %lt3A_778 : i32
      %lt3A_780 = arith.constant 0 : i32
      %lt3A_781 = arith.cmpi slt, %select_n3A_774, %lt3A_780 : i32
      %ne3A_782 = arith.xori %lt3A_779, %lt3A_781 : i1
      %and3A_783 = arith.andi %ne3A_782, %ne3A_777 : i1
      %add3A_784 = arith.addi %rem3A_775, %select_n3A_774 : i32
      %select_n3A_785 = arith.select %and3A_783, %add3A_784, %rem3A_775 : i32
      %get3A_786 = arith.index_cast %select_n3A_785 : i32 to index
      %get3A_787 = arith.constant 96 : index
      %get3A_788 = tpu.vector_load %arg5[%get3A_786, %get3A_787] {strides = array<i32>} : memref<64x200xi32, #tpu.memory_space<vmem>>, vector<1x16xi32>,
      %get3A_789 = vector.shape_cast %get3A_788 : vector<1x16xi32> to vector<16xi32>
      %swap3A_790 = arith.constant 96 : index
      %swap3A_791 = tpu.vector_load %arg6[%swap3A_790] {strides = array<i32>} : memref<200xi32, #tpu.memory_space<vmem>>, vector<16xi32>,
      %swap3A_792 = vector.shape_cast %swap3A_791 : vector<16xi32> to vector<16xi32>
      %swap3A_793 = vector.shape_cast %get3A_789 : vector<16xi32> to vector<16xi32>
      tpu.vector_store %arg6[%swap3A_790], %swap3A_793 {strides = array<i32>} : memref<200xi32, #tpu.memory_space<vmem>>, vector<16xi32>,
      %jit3A_794 = arith.constant 64 : i32
      %eq3A_795 = arith.constant 0 : i32
      %eq3A_796 = arith.cmpi eq, %jit3A_794, %eq3A_795 : i32
      %jit3A_797 = arith.constant 1 : i32
      %select_n3A_798 = arith.select %eq3A_796, %jit3A_797, %jit3A_794 : i32
      %rem3A_799 = arith.remsi %add3A_632, %select_n3A_798 : i32
      %ne3A_800 = arith.constant 0 : i32
      %ne3A_801 = arith.cmpi ne, %rem3A_799, %ne3A_800 : i32
      %lt3A_802 = arith.constant 0 : i32
      %lt3A_803 = arith.cmpi slt, %rem3A_799, %lt3A_802 : i32
      %lt3A_804 = arith.constant 0 : i32
      %lt3A_805 = arith.cmpi slt, %select_n3A_798, %lt3A_804 : i32
      %ne3A_806 = arith.xori %lt3A_803, %lt3A_805 : i1
      %and3A_807 = arith.andi %ne3A_806, %ne3A_801 : i1
      %add3A_808 = arith.addi %rem3A_799, %select_n3A_798 : i32
      %select_n3A_809 = arith.select %and3A_807, %add3A_808, %rem3A_799 : i32
      %get3A_810 = arith.index_cast %select_n3A_809 : i32 to index
      %get3A_811 = arith.constant 112 : index
      %get3A_812 = tpu.vector_load %arg5[%get3A_810, %get3A_811] {strides = array<i32>} : memref<64x200xi32, #tpu.memory_space<vmem>>, vector<1x16xi32>,
      %get3A_813 = vector.shape_cast %get3A_812 : vector<1x16xi32> to vector<16xi32>
      %swap3A_814 = arith.constant 112 : index
      %swap3A_815 = tpu.vector_load %arg6[%swap3A_814] {strides = array<i32>} : memref<200xi32, #tpu.memory_space<vmem>>, vector<16xi32>,
      %swap3A_816 = vector.shape_cast %swap3A_815 : vector<16xi32> to vector<16xi32>
      %swap3A_817 = vector.shape_cast %get3A_813 : vector<16xi32> to vector<16xi32>
      tpu.vector_store %arg6[%swap3A_814], %swap3A_817 {strides = array<i32>} : memref<200xi32, #tpu.memory_space<vmem>>, vector<16xi32>,
      %jit3A_818 = arith.constant 64 : i32
      %eq3A_819 = arith.constant 0 : i32
      %eq3A_820 = arith.cmpi eq, %jit3A_818, %eq3A_819 : i32
      %jit3A_821 = arith.constant 1 : i32
      %select_n3A_822 = arith.select %eq3A_820, %jit3A_821, %jit3A_818 : i32
      %rem3A_823 = arith.remsi %add3A_632, %select_n3A_822 : i32
      %ne3A_824 = arith.constant 0 : i32
      %ne3A_825 = arith.cmpi ne, %rem3A_823, %ne3A_824 : i32
      %lt3A_826 = arith.constant 0 : i32
      %lt3A_827 = arith.cmpi slt, %rem3A_823, %lt3A_826 : i32
      %lt3A_828 = arith.constant 0 : i32
      %lt3A_829 = arith.cmpi slt, %select_n3A_822, %lt3A_828 : i32
      %ne3A_830 = arith.xori %lt3A_827, %lt3A_829 : i1
      %and3A_831 = arith.andi %ne3A_830, %ne3A_825 : i1
      %add3A_832 = arith.addi %rem3A_823, %select_n3A_822 : i32
      %select_n3A_833 = arith.select %and3A_831, %add3A_832, %rem3A_823 : i32
      %get3A_834 = arith.index_cast %select_n3A_833 : i32 to index
      %get3A_835 = arith.constant 128 : index
      %get3A_836 = tpu.vector_load %arg5[%get3A_834, %get3A_835] {strides = array<i32>} : memref<64x200xi32, #tpu.memory_space<vmem>>, vector<1x16xi32>,
      %get3A_837 = vector.shape_cast %get3A_836 : vector<1x16xi32> to vector<16xi32>
      %swap3A_838 = arith.constant 128 : index
      %swap3A_839 = tpu.vector_load %arg6[%swap3A_838] {strides = array<i32>} : memref<200xi32, #tpu.memory_space<vmem>>, vector<16xi32>,
      %swap3A_840 = vector.shape_cast %swap3A_839 : vector<16xi32> to vector<16xi32>
      %swap3A_841 = vector.shape_cast %get3A_837 : vector<16xi32> to vector<16xi32>
      tpu.vector_store %arg6[%swap3A_838], %swap3A_841 {strides = array<i32>} : memref<200xi32, #tpu.memory_space<vmem>>, vector<16xi32>,
      %jit3A_842 = arith.constant 64 : i32
      %eq3A_843 = arith.constant 0 : i32
      %eq3A_844 = arith.cmpi eq, %jit3A_842, %eq3A_843 : i32
      %jit3A_845 = arith.constant 1 : i32
      %select_n3A_846 = arith.select %eq3A_844, %jit3A_845, %jit3A_842 : i32
      %rem3A_847 = arith.remsi %add3A_632, %select_n3A_846 : i32
      %ne3A_848 = arith.constant 0 : i32
      %ne3A_849 = arith.cmpi ne, %rem3A_847, %ne3A_848 : i32
      %lt3A_850 = arith.constant 0 : i32
      %lt3A_851 = arith.cmpi slt, %rem3A_847, %lt3A_850 : i32
      %lt3A_852 = arith.constant 0 : i32
      %lt3A_853 = arith.cmpi slt, %select_n3A_846, %lt3A_852 : i32
      %ne3A_854 = arith.xori %lt3A_851, %lt3A_853 : i1
      %and3A_855 = arith.andi %ne3A_854, %ne3A_849 : i1
      %add3A_856 = arith.addi %rem3A_847, %select_n3A_846 : i32
      %select_n3A_857 = arith.select %and3A_855, %add3A_856, %rem3A_847 : i32
      %get3A_858 = arith.index_cast %select_n3A_857 : i32 to index
      %get3A_859 = arith.constant 144 : index
      %get3A_860 = tpu.vector_load %arg5[%get3A_858, %get3A_859] {strides = array<i32>} : memref<64x200xi32, #tpu.memory_space<vmem>>, vector<1x16xi32>,
      %get3A_861 = vector.shape_cast %get3A_860 : vector<1x16xi32> to vector<16xi32>
      %swap3A_862 = arith.constant 144 : index
      %swap3A_863 = tpu.vector_load %arg6[%swap3A_862] {strides = array<i32>} : memref<200xi32, #tpu.memory_space<vmem>>, vector<16xi32>,
      %swap3A_864 = vector.shape_cast %swap3A_863 : vector<16xi32> to vector<16xi32>
      %swap3A_865 = vector.shape_cast %get3A_861 : vector<16xi32> to vector<16xi32>
      tpu.vector_store %arg6[%swap3A_862], %swap3A_865 {strides = array<i32>} : memref<200xi32, #tpu.memory_space<vmem>>, vector<16xi32>,
      %jit3A_866 = arith.constant 64 : i32
      %eq3A_867 = arith.constant 0 : i32
      %eq3A_868 = arith.cmpi eq, %jit3A_866, %eq3A_867 : i32
      %jit3A_869 = arith.constant 1 : i32
      %select_n3A_870 = arith.select %eq3A_868, %jit3A_869, %jit3A_866 : i32
      %rem3A_871 = arith.remsi %add3A_632, %select_n3A_870 : i32
      %ne3A_872 = arith.constant 0 : i32
      %ne3A_873 = arith.cmpi ne, %rem3A_871, %ne3A_872 : i32
      %lt3A_874 = arith.constant 0 : i32
      %lt3A_875 = arith.cmpi slt, %rem3A_871, %lt3A_874 : i32
      %lt3A_876 = arith.constant 0 : i32
      %lt3A_877 = arith.cmpi slt, %select_n3A_870, %lt3A_876 : i32
      %ne3A_878 = arith.xori %lt3A_875, %lt3A_877 : i1
      %and3A_879 = arith.andi %ne3A_878, %ne3A_873 : i1
      %add3A_880 = arith.addi %rem3A_871, %select_n3A_870 : i32
      %select_n3A_881 = arith.select %and3A_879, %add3A_880, %rem3A_871 : i32
      %get3A_882 = arith.index_cast %select_n3A_881 : i32 to index
      %get3A_883 = arith.constant 160 : index
      %get3A_884 = tpu.vector_load %arg5[%get3A_882, %get3A_883] {strides = array<i32>} : memref<64x200xi32, #tpu.memory_space<vmem>>, vector<1x16xi32>,
      %get3A_885 = vector.shape_cast %get3A_884 : vector<1x16xi32> to vector<16xi32>
      %swap3A_886 = arith.constant 160 : index
      %swap3A_887 = tpu.vector_load %arg6[%swap3A_886] {strides = array<i32>} : memref<200xi32, #tpu.memory_space<vmem>>, vector<16xi32>,
      %swap3A_888 = vector.shape_cast %swap3A_887 : vector<16xi32> to vector<16xi32>
      %swap3A_889 = vector.shape_cast %get3A_885 : vector<16xi32> to vector<16xi32>
      tpu.vector_store %arg6[%swap3A_886], %swap3A_889 {strides = array<i32>} : memref<200xi32, #tpu.memory_space<vmem>>, vector<16xi32>,
      %jit3A_890 = arith.constant 64 : i32
      %eq3A_891 = arith.constant 0 : i32
      %eq3A_892 = arith.cmpi eq, %jit3A_890, %eq3A_891 : i32
      %jit3A_893 = arith.constant 1 : i32
      %select_n3A_894 = arith.select %eq3A_892, %jit3A_893, %jit3A_890 : i32
      %rem3A_895 = arith.remsi %add3A_632, %select_n3A_894 : i32
      %ne3A_896 = arith.constant 0 : i32
      %ne3A_897 = arith.cmpi ne, %rem3A_895, %ne3A_896 : i32
      %lt3A_898 = arith.constant 0 : i32
      %lt3A_899 = arith.cmpi slt, %rem3A_895, %lt3A_898 : i32
      %lt3A_900 = arith.constant 0 : i32
      %lt3A_901 = arith.cmpi slt, %select_n3A_894, %lt3A_900 : i32
      %ne3A_902 = arith.xori %lt3A_899, %lt3A_901 : i1
      %and3A_903 = arith.andi %ne3A_902, %ne3A_897 : i1
      %add3A_904 = arith.addi %rem3A_895, %select_n3A_894 : i32
      %select_n3A_905 = arith.select %and3A_903, %add3A_904, %rem3A_895 : i32
      %get3A_906 = arith.index_cast %select_n3A_905 : i32 to index
      %get3A_907 = arith.constant 176 : index
      %get3A_908 = tpu.vector_load %arg5[%get3A_906, %get3A_907] {strides = array<i32>} : memref<64x200xi32, #tpu.memory_space<vmem>>, vector<1x16xi32>,
      %get3A_909 = vector.shape_cast %get3A_908 : vector<1x16xi32> to vector<16xi32>
      %swap3A_910 = arith.constant 176 : index
      %swap3A_911 = tpu.vector_load %arg6[%swap3A_910] {strides = array<i32>} : memref<200xi32, #tpu.memory_space<vmem>>, vector<16xi32>,
      %swap3A_912 = vector.shape_cast %swap3A_911 : vector<16xi32> to vector<16xi32>
      %swap3A_913 = vector.shape_cast %get3A_909 : vector<16xi32> to vector<16xi32>
      tpu.vector_store %arg6[%swap3A_910], %swap3A_913 {strides = array<i32>} : memref<200xi32, #tpu.memory_space<vmem>>, vector<16xi32>,
      %jit3A_914 = arith.constant 64 : i32
      %eq3A_915 = arith.constant 0 : i32
      %eq3A_916 = arith.cmpi eq, %jit3A_914, %eq3A_915 : i32
      %jit3A_917 = arith.constant 1 : i32
      %select_n3A_918 = arith.select %eq3A_916, %jit3A_917, %jit3A_914 : i32
      %rem3A_919 = arith.remsi %add3A_632, %select_n3A_918 : i32
      %ne3A_920 = arith.constant 0 : i32
      %ne3A_921 = arith.cmpi ne, %rem3A_919, %ne3A_920 : i32
      %lt3A_922 = arith.constant 0 : i32
      %lt3A_923 = arith.cmpi slt, %rem3A_919, %lt3A_922 : i32
      %lt3A_924 = arith.constant 0 : i32
      %lt3A_925 = arith.cmpi slt, %select_n3A_918, %lt3A_924 : i32
      %ne3A_926 = arith.xori %lt3A_923, %lt3A_925 : i1
      %and3A_927 = arith.andi %ne3A_926, %ne3A_921 : i1
      %add3A_928 = arith.addi %rem3A_919, %select_n3A_918 : i32
      %select_n3A_929 = arith.select %and3A_927, %add3A_928, %rem3A_919 : i32
      %get3A_930 = arith.index_cast %select_n3A_929 : i32 to index
      %get3A_931 = arith.constant 184 : index
      %get3A_932 = tpu.vector_load %arg5[%get3A_930, %get3A_931] {strides = array<i32>} : memref<64x200xi32, #tpu.memory_space<vmem>>, vector<1x16xi32>,
      %get3A_933 = vector.shape_cast %get3A_932 : vector<1x16xi32> to vector<16xi32>
      %swap3A_934 = arith.constant 184 : index
      %swap3A_935 = tpu.vector_load %arg6[%swap3A_934] {strides = array<i32>} : memref<200xi32, #tpu.memory_space<vmem>>, vector<16xi32>,
      %swap3A_936 = vector.shape_cast %swap3A_935 : vector<16xi32> to vector<16xi32>
      %swap3A_937 = vector.shape_cast %get3A_933 : vector<16xi32> to vector<16xi32>
      tpu.vector_store %arg6[%swap3A_934], %swap3A_937 {strides = array<i32>} : memref<200xi32, #tpu.memory_space<vmem>>, vector<16xi32>,
      %dma_start3A_938 = arith.constant 0 : i32
      %dma_start3A_939 = arith.constant 0 : i32
      %dma_start3A_940 = tpu.memref_slice %arg3[%dma_start3A_938, %dma_start3A_939] : memref<1000000x128xf32, #tpu.memory_space<hbm>> -> memref<1000000x128xf32, #tpu.memory_space<hbm>>
      tpu.enqueue_indirect_dma source(%dma_start3A_940 : memref<1000000x128xf32, #tpu.memory_space<hbm>>) target(%arg8 : memref<200x128xf32, #tpu.memory_space<vmem>>) offsets(%arg6 : memref<200xi32, #tpu.memory_space<vmem>>) semaphore(%arg12 : memref<!tpu.dma_semaphore, #tpu.memory_space<semaphore_mem>>)
      %scan3A_941 = arith.constant 0 : i32
      %scan3A_942 = arith.constant 200 : i32
      %scan3A_943 = arith.addi %scan3A_941, %scan3A_942 : i32
      %scan3A_944 = arith.constant 1 : i32
      scf.for %scan3A_1304 = %scan3A_941 to %scan3A_943 step %scan3A_944  : i32 {
        %mul3A_1305 = arith.constant 1 : i32
        %mul3A_1306 = arith.muli %scan3A_1304, %mul3A_1305 : i32
        %add3A_1307 = arith.constant 0 : i32
        %add3A_1308 = arith.addi %add3A_1307, %mul3A_1306 : i32
        %get3A_1309 = arith.index_cast %add3A_1308 : i32 to index
        %get3A_1310 = arith.constant 0 : index
        %get3A_1311 = tpu.vector_load %arg9[%get3A_1309, %get3A_1310] {strides = array<i32>} : memref<200x128xf32, #tpu.memory_space<vmem>>, vector<1x16xf32>,
        %get3A_1312 = vector.shape_cast %get3A_1311 : vector<1x16xf32> to vector<16xf32>
        %swap3A_1313 = arith.index_cast %add3A_1308 : i32 to index
        %swap3A_1314 = arith.constant 0 : index
        %swap3A_1315 = tpu.vector_load %arg11[%swap3A_1313, %swap3A_1314] {strides = array<i32>} : memref<200x64xf32, #tpu.memory_space<vmem>>, vector<1x16xf32>,
        %swap3A_1316 = vector.shape_cast %swap3A_1315 : vector<1x16xf32> to vector<16xf32>
        %swap3A_1317 = vector.shape_cast %get3A_1312 : vector<16xf32> to vector<1x16xf32>
        tpu.vector_store %arg11[%swap3A_1313, %swap3A_1314], %swap3A_1317 {strides = array<i32>} : memref<200x64xf32, #tpu.memory_space<vmem>>, vector<1x16xf32>,
        %get3A_1318 = arith.index_cast %add3A_1308 : i32 to index
        %get3A_1319 = arith.constant 16 : index
        %get3A_1320 = tpu.vector_load %arg9[%get3A_1318, %get3A_1319] {strides = array<i32>} : memref<200x128xf32, #tpu.memory_space<vmem>>, vector<1x16xf32>,
        %get3A_1321 = vector.shape_cast %get3A_1320 : vector<1x16xf32> to vector<16xf32>
        %swap3A_1322 = arith.index_cast %add3A_1308 : i32 to index
        %swap3A_1323 = arith.constant 16 : index
        %swap3A_1324 = tpu.vector_load %arg11[%swap3A_1322, %swap3A_1323] {strides = array<i32>} : memref<200x64xf32, #tpu.memory_space<vmem>>, vector<1x16xf32>,
        %swap3A_1325 = vector.shape_cast %swap3A_1324 : vector<1x16xf32> to vector<16xf32>
        %swap3A_1326 = vector.shape_cast %get3A_1321 : vector<16xf32> to vector<1x16xf32>
        tpu.vector_store %arg11[%swap3A_1322, %swap3A_1323], %swap3A_1326 {strides = array<i32>} : memref<200x64xf32, #tpu.memory_space<vmem>>, vector<1x16xf32>,
        %get3A_1327 = arith.index_cast %add3A_1308 : i32 to index
        %get3A_1328 = arith.constant 32 : index
        %get3A_1329 = tpu.vector_load %arg9[%get3A_1327, %get3A_1328] {strides = array<i32>} : memref<200x128xf32, #tpu.memory_space<vmem>>, vector<1x16xf32>,
        %get3A_1330 = vector.shape_cast %get3A_1329 : vector<1x16xf32> to vector<16xf32>
        %swap3A_1331 = arith.index_cast %add3A_1308 : i32 to index
        %swap3A_1332 = arith.constant 32 : index
        %swap3A_1333 = tpu.vector_load %arg11[%swap3A_1331, %swap3A_1332] {strides = array<i32>} : memref<200x64xf32, #tpu.memory_space<vmem>>, vector<1x16xf32>,
        %swap3A_1334 = vector.shape_cast %swap3A_1333 : vector<1x16xf32> to vector<16xf32>
        %swap3A_1335 = vector.shape_cast %get3A_1330 : vector<16xf32> to vector<1x16xf32>
        tpu.vector_store %arg11[%swap3A_1331, %swap3A_1332], %swap3A_1335 {strides = array<i32>} : memref<200x64xf32, #tpu.memory_space<vmem>>, vector<1x16xf32>,
        %get3A_1336 = arith.index_cast %add3A_1308 : i32 to index
        %get3A_1337 = arith.constant 48 : index
        %get3A_1338 = tpu.vector_load %arg9[%get3A_1336, %get3A_1337] {strides = array<i32>} : memref<200x128xf32, #tpu.memory_space<vmem>>, vector<1x16xf32>,
        %get3A_1339 = vector.shape_cast %get3A_1338 : vector<1x16xf32> to vector<16xf32>
        %swap3A_1340 = arith.index_cast %add3A_1308 : i32 to index
        %swap3A_1341 = arith.constant 48 : index
        %swap3A_1342 = tpu.vector_load %arg11[%swap3A_1340, %swap3A_1341] {strides = array<i32>} : memref<200x64xf32, #tpu.memory_space<vmem>>, vector<1x16xf32>,
        %swap3A_1343 = vector.shape_cast %swap3A_1342 : vector<1x16xf32> to vector<16xf32>
        %swap3A_1344 = vector.shape_cast %get3A_1339 : vector<16xf32> to vector<1x16xf32>
        tpu.vector_store %arg11[%swap3A_1340, %swap3A_1341], %swap3A_1344 {strides = array<i32>} : memref<200x64xf32, #tpu.memory_space<vmem>>, vector<1x16xf32>,
      }
      %scan3A_945 = arith.constant 200 : i32
      %add3A_946 = arith.addi %mul3A_2, %add3A_616 : i32
      %dma_start3A_947 = arith.constant 0 : i32
      %dma_start3A_948 = arith.constant 0 : i32
      %dma_start3A_949 = tpu.memref_slice %arg4[%add3A_946, %dma_start3A_947, %dma_start3A_948] : memref<4096x200x64xf32, #tpu.memory_space<hbm>> -> memref<1x200x64xf32, #tpu.memory_space<hbm>>
      %dma_start3A_950 = tpu.memref_squeeze %dma_start3A_949 : memref<1x200x64xf32, #tpu.memory_space<hbm>> -> memref<200x64xf32, #tpu.memory_space<hbm>>
      %dma_start3A_951 = arith.constant 0 : i32
      %dma_start3A_952 = arith.constant 0 : i32
      %dma_start3A_953 = tpu.memref_slice %arg4[%add3A_946, %dma_start3A_951, %dma_start3A_952] : memref<4096x200x64xf32, #tpu.memory_space<hbm>> -> memref<1x200x64xf32, #tpu.memory_space<hbm>>
      %dma_start3A_954 = tpu.memref_squeeze %dma_start3A_953 : memref<1x200x64xf32, #tpu.memory_space<hbm>> -> memref<200x64xf32, #tpu.memory_space<hbm>>
      tpu.enqueue_dma source(%arg11 : memref<200x64xf32, #tpu.memory_space<vmem>>) target(%dma_start3A_954 : memref<200x64xf32, #tpu.memory_space<hbm>>) target_semaphore(%arg15 : memref<!tpu.dma_semaphore, #tpu.memory_space<semaphore_mem>>)
      %add3A_955 = arith.constant 1 : i32
      %add3A_956 = arith.addi %add3A_616, %add3A_955 : i32
      %dma_wait3A_957 = arith.constant 0 : i32
      %dma_wait3A_958 = arith.constant 0 : i32
      %dma_wait3A_959 = tpu.memref_slice %arg3[%dma_wait3A_957, %dma_wait3A_958] : memref<1000000x128xf32, #tpu.memory_space<hbm>> -> memref<200x128xf32, #tpu.memory_space<hbm>>
      %dma_wait3A_960 = arith.constant 0 : i32
      %dma_wait3A_961 = arith.constant 0 : i32
      %dma_wait3A_962 = tpu.memref_slice %arg3[%dma_wait3A_960, %dma_wait3A_961] : memref<1000000x128xf32, #tpu.memory_space<hbm>> -> memref<200x128xf32, #tpu.memory_space<hbm>>
      tpu.wait_dma2 semaphore(%arg12 : memref<!tpu.dma_semaphore, #tpu.memory_space<semaphore_mem>>) src(%dma_wait3A_962 : memref<200x128xf32, #tpu.memory_space<hbm>>) dst(%arg8 : memref<200x128xf32, #tpu.memory_space<vmem>>)
      %dma_wait3A_963 = arith.constant 0 : i32
      %dma_wait3A_964 = arith.constant 0 : i32
      %dma_wait3A_965 = tpu.memref_slice %arg4[%mul3A_2, %dma_wait3A_963, %dma_wait3A_964] : memref<4096x200x64xf32, #tpu.memory_space<hbm>> -> memref<1x200x64xf32, #tpu.memory_space<hbm>>
      %dma_wait3A_966 = tpu.memref_squeeze %dma_wait3A_965 : memref<1x200x64xf32, #tpu.memory_space<hbm>> -> memref<200x64xf32, #tpu.memory_space<hbm>>
      %dma_wait3A_967 = arith.constant 0 : i32
      %dma_wait3A_968 = arith.constant 0 : i32
      %dma_wait3A_969 = tpu.memref_slice %arg4[%mul3A_2, %dma_wait3A_967, %dma_wait3A_968] : memref<4096x200x64xf32, #tpu.memory_space<hbm>> -> memref<1x200x64xf32, #tpu.memory_space<hbm>>
      %dma_wait3A_970 = tpu.memref_squeeze %dma_wait3A_969 : memref<1x200x64xf32, #tpu.memory_space<hbm>> -> memref<200x64xf32, #tpu.memory_space<hbm>>
      tpu.wait_dma2 semaphore(%arg15 : memref<!tpu.dma_semaphore, #tpu.memory_space<semaphore_mem>>) src(%arg11 : memref<200x64xf32, #tpu.memory_space<vmem>>) dst(%dma_wait3A_970 : memref<200x64xf32, #tpu.memory_space<hbm>>)
      %add3A_971 = arith.constant 1 : i32
      %add3A_972 = arith.addi %add3A_956, %add3A_971 : i32
      %jit3A_973 = arith.constant 64 : i32
      %eq3A_974 = arith.constant 0 : i32
      %eq3A_975 = arith.cmpi eq, %jit3A_973, %eq3A_974 : i32
      %jit3A_976 = arith.constant 1 : i32
      %select_n3A_977 = arith.select %eq3A_975, %jit3A_976, %jit3A_973 : i32
      %rem3A_978 = arith.remsi %add3A_972, %select_n3A_977 : i32
      %ne3A_979 = arith.constant 0 : i32
      %ne3A_980 = arith.cmpi ne, %rem3A_978, %ne3A_979 : i32
      %lt3A_981 = arith.constant 0 : i32
      %lt3A_982 = arith.cmpi slt, %rem3A_978, %lt3A_981 : i32
      %lt3A_983 = arith.constant 0 : i32
      %lt3A_984 = arith.cmpi slt, %select_n3A_977, %lt3A_983 : i32
      %ne3A_985 = arith.xori %lt3A_982, %lt3A_984 : i1
      %and3A_986 = arith.andi %ne3A_985, %ne3A_980 : i1
      %add3A_987 = arith.addi %rem3A_978, %select_n3A_977 : i32
      %select_n3A_988 = arith.select %and3A_986, %add3A_987, %rem3A_978 : i32
      %get3A_989 = arith.index_cast %select_n3A_988 : i32 to index
      %get3A_990 = arith.constant 0 : index
      %get3A_991 = tpu.vector_load %arg5[%get3A_989, %get3A_990] {strides = array<i32>} : memref<64x200xi32, #tpu.memory_space<vmem>>, vector<1x16xi32>,
      %get3A_992 = vector.shape_cast %get3A_991 : vector<1x16xi32> to vector<16xi32>
      %swap3A_993 = arith.constant 0 : index
      %swap3A_994 = tpu.vector_load %arg7[%swap3A_993] {strides = array<i32>} : memref<200xi32, #tpu.memory_space<vmem>>, vector<16xi32>,
      %swap3A_995 = vector.shape_cast %swap3A_994 : vector<16xi32> to vector<16xi32>
      %swap3A_996 = vector.shape_cast %get3A_992 : vector<16xi32> to vector<16xi32>
      tpu.vector_store %arg7[%swap3A_993], %swap3A_996 {strides = array<i32>} : memref<200xi32, #tpu.memory_space<vmem>>, vector<16xi32>,
      %jit3A_997 = arith.constant 64 : i32
      %eq3A_998 = arith.constant 0 : i32
      %eq3A_999 = arith.cmpi eq, %jit3A_997, %eq3A_998 : i32
      %jit3A_1000 = arith.constant 1 : i32
      %select_n3A_1001 = arith.select %eq3A_999, %jit3A_1000, %jit3A_997 : i32
      %rem3A_1002 = arith.remsi %add3A_972, %select_n3A_1001 : i32
      %ne3A_1003 = arith.constant 0 : i32
      %ne3A_1004 = arith.cmpi ne, %rem3A_1002, %ne3A_1003 : i32
      %lt3A_1005 = arith.constant 0 : i32
      %lt3A_1006 = arith.cmpi slt, %rem3A_1002, %lt3A_1005 : i32
      %lt3A_1007 = arith.constant 0 : i32
      %lt3A_1008 = arith.cmpi slt, %select_n3A_1001, %lt3A_1007 : i32
      %ne3A_1009 = arith.xori %lt3A_1006, %lt3A_1008 : i1
      %and3A_1010 = arith.andi %ne3A_1009, %ne3A_1004 : i1
      %add3A_1011 = arith.addi %rem3A_1002, %select_n3A_1001 : i32
      %select_n3A_1012 = arith.select %and3A_1010, %add3A_1011, %rem3A_1002 : i32
      %get3A_1013 = arith.index_cast %select_n3A_1012 : i32 to index
      %get3A_1014 = arith.constant 16 : index
      %get3A_1015 = tpu.vector_load %arg5[%get3A_1013, %get3A_1014] {strides = array<i32>} : memref<64x200xi32, #tpu.memory_space<vmem>>, vector<1x16xi32>,
      %get3A_1016 = vector.shape_cast %get3A_1015 : vector<1x16xi32> to vector<16xi32>
      %swap3A_1017 = arith.constant 16 : index
      %swap3A_1018 = tpu.vector_load %arg7[%swap3A_1017] {strides = array<i32>} : memref<200xi32, #tpu.memory_space<vmem>>, vector<16xi32>,
      %swap3A_1019 = vector.shape_cast %swap3A_1018 : vector<16xi32> to vector<16xi32>
      %swap3A_1020 = vector.shape_cast %get3A_1016 : vector<16xi32> to vector<16xi32>
      tpu.vector_store %arg7[%swap3A_1017], %swap3A_1020 {strides = array<i32>} : memref<200xi32, #tpu.memory_space<vmem>>, vector<16xi32>,
      %jit3A_1021 = arith.constant 64 : i32
      %eq3A_1022 = arith.constant 0 : i32
      %eq3A_1023 = arith.cmpi eq, %jit3A_1021, %eq3A_1022 : i32
      %jit3A_1024 = arith.constant 1 : i32
      %select_n3A_1025 = arith.select %eq3A_1023, %jit3A_1024, %jit3A_1021 : i32
      %rem3A_1026 = arith.remsi %add3A_972, %select_n3A_1025 : i32
      %ne3A_1027 = arith.constant 0 : i32
      %ne3A_1028 = arith.cmpi ne, %rem3A_1026, %ne3A_1027 : i32
      %lt3A_1029 = arith.constant 0 : i32
      %lt3A_1030 = arith.cmpi slt, %rem3A_1026, %lt3A_1029 : i32
      %lt3A_1031 = arith.constant 0 : i32
      %lt3A_1032 = arith.cmpi slt, %select_n3A_1025, %lt3A_1031 : i32
      %ne3A_1033 = arith.xori %lt3A_1030, %lt3A_1032 : i1
      %and3A_1034 = arith.andi %ne3A_1033, %ne3A_1028 : i1
      %add3A_1035 = arith.addi %rem3A_1026, %select_n3A_1025 : i32
      %select_n3A_1036 = arith.select %and3A_1034, %add3A_1035, %rem3A_1026 : i32
      %get3A_1037 = arith.index_cast %select_n3A_1036 : i32 to index
      %get3A_1038 = arith.constant 32 : index
      %get3A_1039 = tpu.vector_load %arg5[%get3A_1037, %get3A_1038] {strides = array<i32>} : memref<64x200xi32, #tpu.memory_space<vmem>>, vector<1x16xi32>,
      %get3A_1040 = vector.shape_cast %get3A_1039 : vector<1x16xi32> to vector<16xi32>
      %swap3A_1041 = arith.constant 32 : index
      %swap3A_1042 = tpu.vector_load %arg7[%swap3A_1041] {strides = array<i32>} : memref<200xi32, #tpu.memory_space<vmem>>, vector<16xi32>,
      %swap3A_1043 = vector.shape_cast %swap3A_1042 : vector<16xi32> to vector<16xi32>
      %swap3A_1044 = vector.shape_cast %get3A_1040 : vector<16xi32> to vector<16xi32>
      tpu.vector_store %arg7[%swap3A_1041], %swap3A_1044 {strides = array<i32>} : memref<200xi32, #tpu.memory_space<vmem>>, vector<16xi32>,
      %jit3A_1045 = arith.constant 64 : i32
      %eq3A_1046 = arith.constant 0 : i32
      %eq3A_1047 = arith.cmpi eq, %jit3A_1045, %eq3A_1046 : i32
      %jit3A_1048 = arith.constant 1 : i32
      %select_n3A_1049 = arith.select %eq3A_1047, %jit3A_1048, %jit3A_1045 : i32
      %rem3A_1050 = arith.remsi %add3A_972, %select_n3A_1049 : i32
      %ne3A_1051 = arith.constant 0 : i32
      %ne3A_1052 = arith.cmpi ne, %rem3A_1050, %ne3A_1051 : i32
      %lt3A_1053 = arith.constant 0 : i32
      %lt3A_1054 = arith.cmpi slt, %rem3A_1050, %lt3A_1053 : i32
      %lt3A_1055 = arith.constant 0 : i32
      %lt3A_1056 = arith.cmpi slt, %select_n3A_1049, %lt3A_1055 : i32
      %ne3A_1057 = arith.xori %lt3A_1054, %lt3A_1056 : i1
      %and3A_1058 = arith.andi %ne3A_1057, %ne3A_1052 : i1
      %add3A_1059 = arith.addi %rem3A_1050, %select_n3A_1049 : i32
      %select_n3A_1060 = arith.select %and3A_1058, %add3A_1059, %rem3A_1050 : i32
      %get3A_1061 = arith.index_cast %select_n3A_1060 : i32 to index
      %get3A_1062 = arith.constant 48 : index
      %get3A_1063 = tpu.vector_load %arg5[%get3A_1061, %get3A_1062] {strides = array<i32>} : memref<64x200xi32, #tpu.memory_space<vmem>>, vector<1x16xi32>,
      %get3A_1064 = vector.shape_cast %get3A_1063 : vector<1x16xi32> to vector<16xi32>
      %swap3A_1065 = arith.constant 48 : index
      %swap3A_1066 = tpu.vector_load %arg7[%swap3A_1065] {strides = array<i32>} : memref<200xi32, #tpu.memory_space<vmem>>, vector<16xi32>,
      %swap3A_1067 = vector.shape_cast %swap3A_1066 : vector<16xi32> to vector<16xi32>
      %swap3A_1068 = vector.shape_cast %get3A_1064 : vector<16xi32> to vector<16xi32>
      tpu.vector_store %arg7[%swap3A_1065], %swap3A_1068 {strides = array<i32>} : memref<200xi32, #tpu.memory_space<vmem>>, vector<16xi32>,
      %jit3A_1069 = arith.constant 64 : i32
      %eq3A_1070 = arith.constant 0 : i32
      %eq3A_1071 = arith.cmpi eq, %jit3A_1069, %eq3A_1070 : i32
      %jit3A_1072 = arith.constant 1 : i32
      %select_n3A_1073 = arith.select %eq3A_1071, %jit3A_1072, %jit3A_1069 : i32
      %rem3A_1074 = arith.remsi %add3A_972, %select_n3A_1073 : i32
      %ne3A_1075 = arith.constant 0 : i32
      %ne3A_1076 = arith.cmpi ne, %rem3A_1074, %ne3A_1075 : i32
      %lt3A_1077 = arith.constant 0 : i32
      %lt3A_1078 = arith.cmpi slt, %rem3A_1074, %lt3A_1077 : i32
      %lt3A_1079 = arith.constant 0 : i32
      %lt3A_1080 = arith.cmpi slt, %select_n3A_1073, %lt3A_1079 : i32
      %ne3A_1081 = arith.xori %lt3A_1078, %lt3A_1080 : i1
      %and3A_1082 = arith.andi %ne3A_1081, %ne3A_1076 : i1
      %add3A_1083 = arith.addi %rem3A_1074, %select_n3A_1073 : i32
      %select_n3A_1084 = arith.select %and3A_1082, %add3A_1083, %rem3A_1074 : i32
      %get3A_1085 = arith.index_cast %select_n3A_1084 : i32 to index
      %get3A_1086 = arith.constant 64 : index
      %get3A_1087 = tpu.vector_load %arg5[%get3A_1085, %get3A_1086] {strides = array<i32>} : memref<64x200xi32, #tpu.memory_space<vmem>>, vector<1x16xi32>,
      %get3A_1088 = vector.shape_cast %get3A_1087 : vector<1x16xi32> to vector<16xi32>
      %swap3A_1089 = arith.constant 64 : index
      %swap3A_1090 = tpu.vector_load %arg7[%swap3A_1089] {strides = array<i32>} : memref<200xi32, #tpu.memory_space<vmem>>, vector<16xi32>,
      %swap3A_1091 = vector.shape_cast %swap3A_1090 : vector<16xi32> to vector<16xi32>
      %swap3A_1092 = vector.shape_cast %get3A_1088 : vector<16xi32> to vector<16xi32>
      tpu.vector_store %arg7[%swap3A_1089], %swap3A_1092 {strides = array<i32>} : memref<200xi32, #tpu.memory_space<vmem>>, vector<16xi32>,
      %jit3A_1093 = arith.constant 64 : i32
      %eq3A_1094 = arith.constant 0 : i32
      %eq3A_1095 = arith.cmpi eq, %jit3A_1093, %eq3A_1094 : i32
      %jit3A_1096 = arith.constant 1 : i32
      %select_n3A_1097 = arith.select %eq3A_1095, %jit3A_1096, %jit3A_1093 : i32
      %rem3A_1098 = arith.remsi %add3A_972, %select_n3A_1097 : i32
      %ne3A_1099 = arith.constant 0 : i32
      %ne3A_1100 = arith.cmpi ne, %rem3A_1098, %ne3A_1099 : i32
      %lt3A_1101 = arith.constant 0 : i32
      %lt3A_1102 = arith.cmpi slt, %rem3A_1098, %lt3A_1101 : i32
      %lt3A_1103 = arith.constant 0 : i32
      %lt3A_1104 = arith.cmpi slt, %select_n3A_1097, %lt3A_1103 : i32
      %ne3A_1105 = arith.xori %lt3A_1102, %lt3A_1104 : i1
      %and3A_1106 = arith.andi %ne3A_1105, %ne3A_1100 : i1
      %add3A_1107 = arith.addi %rem3A_1098, %select_n3A_1097 : i32
      %select_n3A_1108 = arith.select %and3A_1106, %add3A_1107, %rem3A_1098 : i32
      %get3A_1109 = arith.index_cast %select_n3A_1108 : i32 to index
      %get3A_1110 = arith.constant 80 : index
      %get3A_1111 = tpu.vector_load %arg5[%get3A_1109, %get3A_1110] {strides = array<i32>} : memref<64x200xi32, #tpu.memory_space<vmem>>, vector<1x16xi32>,
      %get3A_1112 = vector.shape_cast %get3A_1111 : vector<1x16xi32> to vector<16xi32>
      %swap3A_1113 = arith.constant 80 : index
      %swap3A_1114 = tpu.vector_load %arg7[%swap3A_1113] {strides = array<i32>} : memref<200xi32, #tpu.memory_space<vmem>>, vector<16xi32>,
      %swap3A_1115 = vector.shape_cast %swap3A_1114 : vector<16xi32> to vector<16xi32>
      %swap3A_1116 = vector.shape_cast %get3A_1112 : vector<16xi32> to vector<16xi32>
      tpu.vector_store %arg7[%swap3A_1113], %swap3A_1116 {strides = array<i32>} : memref<200xi32, #tpu.memory_space<vmem>>, vector<16xi32>,
      %jit3A_1117 = arith.constant 64 : i32
      %eq3A_1118 = arith.constant 0 : i32
      %eq3A_1119 = arith.cmpi eq, %jit3A_1117, %eq3A_1118 : i32
      %jit3A_1120 = arith.constant 1 : i32
      %select_n3A_1121 = arith.select %eq3A_1119, %jit3A_1120, %jit3A_1117 : i32
      %rem3A_1122 = arith.remsi %add3A_972, %select_n3A_1121 : i32
      %ne3A_1123 = arith.constant 0 : i32
      %ne3A_1124 = arith.cmpi ne, %rem3A_1122, %ne3A_1123 : i32
      %lt3A_1125 = arith.constant 0 : i32
      %lt3A_1126 = arith.cmpi slt, %rem3A_1122, %lt3A_1125 : i32
      %lt3A_1127 = arith.constant 0 : i32
      %lt3A_1128 = arith.cmpi slt, %select_n3A_1121, %lt3A_1127 : i32
      %ne3A_1129 = arith.xori %lt3A_1126, %lt3A_1128 : i1
      %and3A_1130 = arith.andi %ne3A_1129, %ne3A_1124 : i1
      %add3A_1131 = arith.addi %rem3A_1122, %select_n3A_1121 : i32
      %select_n3A_1132 = arith.select %and3A_1130, %add3A_1131, %rem3A_1122 : i32
      %get3A_1133 = arith.index_cast %select_n3A_1132 : i32 to index
      %get3A_1134 = arith.constant 96 : index
      %get3A_1135 = tpu.vector_load %arg5[%get3A_1133, %get3A_1134] {strides = array<i32>} : memref<64x200xi32, #tpu.memory_space<vmem>>, vector<1x16xi32>,
      %get3A_1136 = vector.shape_cast %get3A_1135 : vector<1x16xi32> to vector<16xi32>
      %swap3A_1137 = arith.constant 96 : index
      %swap3A_1138 = tpu.vector_load %arg7[%swap3A_1137] {strides = array<i32>} : memref<200xi32, #tpu.memory_space<vmem>>, vector<16xi32>,
      %swap3A_1139 = vector.shape_cast %swap3A_1138 : vector<16xi32> to vector<16xi32>
      %swap3A_1140 = vector.shape_cast %get3A_1136 : vector<16xi32> to vector<16xi32>
      tpu.vector_store %arg7[%swap3A_1137], %swap3A_1140 {strides = array<i32>} : memref<200xi32, #tpu.memory_space<vmem>>, vector<16xi32>,
      %jit3A_1141 = arith.constant 64 : i32
      %eq3A_1142 = arith.constant 0 : i32
      %eq3A_1143 = arith.cmpi eq, %jit3A_1141, %eq3A_1142 : i32
      %jit3A_1144 = arith.constant 1 : i32
      %select_n3A_1145 = arith.select %eq3A_1143, %jit3A_1144, %jit3A_1141 : i32
      %rem3A_1146 = arith.remsi %add3A_972, %select_n3A_1145 : i32
      %ne3A_1147 = arith.constant 0 : i32
      %ne3A_1148 = arith.cmpi ne, %rem3A_1146, %ne3A_1147 : i32
      %lt3A_1149 = arith.constant 0 : i32
      %lt3A_1150 = arith.cmpi slt, %rem3A_1146, %lt3A_1149 : i32
      %lt3A_1151 = arith.constant 0 : i32
      %lt3A_1152 = arith.cmpi slt, %select_n3A_1145, %lt3A_1151 : i32
      %ne3A_1153 = arith.xori %lt3A_1150, %lt3A_1152 : i1
      %and3A_1154 = arith.andi %ne3A_1153, %ne3A_1148 : i1
      %add3A_1155 = arith.addi %rem3A_1146, %select_n3A_1145 : i32
      %select_n3A_1156 = arith.select %and3A_1154, %add3A_1155, %rem3A_1146 : i32
      %get3A_1157 = arith.index_cast %select_n3A_1156 : i32 to index
      %get3A_1158 = arith.constant 112 : index
      %get3A_1159 = tpu.vector_load %arg5[%get3A_1157, %get3A_1158] {strides = array<i32>} : memref<64x200xi32, #tpu.memory_space<vmem>>, vector<1x16xi32>,
      %get3A_1160 = vector.shape_cast %get3A_1159 : vector<1x16xi32> to vector<16xi32>
      %swap3A_1161 = arith.constant 112 : index
      %swap3A_1162 = tpu.vector_load %arg7[%swap3A_1161] {strides = array<i32>} : memref<200xi32, #tpu.memory_space<vmem>>, vector<16xi32>,
      %swap3A_1163 = vector.shape_cast %swap3A_1162 : vector<16xi32> to vector<16xi32>
      %swap3A_1164 = vector.shape_cast %get3A_1160 : vector<16xi32> to vector<16xi32>
      tpu.vector_store %arg7[%swap3A_1161], %swap3A_1164 {strides = array<i32>} : memref<200xi32, #tpu.memory_space<vmem>>, vector<16xi32>,
      %jit3A_1165 = arith.constant 64 : i32
      %eq3A_1166 = arith.constant 0 : i32
      %eq3A_1167 = arith.cmpi eq, %jit3A_1165, %eq3A_1166 : i32
      %jit3A_1168 = arith.constant 1 : i32
      %select_n3A_1169 = arith.select %eq3A_1167, %jit3A_1168, %jit3A_1165 : i32
      %rem3A_1170 = arith.remsi %add3A_972, %select_n3A_1169 : i32
      %ne3A_1171 = arith.constant 0 : i32
      %ne3A_1172 = arith.cmpi ne, %rem3A_1170, %ne3A_1171 : i32
      %lt3A_1173 = arith.constant 0 : i32
      %lt3A_1174 = arith.cmpi slt, %rem3A_1170, %lt3A_1173 : i32
      %lt3A_1175 = arith.constant 0 : i32
      %lt3A_1176 = arith.cmpi slt, %select_n3A_1169, %lt3A_1175 : i32
      %ne3A_1177 = arith.xori %lt3A_1174, %lt3A_1176 : i1
      %and3A_1178 = arith.andi %ne3A_1177, %ne3A_1172 : i1
      %add3A_1179 = arith.addi %rem3A_1170, %select_n3A_1169 : i32
      %select_n3A_1180 = arith.select %and3A_1178, %add3A_1179, %rem3A_1170 : i32
      %get3A_1181 = arith.index_cast %select_n3A_1180 : i32 to index
      %get3A_1182 = arith.constant 128 : index
      %get3A_1183 = tpu.vector_load %arg5[%get3A_1181, %get3A_1182] {strides = array<i32>} : memref<64x200xi32, #tpu.memory_space<vmem>>, vector<1x16xi32>,
      %get3A_1184 = vector.shape_cast %get3A_1183 : vector<1x16xi32> to vector<16xi32>
      %swap3A_1185 = arith.constant 128 : index
      %swap3A_1186 = tpu.vector_load %arg7[%swap3A_1185] {strides = array<i32>} : memref<200xi32, #tpu.memory_space<vmem>>, vector<16xi32>,
      %swap3A_1187 = vector.shape_cast %swap3A_1186 : vector<16xi32> to vector<16xi32>
      %swap3A_1188 = vector.shape_cast %get3A_1184 : vector<16xi32> to vector<16xi32>
      tpu.vector_store %arg7[%swap3A_1185], %swap3A_1188 {strides = array<i32>} : memref<200xi32, #tpu.memory_space<vmem>>, vector<16xi32>,
      %jit3A_1189 = arith.constant 64 : i32
      %eq3A_1190 = arith.constant 0 : i32
      %eq3A_1191 = arith.cmpi eq, %jit3A_1189, %eq3A_1190 : i32
      %jit3A_1192 = arith.constant 1 : i32
      %select_n3A_1193 = arith.select %eq3A_1191, %jit3A_1192, %jit3A_1189 : i32
      %rem3A_1194 = arith.remsi %add3A_972, %select_n3A_1193 : i32
      %ne3A_1195 = arith.constant 0 : i32
      %ne3A_1196 = arith.cmpi ne, %rem3A_1194, %ne3A_1195 : i32
      %lt3A_1197 = arith.constant 0 : i32
      %lt3A_1198 = arith.cmpi slt, %rem3A_1194, %lt3A_1197 : i32
      %lt3A_1199 = arith.constant 0 : i32
      %lt3A_1200 = arith.cmpi slt, %select_n3A_1193, %lt3A_1199 : i32
      %ne3A_1201 = arith.xori %lt3A_1198, %lt3A_1200 : i1
      %and3A_1202 = arith.andi %ne3A_1201, %ne3A_1196 : i1
      %add3A_1203 = arith.addi %rem3A_1194, %select_n3A_1193 : i32
      %select_n3A_1204 = arith.select %and3A_1202, %add3A_1203, %rem3A_1194 : i32
      %get3A_1205 = arith.index_cast %select_n3A_1204 : i32 to index
      %get3A_1206 = arith.constant 144 : index
      %get3A_1207 = tpu.vector_load %arg5[%get3A_1205, %get3A_1206] {strides = array<i32>} : memref<64x200xi32, #tpu.memory_space<vmem>>, vector<1x16xi32>,
      %get3A_1208 = vector.shape_cast %get3A_1207 : vector<1x16xi32> to vector<16xi32>
      %swap3A_1209 = arith.constant 144 : index
      %swap3A_1210 = tpu.vector_load %arg7[%swap3A_1209] {strides = array<i32>} : memref<200xi32, #tpu.memory_space<vmem>>, vector<16xi32>,
      %swap3A_1211 = vector.shape_cast %swap3A_1210 : vector<16xi32> to vector<16xi32>
      %swap3A_1212 = vector.shape_cast %get3A_1208 : vector<16xi32> to vector<16xi32>
      tpu.vector_store %arg7[%swap3A_1209], %swap3A_1212 {strides = array<i32>} : memref<200xi32, #tpu.memory_space<vmem>>, vector<16xi32>,
      %jit3A_1213 = arith.constant 64 : i32
      %eq3A_1214 = arith.constant 0 : i32
      %eq3A_1215 = arith.cmpi eq, %jit3A_1213, %eq3A_1214 : i32
      %jit3A_1216 = arith.constant 1 : i32
      %select_n3A_1217 = arith.select %eq3A_1215, %jit3A_1216, %jit3A_1213 : i32
      %rem3A_1218 = arith.remsi %add3A_972, %select_n3A_1217 : i32
      %ne3A_1219 = arith.constant 0 : i32
      %ne3A_1220 = arith.cmpi ne, %rem3A_1218, %ne3A_1219 : i32
      %lt3A_1221 = arith.constant 0 : i32
      %lt3A_1222 = arith.cmpi slt, %rem3A_1218, %lt3A_1221 : i32
      %lt3A_1223 = arith.constant 0 : i32
      %lt3A_1224 = arith.cmpi slt, %select_n3A_1217, %lt3A_1223 : i32
      %ne3A_1225 = arith.xori %lt3A_1222, %lt3A_1224 : i1
      %and3A_1226 = arith.andi %ne3A_1225, %ne3A_1220 : i1
      %add3A_1227 = arith.addi %rem3A_1218, %select_n3A_1217 : i32
      %select_n3A_1228 = arith.select %and3A_1226, %add3A_1227, %rem3A_1218 : i32
      %get3A_1229 = arith.index_cast %select_n3A_1228 : i32 to index
      %get3A_1230 = arith.constant 160 : index
      %get3A_1231 = tpu.vector_load %arg5[%get3A_1229, %get3A_1230] {strides = array<i32>} : memref<64x200xi32, #tpu.memory_space<vmem>>, vector<1x16xi32>,
      %get3A_1232 = vector.shape_cast %get3A_1231 : vector<1x16xi32> to vector<16xi32>
      %swap3A_1233 = arith.constant 160 : index
      %swap3A_1234 = tpu.vector_load %arg7[%swap3A_1233] {strides = array<i32>} : memref<200xi32, #tpu.memory_space<vmem>>, vector<16xi32>,
      %swap3A_1235 = vector.shape_cast %swap3A_1234 : vector<16xi32> to vector<16xi32>
      %swap3A_1236 = vector.shape_cast %get3A_1232 : vector<16xi32> to vector<16xi32>
      tpu.vector_store %arg7[%swap3A_1233], %swap3A_1236 {strides = array<i32>} : memref<200xi32, #tpu.memory_space<vmem>>, vector<16xi32>,
      %jit3A_1237 = arith.constant 64 : i32
      %eq3A_1238 = arith.constant 0 : i32
      %eq3A_1239 = arith.cmpi eq, %jit3A_1237, %eq3A_1238 : i32
      %jit3A_1240 = arith.constant 1 : i32
      %select_n3A_1241 = arith.select %eq3A_1239, %jit3A_1240, %jit3A_1237 : i32
      %rem3A_1242 = arith.remsi %add3A_972, %select_n3A_1241 : i32
      %ne3A_1243 = arith.constant 0 : i32
      %ne3A_1244 = arith.cmpi ne, %rem3A_1242, %ne3A_1243 : i32
      %lt3A_1245 = arith.constant 0 : i32
      %lt3A_1246 = arith.cmpi slt, %rem3A_1242, %lt3A_1245 : i32
      %lt3A_1247 = arith.constant 0 : i32
      %lt3A_1248 = arith.cmpi slt, %select_n3A_1241, %lt3A_1247 : i32
      %ne3A_1249 = arith.xori %lt3A_1246, %lt3A_1248 : i1
      %and3A_1250 = arith.andi %ne3A_1249, %ne3A_1244 : i1
      %add3A_1251 = arith.addi %rem3A_1242, %select_n3A_1241 : i32
      %select_n3A_1252 = arith.select %and3A_1250, %add3A_1251, %rem3A_1242 : i32
      %get3A_1253 = arith.index_cast %select_n3A_1252 : i32 to index
      %get3A_1254 = arith.constant 176 : index
      %get3A_1255 = tpu.vector_load %arg5[%get3A_1253, %get3A_1254] {strides = array<i32>} : memref<64x200xi32, #tpu.memory_space<vmem>>, vector<1x16xi32>,
      %get3A_1256 = vector.shape_cast %get3A_1255 : vector<1x16xi32> to vector<16xi32>
      %swap3A_1257 = arith.constant 176 : index
      %swap3A_1258 = tpu.vector_load %arg7[%swap3A_1257] {strides = array<i32>} : memref<200xi32, #tpu.memory_space<vmem>>, vector<16xi32>,
      %swap3A_1259 = vector.shape_cast %swap3A_1258 : vector<16xi32> to vector<16xi32>
      %swap3A_1260 = vector.shape_cast %get3A_1256 : vector<16xi32> to vector<16xi32>
      tpu.vector_store %arg7[%swap3A_1257], %swap3A_1260 {strides = array<i32>} : memref<200xi32, #tpu.memory_space<vmem>>, vector<16xi32>,
      %jit3A_1261 = arith.constant 64 : i32
      %eq3A_1262 = arith.constant 0 : i32
      %eq3A_1263 = arith.cmpi eq, %jit3A_1261, %eq3A_1262 : i32
      %jit3A_1264 = arith.constant 1 : i32
      %select_n3A_1265 = arith.select %eq3A_1263, %jit3A_1264, %jit3A_1261 : i32
      %rem3A_1266 = arith.remsi %add3A_972, %select_n3A_1265 : i32
      %ne3A_1267 = arith.constant 0 : i32
      %ne3A_1268 = arith.cmpi ne, %rem3A_1266, %ne3A_1267 : i32
      %lt3A_1269 = arith.constant 0 : i32
      %lt3A_1270 = arith.cmpi slt, %rem3A_1266, %lt3A_1269 : i32
      %lt3A_1271 = arith.constant 0 : i32
      %lt3A_1272 = arith.cmpi slt, %select_n3A_1265, %lt3A_1271 : i32
      %ne3A_1273 = arith.xori %lt3A_1270, %lt3A_1272 : i1
      %and3A_1274 = arith.andi %ne3A_1273, %ne3A_1268 : i1
      %add3A_1275 = arith.addi %rem3A_1266, %select_n3A_1265 : i32
      %select_n3A_1276 = arith.select %and3A_1274, %add3A_1275, %rem3A_1266 : i32
      %get3A_1277 = arith.index_cast %select_n3A_1276 : i32 to index
      %get3A_1278 = arith.constant 184 : index
      %get3A_1279 = tpu.vector_load %arg5[%get3A_1277, %get3A_1278] {strides = array<i32>} : memref<64x200xi32, #tpu.memory_space<vmem>>, vector<1x16xi32>,
      %get3A_1280 = vector.shape_cast %get3A_1279 : vector<1x16xi32> to vector<16xi32>
      %swap3A_1281 = arith.constant 184 : index
      %swap3A_1282 = tpu.vector_load %arg7[%swap3A_1281] {strides = array<i32>} : memref<200xi32, #tpu.memory_space<vmem>>, vector<16xi32>,
      %swap3A_1283 = vector.shape_cast %swap3A_1282 : vector<16xi32> to vector<16xi32>
      %swap3A_1284 = vector.shape_cast %get3A_1280 : vector<16xi32> to vector<16xi32>
      tpu.vector_store %arg7[%swap3A_1281], %swap3A_1284 {strides = array<i32>} : memref<200xi32, #tpu.memory_space<vmem>>, vector<16xi32>,
      %dma_start3A_1285 = arith.constant 0 : i32
      %dma_start3A_1286 = arith.constant 0 : i32
      %dma_start3A_1287 = tpu.memref_slice %arg3[%dma_start3A_1285, %dma_start3A_1286] : memref<1000000x128xf32, #tpu.memory_space<hbm>> -> memref<1000000x128xf32, #tpu.memory_space<hbm>>
      tpu.enqueue_indirect_dma source(%dma_start3A_1287 : memref<1000000x128xf32, #tpu.memory_space<hbm>>) target(%arg9 : memref<200x128xf32, #tpu.memory_space<vmem>>) offsets(%arg7 : memref<200xi32, #tpu.memory_space<vmem>>) semaphore(%arg13 : memref<!tpu.dma_semaphore, #tpu.memory_space<semaphore_mem>>)
      %scan3A_1288 = arith.constant 0 : i32
      %scan3A_1289 = arith.constant 200 : i32
      %scan3A_1290 = arith.addi %scan3A_1288, %scan3A_1289 : i32
      %scan3A_1291 = arith.constant 1 : i32
      scf.for %scan3A_1304 = %scan3A_1288 to %scan3A_1290 step %scan3A_1291  : i32 {
        %mul3A_1305 = arith.constant 1 : i32
        %mul3A_1306 = arith.muli %scan3A_1304, %mul3A_1305 : i32
        %add3A_1307 = arith.constant 0 : i32
        %add3A_1308 = arith.addi %add3A_1307, %mul3A_1306 : i32
        %get3A_1309 = arith.index_cast %add3A_1308 : i32 to index
        %get3A_1310 = arith.constant 0 : index
        %get3A_1311 = tpu.vector_load %arg8[%get3A_1309, %get3A_1310] {strides = array<i32>} : memref<200x128xf32, #tpu.memory_space<vmem>>, vector<1x16xf32>,
        %get3A_1312 = vector.shape_cast %get3A_1311 : vector<1x16xf32> to vector<16xf32>
        %swap3A_1313 = arith.index_cast %add3A_1308 : i32 to index
        %swap3A_1314 = arith.constant 0 : index
        %swap3A_1315 = tpu.vector_load %arg10[%swap3A_1313, %swap3A_1314] {strides = array<i32>} : memref<200x64xf32, #tpu.memory_space<vmem>>, vector<1x16xf32>,
        %swap3A_1316 = vector.shape_cast %swap3A_1315 : vector<1x16xf32> to vector<16xf32>
        %swap3A_1317 = vector.shape_cast %get3A_1312 : vector<16xf32> to vector<1x16xf32>
        tpu.vector_store %arg10[%swap3A_1313, %swap3A_1314], %swap3A_1317 {strides = array<i32>} : memref<200x64xf32, #tpu.memory_space<vmem>>, vector<1x16xf32>,
        %get3A_1318 = arith.index_cast %add3A_1308 : i32 to index
        %get3A_1319 = arith.constant 16 : index
        %get3A_1320 = tpu.vector_load %arg8[%get3A_1318, %get3A_1319] {strides = array<i32>} : memref<200x128xf32, #tpu.memory_space<vmem>>, vector<1x16xf32>,
        %get3A_1321 = vector.shape_cast %get3A_1320 : vector<1x16xf32> to vector<16xf32>
        %swap3A_1322 = arith.index_cast %add3A_1308 : i32 to index
        %swap3A_1323 = arith.constant 16 : index
        %swap3A_1324 = tpu.vector_load %arg10[%swap3A_1322, %swap3A_1323] {strides = array<i32>} : memref<200x64xf32, #tpu.memory_space<vmem>>, vector<1x16xf32>,
        %swap3A_1325 = vector.shape_cast %swap3A_1324 : vector<1x16xf32> to vector<16xf32>
        %swap3A_1326 = vector.shape_cast %get3A_1321 : vector<16xf32> to vector<1x16xf32>
        tpu.vector_store %arg10[%swap3A_1322, %swap3A_1323], %swap3A_1326 {strides = array<i32>} : memref<200x64xf32, #tpu.memory_space<vmem>>, vector<1x16xf32>,
        %get3A_1327 = arith.index_cast %add3A_1308 : i32 to index
        %get3A_1328 = arith.constant 32 : index
        %get3A_1329 = tpu.vector_load %arg8[%get3A_1327, %get3A_1328] {strides = array<i32>} : memref<200x128xf32, #tpu.memory_space<vmem>>, vector<1x16xf32>,
        %get3A_1330 = vector.shape_cast %get3A_1329 : vector<1x16xf32> to vector<16xf32>
        %swap3A_1331 = arith.index_cast %add3A_1308 : i32 to index
        %swap3A_1332 = arith.constant 32 : index
        %swap3A_1333 = tpu.vector_load %arg10[%swap3A_1331, %swap3A_1332] {strides = array<i32>} : memref<200x64xf32, #tpu.memory_space<vmem>>, vector<1x16xf32>,
        %swap3A_1334 = vector.shape_cast %swap3A_1333 : vector<1x16xf32> to vector<16xf32>
        %swap3A_1335 = vector.shape_cast %get3A_1330 : vector<16xf32> to vector<1x16xf32>
        tpu.vector_store %arg10[%swap3A_1331, %swap3A_1332], %swap3A_1335 {strides = array<i32>} : memref<200x64xf32, #tpu.memory_space<vmem>>, vector<1x16xf32>,
        %get3A_1336 = arith.index_cast %add3A_1308 : i32 to index
        %get3A_1337 = arith.constant 48 : index
        %get3A_1338 = tpu.vector_load %arg8[%get3A_1336, %get3A_1337] {strides = array<i32>} : memref<200x128xf32, #tpu.memory_space<vmem>>, vector<1x16xf32>,
        %get3A_1339 = vector.shape_cast %get3A_1338 : vector<1x16xf32> to vector<16xf32>
        %swap3A_1340 = arith.index_cast %add3A_1308 : i32 to index
        %swap3A_1341 = arith.constant 48 : index
        %swap3A_1342 = tpu.vector_load %arg10[%swap3A_1340, %swap3A_1341] {strides = array<i32>} : memref<200x64xf32, #tpu.memory_space<vmem>>, vector<1x16xf32>,
        %swap3A_1343 = vector.shape_cast %swap3A_1342 : vector<1x16xf32> to vector<16xf32>
        %swap3A_1344 = vector.shape_cast %get3A_1339 : vector<16xf32> to vector<1x16xf32>
        tpu.vector_store %arg10[%swap3A_1340, %swap3A_1341], %swap3A_1344 {strides = array<i32>} : memref<200x64xf32, #tpu.memory_space<vmem>>, vector<1x16xf32>,
      }
      %scan3A_1292 = arith.constant 200 : i32
      %add3A_1293 = arith.addi %mul3A_2, %add3A_956 : i32
      %dma_start3A_1294 = arith.constant 0 : i32
      %dma_start3A_1295 = arith.constant 0 : i32
      %dma_start3A_1296 = tpu.memref_slice %arg4[%add3A_1293, %dma_start3A_1294, %dma_start3A_1295] : memref<4096x200x64xf32, #tpu.memory_space<hbm>> -> memref<1x200x64xf32, #tpu.memory_space<hbm>>
      %dma_start3A_1297 = tpu.memref_squeeze %dma_start3A_1296 : memref<1x200x64xf32, #tpu.memory_space<hbm>> -> memref<200x64xf32, #tpu.memory_space<hbm>>
      %dma_start3A_1298 = arith.constant 0 : i32
      %dma_start3A_1299 = arith.constant 0 : i32
      %dma_start3A_1300 = tpu.memref_slice %arg4[%add3A_1293, %dma_start3A_1298, %dma_start3A_1299] : memref<4096x200x64xf32, #tpu.memory_space<hbm>> -> memref<1x200x64xf32, #tpu.memory_space<hbm>>
      %dma_start3A_1301 = tpu.memref_squeeze %dma_start3A_1300 : memref<1x200x64xf32, #tpu.memory_space<hbm>> -> memref<200x64xf32, #tpu.memory_space<hbm>>
      tpu.enqueue_dma source(%arg10 : memref<200x64xf32, #tpu.memory_space<vmem>>) target(%dma_start3A_1301 : memref<200x64xf32, #tpu.memory_space<hbm>>) target_semaphore(%arg14 : memref<!tpu.dma_semaphore, #tpu.memory_space<semaphore_mem>>)
      %add3A_1302 = arith.constant 1 : i32
      %add3A_1303 = arith.addi %add3A_956, %add3A_1302 : i32
    }
    %scan3A_265 = arith.constant 31 : i32
    %dma_wait3A_266 = arith.constant 0 : i32
    %dma_wait3A_267 = arith.constant 0 : i32
    %dma_wait3A_268 = tpu.memref_slice %arg3[%dma_wait3A_266, %dma_wait3A_267] : memref<1000000x128xf32, #tpu.memory_space<hbm>> -> memref<200x128xf32, #tpu.memory_space<hbm>>
    %dma_wait3A_269 = arith.constant 0 : i32
    %dma_wait3A_270 = arith.constant 0 : i32
    %dma_wait3A_271 = tpu.memref_slice %arg3[%dma_wait3A_269, %dma_wait3A_270] : memref<1000000x128xf32, #tpu.memory_space<hbm>> -> memref<200x128xf32, #tpu.memory_space<hbm>>
    tpu.wait_dma2 semaphore(%arg13 : memref<!tpu.dma_semaphore, #tpu.memory_space<semaphore_mem>>) src(%dma_wait3A_271 : memref<200x128xf32, #tpu.memory_space<hbm>>) dst(%arg9 : memref<200x128xf32, #tpu.memory_space<vmem>>)
    %add3A_272 = arith.constant 64 : i32
    %add3A_273 = arith.addi %mul3A_2, %add3A_272 : i32
    "tpu.region"() ({
      %run_scoped3A = tpu.sem_alloc : memref<!tpu.dma_semaphore, #tpu.memory_space<semaphore_mem>>
      %dma_start3A_608 = arith.constant 0 : i32
      %dma_start3A_609 = tpu.memref_slice %arg2[%add3A_273, %dma_start3A_608] : memref<4096x200xi32, #tpu.memory_space<hbm>> -> memref<64x200xi32, #tpu.memory_space<hbm>>
      %dma_start3A_610 = arith.constant 0 : i32
      %dma_start3A_611 = tpu.memref_slice %arg2[%add3A_273, %dma_start3A_610] : memref<4096x200xi32, #tpu.memory_space<hbm>> -> memref<64x200xi32, #tpu.memory_space<hbm>>
      tpu.enqueue_dma source(%dma_start3A_611 : memref<64x200xi32, #tpu.memory_space<hbm>>) target(%arg5 : memref<64x200xi32, #tpu.memory_space<vmem>>) target_semaphore(%run_scoped3A : memref<!tpu.dma_semaphore, #tpu.memory_space<semaphore_mem>>)
      %dma_wait3A_612 = arith.constant 0 : i32
      %dma_wait3A_613 = tpu.memref_slice %arg2[%add3A_273, %dma_wait3A_612] : memref<4096x200xi32, #tpu.memory_space<hbm>> -> memref<64x200xi32, #tpu.memory_space<hbm>>
      %dma_wait3A_614 = arith.constant 0 : i32
      %dma_wait3A_615 = tpu.memref_slice %arg2[%add3A_273, %dma_wait3A_614] : memref<4096x200xi32, #tpu.memory_space<hbm>> -> memref<64x200xi32, #tpu.memory_space<hbm>>
      tpu.wait_dma2 semaphore(%run_scoped3A : memref<!tpu.dma_semaphore, #tpu.memory_space<semaphore_mem>>) src(%dma_wait3A_615 : memref<64x200xi32, #tpu.memory_space<hbm>>) dst(%arg5 : memref<64x200xi32, #tpu.memory_space<vmem>>)
      tpu.yield
    }) : () -> ()
    %dma_wait3A_274 = arith.constant 0 : i32
    %dma_wait3A_275 = arith.constant 0 : i32
    %dma_wait3A_276 = tpu.memref_slice %arg4[%mul3A_2, %dma_wait3A_274, %dma_wait3A_275] : memref<4096x200x64xf32, #tpu.memory_space<hbm>> -> memref<1x200x64xf32, #tpu.memory_space<hbm>>
    %dma_wait3A_277 = tpu.memref_squeeze %dma_wait3A_276 : memref<1x200x64xf32, #tpu.memory_space<hbm>> -> memref<200x64xf32, #tpu.memory_space<hbm>>
    %dma_wait3A_278 = arith.constant 0 : i32
    %dma_wait3A_279 = arith.constant 0 : i32
    %dma_wait3A_280 = tpu.memref_slice %arg4[%mul3A_2, %dma_wait3A_278, %dma_wait3A_279] : memref<4096x200x64xf32, #tpu.memory_space<hbm>> -> memref<1x200x64xf32, #tpu.memory_space<hbm>>
    %dma_wait3A_281 = tpu.memref_squeeze %dma_wait3A_280 : memref<1x200x64xf32, #tpu.memory_space<hbm>> -> memref<200x64xf32, #tpu.memory_space<hbm>>
    tpu.wait_dma2 semaphore(%arg14 : memref<!tpu.dma_semaphore, #tpu.memory_space<semaphore_mem>>) src(%arg10 : memref<200x64xf32, #tpu.memory_space<vmem>>) dst(%dma_wait3A_281 : memref<200x64xf32, #tpu.memory_space<hbm>>)
    %get3A_282 = arith.constant 0 : i32
    %get3A_283 = arith.index_cast %get3A_282 : i32 to index
    %get3A_284 = arith.constant 0 : index
    %get3A_285 = tpu.vector_load %arg5[%get3A_283, %get3A_284] {strides = array<i32>} : memref<64x200xi32, #tpu.memory_space<vmem>>, vector<1x16xi32>,
    %get3A_286 = vector.shape_cast %get3A_285 : vector<1x16xi32> to vector<16xi32>
    %swap3A_287 = arith.constant 0 : index
    %swap3A_288 = tpu.vector_load %arg6[%swap3A_287] {strides = array<i32>} : memref<200xi32, #tpu.memory_space<vmem>>, vector<16xi32>,
    %swap3A_289 = vector.shape_cast %swap3A_288 : vector<16xi32> to vector<16xi32>
    %swap3A_290 = vector.shape_cast %get3A_286 : vector<16xi32> to vector<16xi32>
    tpu.vector_store %arg6[%swap3A_287], %swap3A_290 {strides = array<i32>} : memref<200xi32, #tpu.memory_space<vmem>>, vector<16xi32>,
    %get3A_291 = arith.constant 0 : i32
    %get3A_292 = arith.index_cast %get3A_291 : i32 to index
    %get3A_293 = arith.constant 16 : index
    %get3A_294 = tpu.vector_load %arg5[%get3A_292, %get3A_293] {strides = array<i32>} : memref<64x200xi32, #tpu.memory_space<vmem>>, vector<1x16xi32>,
    %get3A_295 = vector.shape_cast %get3A_294 : vector<1x16xi32> to vector<16xi32>
    %swap3A_296 = arith.constant 16 : index
    %swap3A_297 = tpu.vector_load %arg6[%swap3A_296] {strides = array<i32>} : memref<200xi32, #tpu.memory_space<vmem>>, vector<16xi32>,
    %swap3A_298 = vector.shape_cast %swap3A_297 : vector<16xi32> to vector<16xi32>
    %swap3A_299 = vector.shape_cast %get3A_295 : vector<16xi32> to vector<16xi32>
    tpu.vector_store %arg6[%swap3A_296], %swap3A_299 {strides = array<i32>} : memref<200xi32, #tpu.memory_space<vmem>>, vector<16xi32>,
    %get3A_300 = arith.constant 0 : i32
    %get3A_301 = arith.index_cast %get3A_300 : i32 to index
    %get3A_302 = arith.constant 32 : index
    %get3A_303 = tpu.vector_load %arg5[%get3A_301, %get3A_302] {strides = array<i32>} : memref<64x200xi32, #tpu.memory_space<vmem>>, vector<1x16xi32>,
    %get3A_304 = vector.shape_cast %get3A_303 : vector<1x16xi32> to vector<16xi32>
    %swap3A_305 = arith.constant 32 : index
    %swap3A_306 = tpu.vector_load %arg6[%swap3A_305] {strides = array<i32>} : memref<200xi32, #tpu.memory_space<vmem>>, vector<16xi32>,
    %swap3A_307 = vector.shape_cast %swap3A_306 : vector<16xi32> to vector<16xi32>
    %swap3A_308 = vector.shape_cast %get3A_304 : vector<16xi32> to vector<16xi32>
    tpu.vector_store %arg6[%swap3A_305], %swap3A_308 {strides = array<i32>} : memref<200xi32, #tpu.memory_space<vmem>>, vector<16xi32>,
    %get3A_309 = arith.constant 0 : i32
    %get3A_310 = arith.index_cast %get3A_309 : i32 to index
    %get3A_311 = arith.constant 48 : index
    %get3A_312 = tpu.vector_load %arg5[%get3A_310, %get3A_311] {strides = array<i32>} : memref<64x200xi32, #tpu.memory_space<vmem>>, vector<1x16xi32>,
    %get3A_313 = vector.shape_cast %get3A_312 : vector<1x16xi32> to vector<16xi32>
    %swap3A_314 = arith.constant 48 : index
    %swap3A_315 = tpu.vector_load %arg6[%swap3A_314] {strides = array<i32>} : memref<200xi32, #tpu.memory_space<vmem>>, vector<16xi32>,
    %swap3A_316 = vector.shape_cast %swap3A_315 : vector<16xi32> to vector<16xi32>
    %swap3A_317 = vector.shape_cast %get3A_313 : vector<16xi32> to vector<16xi32>
    tpu.vector_store %arg6[%swap3A_314], %swap3A_317 {strides = array<i32>} : memref<200xi32, #tpu.memory_space<vmem>>, vector<16xi32>,
    %get3A_318 = arith.constant 0 : i32
    %get3A_319 = arith.index_cast %get3A_318 : i32 to index
    %get3A_320 = arith.constant 64 : index
    %get3A_321 = tpu.vector_load %arg5[%get3A_319, %get3A_320] {strides = array<i32>} : memref<64x200xi32, #tpu.memory_space<vmem>>, vector<1x16xi32>,
    %get3A_322 = vector.shape_cast %get3A_321 : vector<1x16xi32> to vector<16xi32>
    %swap3A_323 = arith.constant 64 : index
    %swap3A_324 = tpu.vector_load %arg6[%swap3A_323] {strides = array<i32>} : memref<200xi32, #tpu.memory_space<vmem>>, vector<16xi32>,
    %swap3A_325 = vector.shape_cast %swap3A_324 : vector<16xi32> to vector<16xi32>
    %swap3A_326 = vector.shape_cast %get3A_322 : vector<16xi32> to vector<16xi32>
    tpu.vector_store %arg6[%swap3A_323], %swap3A_326 {strides = array<i32>} : memref<200xi32, #tpu.memory_space<vmem>>, vector<16xi32>,
    %get3A_327 = arith.constant 0 : i32
    %get3A_328 = arith.index_cast %get3A_327 : i32 to index
    %get3A_329 = arith.constant 80 : index
    %get3A_330 = tpu.vector_load %arg5[%get3A_328, %get3A_329] {strides = array<i32>} : memref<64x200xi32, #tpu.memory_space<vmem>>, vector<1x16xi32>,
    %get3A_331 = vector.shape_cast %get3A_330 : vector<1x16xi32> to vector<16xi32>
    %swap3A_332 = arith.constant 80 : index
    %swap3A_333 = tpu.vector_load %arg6[%swap3A_332] {strides = array<i32>} : memref<200xi32, #tpu.memory_space<vmem>>, vector<16xi32>,
    %swap3A_334 = vector.shape_cast %swap3A_333 : vector<16xi32> to vector<16xi32>
    %swap3A_335 = vector.shape_cast %get3A_331 : vector<16xi32> to vector<16xi32>
    tpu.vector_store %arg6[%swap3A_332], %swap3A_335 {strides = array<i32>} : memref<200xi32, #tpu.memory_space<vmem>>, vector<16xi32>,
    %get3A_336 = arith.constant 0 : i32
    %get3A_337 = arith.index_cast %get3A_336 : i32 to index
    %get3A_338 = arith.constant 96 : index
    %get3A_339 = tpu.vector_load %arg5[%get3A_337, %get3A_338] {strides = array<i32>} : memref<64x200xi32, #tpu.memory_space<vmem>>, vector<1x16xi32>,
    %get3A_340 = vector.shape_cast %get3A_339 : vector<1x16xi32> to vector<16xi32>
    %swap3A_341 = arith.constant 96 : index
    %swap3A_342 = tpu.vector_load %arg6[%swap3A_341] {strides = array<i32>} : memref<200xi32, #tpu.memory_space<vmem>>, vector<16xi32>,
    %swap3A_343 = vector.shape_cast %swap3A_342 : vector<16xi32> to vector<16xi32>
    %swap3A_344 = vector.shape_cast %get3A_340 : vector<16xi32> to vector<16xi32>
    tpu.vector_store %arg6[%swap3A_341], %swap3A_344 {strides = array<i32>} : memref<200xi32, #tpu.memory_space<vmem>>, vector<16xi32>,
    %get3A_345 = arith.constant 0 : i32
    %get3A_346 = arith.index_cast %get3A_345 : i32 to index
    %get3A_347 = arith.constant 112 : index
    %get3A_348 = tpu.vector_load %arg5[%get3A_346, %get3A_347] {strides = array<i32>} : memref<64x200xi32, #tpu.memory_space<vmem>>, vector<1x16xi32>,
    %get3A_349 = vector.shape_cast %get3A_348 : vector<1x16xi32> to vector<16xi32>
    %swap3A_350 = arith.constant 112 : index
    %swap3A_351 = tpu.vector_load %arg6[%swap3A_350] {strides = array<i32>} : memref<200xi32, #tpu.memory_space<vmem>>, vector<16xi32>,
    %swap3A_352 = vector.shape_cast %swap3A_351 : vector<16xi32> to vector<16xi32>
    %swap3A_353 = vector.shape_cast %get3A_349 : vector<16xi32> to vector<16xi32>
    tpu.vector_store %arg6[%swap3A_350], %swap3A_353 {strides = array<i32>} : memref<200xi32, #tpu.memory_space<vmem>>, vector<16xi32>,
    %get3A_354 = arith.constant 0 : i32
    %get3A_355 = arith.index_cast %get3A_354 : i32 to index
    %get3A_356 = arith.constant 128 : index
    %get3A_357 = tpu.vector_load %arg5[%get3A_355, %get3A_356] {strides = array<i32>} : memref<64x200xi32, #tpu.memory_space<vmem>>, vector<1x16xi32>,
    %get3A_358 = vector.shape_cast %get3A_357 : vector<1x16xi32> to vector<16xi32>
    %swap3A_359 = arith.constant 128 : index
    %swap3A_360 = tpu.vector_load %arg6[%swap3A_359] {strides = array<i32>} : memref<200xi32, #tpu.memory_space<vmem>>, vector<16xi32>,
    %swap3A_361 = vector.shape_cast %swap3A_360 : vector<16xi32> to vector<16xi32>
    %swap3A_362 = vector.shape_cast %get3A_358 : vector<16xi32> to vector<16xi32>
    tpu.vector_store %arg6[%swap3A_359], %swap3A_362 {strides = array<i32>} : memref<200xi32, #tpu.memory_space<vmem>>, vector<16xi32>,
    %get3A_363 = arith.constant 0 : i32
    %get3A_364 = arith.index_cast %get3A_363 : i32 to index
    %get3A_365 = arith.constant 144 : index
    %get3A_366 = tpu.vector_load %arg5[%get3A_364, %get3A_365] {strides = array<i32>} : memref<64x200xi32, #tpu.memory_space<vmem>>, vector<1x16xi32>,
    %get3A_367 = vector.shape_cast %get3A_366 : vector<1x16xi32> to vector<16xi32>
    %swap3A_368 = arith.constant 144 : index
    %swap3A_369 = tpu.vector_load %arg6[%swap3A_368] {strides = array<i32>} : memref<200xi32, #tpu.memory_space<vmem>>, vector<16xi32>,
    %swap3A_370 = vector.shape_cast %swap3A_369 : vector<16xi32> to vector<16xi32>
    %swap3A_371 = vector.shape_cast %get3A_367 : vector<16xi32> to vector<16xi32>
    tpu.vector_store %arg6[%swap3A_368], %swap3A_371 {strides = array<i32>} : memref<200xi32, #tpu.memory_space<vmem>>, vector<16xi32>,
    %get3A_372 = arith.constant 0 : i32
    %get3A_373 = arith.index_cast %get3A_372 : i32 to index
    %get3A_374 = arith.constant 160 : index
    %get3A_375 = tpu.vector_load %arg5[%get3A_373, %get3A_374] {strides = array<i32>} : memref<64x200xi32, #tpu.memory_space<vmem>>, vector<1x16xi32>,
    %get3A_376 = vector.shape_cast %get3A_375 : vector<1x16xi32> to vector<16xi32>
    %swap3A_377 = arith.constant 160 : index
    %swap3A_378 = tpu.vector_load %arg6[%swap3A_377] {strides = array<i32>} : memref<200xi32, #tpu.memory_space<vmem>>, vector<16xi32>,
    %swap3A_379 = vector.shape_cast %swap3A_378 : vector<16xi32> to vector<16xi32>
    %swap3A_380 = vector.shape_cast %get3A_376 : vector<16xi32> to vector<16xi32>
    tpu.vector_store %arg6[%swap3A_377], %swap3A_380 {strides = array<i32>} : memref<200xi32, #tpu.memory_space<vmem>>, vector<16xi32>,
    %get3A_381 = arith.constant 0 : i32
    %get3A_382 = arith.index_cast %get3A_381 : i32 to index
    %get3A_383 = arith.constant 176 : index
    %get3A_384 = tpu.vector_load %arg5[%get3A_382, %get3A_383] {strides = array<i32>} : memref<64x200xi32, #tpu.memory_space<vmem>>, vector<1x16xi32>,
    %get3A_385 = vector.shape_cast %get3A_384 : vector<1x16xi32> to vector<16xi32>
    %swap3A_386 = arith.constant 176 : index
    %swap3A_387 = tpu.vector_load %arg6[%swap3A_386] {strides = array<i32>} : memref<200xi32, #tpu.memory_space<vmem>>, vector<16xi32>,
    %swap3A_388 = vector.shape_cast %swap3A_387 : vector<16xi32> to vector<16xi32>
    %swap3A_389 = vector.shape_cast %get3A_385 : vector<16xi32> to vector<16xi32>
    tpu.vector_store %arg6[%swap3A_386], %swap3A_389 {strides = array<i32>} : memref<200xi32, #tpu.memory_space<vmem>>, vector<16xi32>,
    %get3A_390 = arith.constant 0 : i32
    %get3A_391 = arith.index_cast %get3A_390 : i32 to index
    %get3A_392 = arith.constant 184 : index
    %get3A_393 = tpu.vector_load %arg5[%get3A_391, %get3A_392] {strides = array<i32>} : memref<64x200xi32, #tpu.memory_space<vmem>>, vector<1x16xi32>,
    %get3A_394 = vector.shape_cast %get3A_393 : vector<1x16xi32> to vector<16xi32>
    %swap3A_395 = arith.constant 184 : index
    %swap3A_396 = tpu.vector_load %arg6[%swap3A_395] {strides = array<i32>} : memref<200xi32, #tpu.memory_space<vmem>>, vector<16xi32>,
    %swap3A_397 = vector.shape_cast %swap3A_396 : vector<16xi32> to vector<16xi32>
    %swap3A_398 = vector.shape_cast %get3A_394 : vector<16xi32> to vector<16xi32>
    tpu.vector_store %arg6[%swap3A_395], %swap3A_398 {strides = array<i32>} : memref<200xi32, #tpu.memory_space<vmem>>, vector<16xi32>,
    %dma_start3A_399 = arith.constant 0 : i32
    %dma_start3A_400 = arith.constant 0 : i32
    %dma_start3A_401 = tpu.memref_slice %arg3[%dma_start3A_399, %dma_start3A_400] : memref<1000000x128xf32, #tpu.memory_space<hbm>> -> memref<1000000x128xf32, #tpu.memory_space<hbm>>
    tpu.enqueue_indirect_dma source(%dma_start3A_401 : memref<1000000x128xf32, #tpu.memory_space<hbm>>) target(%arg8 : memref<200x128xf32, #tpu.memory_space<vmem>>) offsets(%arg6 : memref<200xi32, #tpu.memory_space<vmem>>) semaphore(%arg12 : memref<!tpu.dma_semaphore, #tpu.memory_space<semaphore_mem>>)
    %scan3A_402 = arith.constant 0 : i32
    %scan3A_403 = arith.constant 200 : i32
    %scan3A_404 = arith.addi %scan3A_402, %scan3A_403 : i32
    %scan3A_405 = arith.constant 1 : i32
    scf.for %scan3A_608 = %scan3A_402 to %scan3A_404 step %scan3A_405  : i32 {
      %mul3A_609 = arith.constant 1 : i32
      %mul3A_610 = arith.muli %scan3A_608, %mul3A_609 : i32
      %add3A_611 = arith.constant 0 : i32
      %add3A_612 = arith.addi %add3A_611, %mul3A_610 : i32
      %get3A_613 = arith.index_cast %add3A_612 : i32 to index
      %get3A_614 = arith.constant 0 : index
      %get3A_615 = tpu.vector_load %arg9[%get3A_613, %get3A_614] {strides = array<i32>} : memref<200x128xf32, #tpu.memory_space<vmem>>, vector<1x16xf32>,
      %get3A_616 = vector.shape_cast %get3A_615 : vector<1x16xf32> to vector<16xf32>
      %swap3A_617 = arith.index_cast %add3A_612 : i32 to index
      %swap3A_618 = arith.constant 0 : index
      %swap3A_619 = tpu.vector_load %arg11[%swap3A_617, %swap3A_618] {strides = array<i32>} : memref<200x64xf32, #tpu.memory_space<vmem>>, vector<1x16xf32>,
      %swap3A_620 = vector.shape_cast %swap3A_619 : vector<1x16xf32> to vector<16xf32>
      %swap3A_621 = vector.shape_cast %get3A_616 : vector<16xf32> to vector<1x16xf32>
      tpu.vector_store %arg11[%swap3A_617, %swap3A_618], %swap3A_621 {strides = array<i32>} : memref<200x64xf32, #tpu.memory_space<vmem>>, vector<1x16xf32>,
      %get3A_622 = arith.index_cast %add3A_612 : i32 to index
      %get3A_623 = arith.constant 16 : index
      %get3A_624 = tpu.vector_load %arg9[%get3A_622, %get3A_623] {strides = array<i32>} : memref<200x128xf32, #tpu.memory_space<vmem>>, vector<1x16xf32>,
      %get3A_625 = vector.shape_cast %get3A_624 : vector<1x16xf32> to vector<16xf32>
      %swap3A_626 = arith.index_cast %add3A_612 : i32 to index
      %swap3A_627 = arith.constant 16 : index
      %swap3A_628 = tpu.vector_load %arg11[%swap3A_626, %swap3A_627] {strides = array<i32>} : memref<200x64xf32, #tpu.memory_space<vmem>>, vector<1x16xf32>,
      %swap3A_629 = vector.shape_cast %swap3A_628 : vector<1x16xf32> to vector<16xf32>
      %swap3A_630 = vector.shape_cast %get3A_625 : vector<16xf32> to vector<1x16xf32>
      tpu.vector_store %arg11[%swap3A_626, %swap3A_627], %swap3A_630 {strides = array<i32>} : memref<200x64xf32, #tpu.memory_space<vmem>>, vector<1x16xf32>,
      %get3A_631 = arith.index_cast %add3A_612 : i32 to index
      %get3A_632 = arith.constant 32 : index
      %get3A_633 = tpu.vector_load %arg9[%get3A_631, %get3A_632] {strides = array<i32>} : memref<200x128xf32, #tpu.memory_space<vmem>>, vector<1x16xf32>,
      %get3A_634 = vector.shape_cast %get3A_633 : vector<1x16xf32> to vector<16xf32>
      %swap3A_635 = arith.index_cast %add3A_612 : i32 to index
      %swap3A_636 = arith.constant 32 : index
      %swap3A_637 = tpu.vector_load %arg11[%swap3A_635, %swap3A_636] {strides = array<i32>} : memref<200x64xf32, #tpu.memory_space<vmem>>, vector<1x16xf32>,
      %swap3A_638 = vector.shape_cast %swap3A_637 : vector<1x16xf32> to vector<16xf32>
      %swap3A_639 = vector.shape_cast %get3A_634 : vector<16xf32> to vector<1x16xf32>
      tpu.vector_store %arg11[%swap3A_635, %swap3A_636], %swap3A_639 {strides = array<i32>} : memref<200x64xf32, #tpu.memory_space<vmem>>, vector<1x16xf32>,
      %get3A_640 = arith.index_cast %add3A_612 : i32 to index
      %get3A_641 = arith.constant 48 : index
      %get3A_642 = tpu.vector_load %arg9[%get3A_640, %get3A_641] {strides = array<i32>} : memref<200x128xf32, #tpu.memory_space<vmem>>, vector<1x16xf32>,
      %get3A_643 = vector.shape_cast %get3A_642 : vector<1x16xf32> to vector<16xf32>
      %swap3A_644 = arith.index_cast %add3A_612 : i32 to index
      %swap3A_645 = arith.constant 48 : index
      %swap3A_646 = tpu.vector_load %arg11[%swap3A_644, %swap3A_645] {strides = array<i32>} : memref<200x64xf32, #tpu.memory_space<vmem>>, vector<1x16xf32>,
      %swap3A_647 = vector.shape_cast %swap3A_646 : vector<1x16xf32> to vector<16xf32>
      %swap3A_648 = vector.shape_cast %get3A_643 : vector<16xf32> to vector<1x16xf32>
      tpu.vector_store %arg11[%swap3A_644, %swap3A_645], %swap3A_648 {strides = array<i32>} : memref<200x64xf32, #tpu.memory_space<vmem>>, vector<1x16xf32>,
    }
    %scan3A_406 = arith.constant 200 : i32
    %add3A_407 = arith.constant 63 : i32
    %add3A_408 = arith.addi %mul3A_2, %add3A_407 : i32
    %dma_start3A_409 = arith.constant 0 : i32
    %dma_start3A_410 = arith.constant 0 : i32
    %dma_start3A_411 = tpu.memref_slice %arg4[%add3A_408, %dma_start3A_409, %dma_start3A_410] : memref<4096x200x64xf32, #tpu.memory_space<hbm>> -> memref<1x200x64xf32, #tpu.memory_space<hbm>>
    %dma_start3A_412 = tpu.memref_squeeze %dma_start3A_411 : memref<1x200x64xf32, #tpu.memory_space<hbm>> -> memref<200x64xf32, #tpu.memory_space<hbm>>
    %dma_start3A_413 = arith.constant 0 : i32
    %dma_start3A_414 = arith.constant 0 : i32
    %dma_start3A_415 = tpu.memref_slice %arg4[%add3A_408, %dma_start3A_413, %dma_start3A_414] : memref<4096x200x64xf32, #tpu.memory_space<hbm>> -> memref<1x200x64xf32, #tpu.memory_space<hbm>>
    %dma_start3A_416 = tpu.memref_squeeze %dma_start3A_415 : memref<1x200x64xf32, #tpu.memory_space<hbm>> -> memref<200x64xf32, #tpu.memory_space<hbm>>
    tpu.enqueue_dma source(%arg11 : memref<200x64xf32, #tpu.memory_space<vmem>>) target(%dma_start3A_416 : memref<200x64xf32, #tpu.memory_space<hbm>>) target_semaphore(%arg15 : memref<!tpu.dma_semaphore, #tpu.memory_space<semaphore_mem>>)
    %scan3A_417 = arith.constant 0 : i32
    %scan3A_418 = arith.constant 31 : i32
    %scan3A_419 = arith.addi %scan3A_417, %scan3A_418 : i32
    %scan3A_420 = arith.constant 1 : i32
    scf.for %scan3A_608 = %scan3A_417 to %scan3A_419 step %scan3A_420  : i32 {
      %mul3A_609 = arith.constant 1 : i32
      %mul3A_610 = arith.muli %scan3A_608, %mul3A_609 : i32
      %add3A_611 = arith.constant 0 : i32
      %add3A_612 = arith.addi %add3A_611, %mul3A_610 : i32
      %mul3A_613 = arith.constant 2 : i32
      %mul3A_614 = arith.muli %mul3A_613, %add3A_612 : i32
      %add3A_615 = arith.constant 64 : i32
      %add3A_616 = arith.addi %add3A_615, %mul3A_614 : i32
      %dma_wait3A_617 = arith.constant 0 : i32
      %dma_wait3A_618 = arith.constant 0 : i32
      %dma_wait3A_619 = tpu.memref_slice %arg3[%dma_wait3A_617, %dma_wait3A_618] : memref<1000000x128xf32, #tpu.memory_space<hbm>> -> memref<200x128xf32, #tpu.memory_space<hbm>>
      %dma_wait3A_620 = arith.constant 0 : i32
      %dma_wait3A_621 = arith.constant 0 : i32
      %dma_wait3A_622 = tpu.memref_slice %arg3[%dma_wait3A_620, %dma_wait3A_621] : memref<1000000x128xf32, #tpu.memory_space<hbm>> -> memref<200x128xf32, #tpu.memory_space<hbm>>
      tpu.wait_dma2 semaphore(%arg12 : memref<!tpu.dma_semaphore, #tpu.memory_space<semaphore_mem>>) src(%dma_wait3A_622 : memref<200x128xf32, #tpu.memory_space<hbm>>) dst(%arg8 : memref<200x128xf32, #tpu.memory_space<vmem>>)
      %dma_wait3A_623 = arith.constant 0 : i32
      %dma_wait3A_624 = arith.constant 0 : i32
      %dma_wait3A_625 = tpu.memref_slice %arg4[%mul3A_2, %dma_wait3A_623, %dma_wait3A_624] : memref<4096x200x64xf32, #tpu.memory_space<hbm>> -> memref<1x200x64xf32, #tpu.memory_space<hbm>>
      %dma_wait3A_626 = tpu.memref_squeeze %dma_wait3A_625 : memref<1x200x64xf32, #tpu.memory_space<hbm>> -> memref<200x64xf32, #tpu.memory_space<hbm>>
      %dma_wait3A_627 = arith.constant 0 : i32
      %dma_wait3A_628 = arith.constant 0 : i32
      %dma_wait3A_629 = tpu.memref_slice %arg4[%mul3A_2, %dma_wait3A_627, %dma_wait3A_628] : memref<4096x200x64xf32, #tpu.memory_space<hbm>> -> memref<1x200x64xf32, #tpu.memory_space<hbm>>
      %dma_wait3A_630 = tpu.memref_squeeze %dma_wait3A_629 : memref<1x200x64xf32, #tpu.memory_space<hbm>> -> memref<200x64xf32, #tpu.memory_space<hbm>>
      tpu.wait_dma2 semaphore(%arg15 : memref<!tpu.dma_semaphore, #tpu.memory_space<semaphore_mem>>) src(%arg11 : memref<200x64xf32, #tpu.memory_space<vmem>>) dst(%dma_wait3A_630 : memref<200x64xf32, #tpu.memory_space<hbm>>)
      %add3A_631 = arith.constant 1 : i32
      %add3A_632 = arith.addi %add3A_616, %add3A_631 : i32
      %jit3A = arith.constant 64 : i32
      %eq3A = arith.constant 0 : i32
      %eq3A_633 = arith.cmpi eq, %jit3A, %eq3A : i32
      %jit3A_634 = arith.constant 1 : i32
      %select_n3A = arith.select %eq3A_633, %jit3A_634, %jit3A : i32
      %rem3A = arith.remsi %add3A_632, %select_n3A : i32
      %ne3A = arith.constant 0 : i32
      %ne3A_635 = arith.cmpi ne, %rem3A, %ne3A : i32
      %lt3A = arith.constant 0 : i32
      %lt3A_636 = arith.cmpi slt, %rem3A, %lt3A : i32
      %lt3A_637 = arith.constant 0 : i32
      %lt3A_638 = arith.cmpi slt, %select_n3A, %lt3A_637 : i32
      %ne3A_639 = arith.xori %lt3A_636, %lt3A_638 : i1
      %and3A = arith.andi %ne3A_639, %ne3A_635 : i1
      %add3A_640 = arith.addi %rem3A, %select_n3A : i32
      %select_n3A_641 = arith.select %and3A, %add3A_640, %rem3A : i32
      %get3A_642 = arith.index_cast %select_n3A_641 : i32 to index
      %get3A_643 = arith.constant 0 : index
      %get3A_644 = tpu.vector_load %arg5[%get3A_642, %get3A_643] {strides = array<i32>} : memref<64x200xi32, #tpu.memory_space<vmem>>, vector<1x16xi32>,
      %get3A_645 = vector.shape_cast %get3A_644 : vector<1x16xi32> to vector<16xi32>
      %swap3A_646 = arith.constant 0 : index
      %swap3A_647 = tpu.vector_load %arg7[%swap3A_646] {strides = array<i32>} : memref<200xi32, #tpu.memory_space<vmem>>, vector<16xi32>,
      %swap3A_648 = vector.shape_cast %swap3A_647 : vector<16xi32> to vector<16xi32>
      %swap3A_649 = vector.shape_cast %get3A_645 : vector<16xi32> to vector<16xi32>
      tpu.vector_store %arg7[%swap3A_646], %swap3A_649 {strides = array<i32>} : memref<200xi32, #tpu.memory_space<vmem>>, vector<16xi32>,
      %jit3A_650 = arith.constant 64 : i32
      %eq3A_651 = arith.constant 0 : i32
      %eq3A_652 = arith.cmpi eq, %jit3A_650, %eq3A_651 : i32
      %jit3A_653 = arith.constant 1 : i32
      %select_n3A_654 = arith.select %eq3A_652, %jit3A_653, %jit3A_650 : i32
      %rem3A_655 = arith.remsi %add3A_632, %select_n3A_654 : i32
      %ne3A_656 = arith.constant 0 : i32
      %ne3A_657 = arith.cmpi ne, %rem3A_655, %ne3A_656 : i32
      %lt3A_658 = arith.constant 0 : i32
      %lt3A_659 = arith.cmpi slt, %rem3A_655, %lt3A_658 : i32
      %lt3A_660 = arith.constant 0 : i32
      %lt3A_661 = arith.cmpi slt, %select_n3A_654, %lt3A_660 : i32
      %ne3A_662 = arith.xori %lt3A_659, %lt3A_661 : i1
      %and3A_663 = arith.andi %ne3A_662, %ne3A_657 : i1
      %add3A_664 = arith.addi %rem3A_655, %select_n3A_654 : i32
      %select_n3A_665 = arith.select %and3A_663, %add3A_664, %rem3A_655 : i32
      %get3A_666 = arith.index_cast %select_n3A_665 : i32 to index
      %get3A_667 = arith.constant 16 : index
      %get3A_668 = tpu.vector_load %arg5[%get3A_666, %get3A_667] {strides = array<i32>} : memref<64x200xi32, #tpu.memory_space<vmem>>, vector<1x16xi32>,
      %get3A_669 = vector.shape_cast %get3A_668 : vector<1x16xi32> to vector<16xi32>
      %swap3A_670 = arith.constant 16 : index
      %swap3A_671 = tpu.vector_load %arg7[%swap3A_670] {strides = array<i32>} : memref<200xi32, #tpu.memory_space<vmem>>, vector<16xi32>,
      %swap3A_672 = vector.shape_cast %swap3A_671 : vector<16xi32> to vector<16xi32>
      %swap3A_673 = vector.shape_cast %get3A_669 : vector<16xi32> to vector<16xi32>
      tpu.vector_store %arg7[%swap3A_670], %swap3A_673 {strides = array<i32>} : memref<200xi32, #tpu.memory_space<vmem>>, vector<16xi32>,
      %jit3A_674 = arith.constant 64 : i32
      %eq3A_675 = arith.constant 0 : i32
      %eq3A_676 = arith.cmpi eq, %jit3A_674, %eq3A_675 : i32
      %jit3A_677 = arith.constant 1 : i32
      %select_n3A_678 = arith.select %eq3A_676, %jit3A_677, %jit3A_674 : i32
      %rem3A_679 = arith.remsi %add3A_632, %select_n3A_678 : i32
      %ne3A_680 = arith.constant 0 : i32
      %ne3A_681 = arith.cmpi ne, %rem3A_679, %ne3A_680 : i32
      %lt3A_682 = arith.constant 0 : i32
      %lt3A_683 = arith.cmpi slt, %rem3A_679, %lt3A_682 : i32
      %lt3A_684 = arith.constant 0 : i32
      %lt3A_685 = arith.cmpi slt, %select_n3A_678, %lt3A_684 : i32
      %ne3A_686 = arith.xori %lt3A_683, %lt3A_685 : i1
      %and3A_687 = arith.andi %ne3A_686, %ne3A_681 : i1
      %add3A_688 = arith.addi %rem3A_679, %select_n3A_678 : i32
      %select_n3A_689 = arith.select %and3A_687, %add3A_688, %rem3A_679 : i32
      %get3A_690 = arith.index_cast %select_n3A_689 : i32 to index
      %get3A_691 = arith.constant 32 : index
      %get3A_692 = tpu.vector_load %arg5[%get3A_690, %get3A_691] {strides = array<i32>} : memref<64x200xi32, #tpu.memory_space<vmem>>, vector<1x16xi32>,
      %get3A_693 = vector.shape_cast %get3A_692 : vector<1x16xi32> to vector<16xi32>
      %swap3A_694 = arith.constant 32 : index
      %swap3A_695 = tpu.vector_load %arg7[%swap3A_694] {strides = array<i32>} : memref<200xi32, #tpu.memory_space<vmem>>, vector<16xi32>,
      %swap3A_696 = vector.shape_cast %swap3A_695 : vector<16xi32> to vector<16xi32>
      %swap3A_697 = vector.shape_cast %get3A_693 : vector<16xi32> to vector<16xi32>
      tpu.vector_store %arg7[%swap3A_694], %swap3A_697 {strides = array<i32>} : memref<200xi32, #tpu.memory_space<vmem>>, vector<16xi32>,
      %jit3A_698 = arith.constant 64 : i32
      %eq3A_699 = arith.constant 0 : i32
      %eq3A_700 = arith.cmpi eq, %jit3A_698, %eq3A_699 : i32
      %jit3A_701 = arith.constant 1 : i32
      %select_n3A_702 = arith.select %eq3A_700, %jit3A_701, %jit3A_698 : i32
      %rem3A_703 = arith.remsi %add3A_632, %select_n3A_702 : i32
      %ne3A_704 = arith.constant 0 : i32
      %ne3A_705 = arith.cmpi ne, %rem3A_703, %ne3A_704 : i32
      %lt3A_706 = arith.constant 0 : i32
      %lt3A_707 = arith.cmpi slt, %rem3A_703, %lt3A_706 : i32
      %lt3A_708 = arith.constant 0 : i32
      %lt3A_709 = arith.cmpi slt, %select_n3A_702, %lt3A_708 : i32
      %ne3A_710 = arith.xori %lt3A_707, %lt3A_709 : i1
      %and3A_711 = arith.andi %ne3A_710, %ne3A_705 : i1
      %add3A_712 = arith.addi %rem3A_703, %select_n3A_702 : i32
      %select_n3A_713 = arith.select %and3A_711, %add3A_712, %rem3A_703 : i32
      %get3A_714 = arith.index_cast %select_n3A_713 : i32 to index
      %get3A_715 = arith.constant 48 : index
      %get3A_716 = tpu.vector_load %arg5[%get3A_714, %get3A_715] {strides = array<i32>} : memref<64x200xi32, #tpu.memory_space<vmem>>, vector<1x16xi32>,
      %get3A_717 = vector.shape_cast %get3A_716 : vector<1x16xi32> to vector<16xi32>
      %swap3A_718 = arith.constant 48 : index
      %swap3A_719 = tpu.vector_load %arg7[%swap3A_718] {strides = array<i32>} : memref<200xi32, #tpu.memory_space<vmem>>, vector<16xi32>,
      %swap3A_720 = vector.shape_cast %swap3A_719 : vector<16xi32> to vector<16xi32>
      %swap3A_721 = vector.shape_cast %get3A_717 : vector<16xi32> to vector<16xi32>
      tpu.vector_store %arg7[%swap3A_718], %swap3A_721 {strides = array<i32>} : memref<200xi32, #tpu.memory_space<vmem>>, vector<16xi32>,
      %jit3A_722 = arith.constant 64 : i32
      %eq3A_723 = arith.constant 0 : i32
      %eq3A_724 = arith.cmpi eq, %jit3A_722, %eq3A_723 : i32
      %jit3A_725 = arith.constant 1 : i32
      %select_n3A_726 = arith.select %eq3A_724, %jit3A_725, %jit3A_722 : i32
      %rem3A_727 = arith.remsi %add3A_632, %select_n3A_726 : i32
      %ne3A_728 = arith.constant 0 : i32
      %ne3A_729 = arith.cmpi ne, %rem3A_727, %ne3A_728 : i32
      %lt3A_730 = arith.constant 0 : i32
      %lt3A_731 = arith.cmpi slt, %rem3A_727, %lt3A_730 : i32
      %lt3A_732 = arith.constant 0 : i32
      %lt3A_733 = arith.cmpi slt, %select_n3A_726, %lt3A_732 : i32
      %ne3A_734 = arith.xori %lt3A_731, %lt3A_733 : i1
      %and3A_735 = arith.andi %ne3A_734, %ne3A_729 : i1
      %add3A_736 = arith.addi %rem3A_727, %select_n3A_726 : i32
      %select_n3A_737 = arith.select %and3A_735, %add3A_736, %rem3A_727 : i32
      %get3A_738 = arith.index_cast %select_n3A_737 : i32 to index
      %get3A_739 = arith.constant 64 : index
      %get3A_740 = tpu.vector_load %arg5[%get3A_738, %get3A_739] {strides = array<i32>} : memref<64x200xi32, #tpu.memory_space<vmem>>, vector<1x16xi32>,
      %get3A_741 = vector.shape_cast %get3A_740 : vector<1x16xi32> to vector<16xi32>
      %swap3A_742 = arith.constant 64 : index
      %swap3A_743 = tpu.vector_load %arg7[%swap3A_742] {strides = array<i32>} : memref<200xi32, #tpu.memory_space<vmem>>, vector<16xi32>,
      %swap3A_744 = vector.shape_cast %swap3A_743 : vector<16xi32> to vector<16xi32>
      %swap3A_745 = vector.shape_cast %get3A_741 : vector<16xi32> to vector<16xi32>
      tpu.vector_store %arg7[%swap3A_742], %swap3A_745 {strides = array<i32>} : memref<200xi32, #tpu.memory_space<vmem>>, vector<16xi32>,
      %jit3A_746 = arith.constant 64 : i32
      %eq3A_747 = arith.constant 0 : i32
      %eq3A_748 = arith.cmpi eq, %jit3A_746, %eq3A_747 : i32
      %jit3A_749 = arith.constant 1 : i32
      %select_n3A_750 = arith.select %eq3A_748, %jit3A_749, %jit3A_746 : i32
      %rem3A_751 = arith.remsi %add3A_632, %select_n3A_750 : i32
      %ne3A_752 = arith.constant 0 : i32
      %ne3A_753 = arith.cmpi ne, %rem3A_751, %ne3A_752 : i32
      %lt3A_754 = arith.constant 0 : i32
      %lt3A_755 = arith.cmpi slt, %rem3A_751, %lt3A_754 : i32
      %lt3A_756 = arith.constant 0 : i32
      %lt3A_757 = arith.cmpi slt, %select_n3A_750, %lt3A_756 : i32
      %ne3A_758 = arith.xori %lt3A_755, %lt3A_757 : i1
      %and3A_759 = arith.andi %ne3A_758, %ne3A_753 : i1
      %add3A_760 = arith.addi %rem3A_751, %select_n3A_750 : i32
      %select_n3A_761 = arith.select %and3A_759, %add3A_760, %rem3A_751 : i32
      %get3A_762 = arith.index_cast %select_n3A_761 : i32 to index
      %get3A_763 = arith.constant 80 : index
      %get3A_764 = tpu.vector_load %arg5[%get3A_762, %get3A_763] {strides = array<i32>} : memref<64x200xi32, #tpu.memory_space<vmem>>, vector<1x16xi32>,
      %get3A_765 = vector.shape_cast %get3A_764 : vector<1x16xi32> to vector<16xi32>
      %swap3A_766 = arith.constant 80 : index
      %swap3A_767 = tpu.vector_load %arg7[%swap3A_766] {strides = array<i32>} : memref<200xi32, #tpu.memory_space<vmem>>, vector<16xi32>,
      %swap3A_768 = vector.shape_cast %swap3A_767 : vector<16xi32> to vector<16xi32>
      %swap3A_769 = vector.shape_cast %get3A_765 : vector<16xi32> to vector<16xi32>
      tpu.vector_store %arg7[%swap3A_766], %swap3A_769 {strides = array<i32>} : memref<200xi32, #tpu.memory_space<vmem>>, vector<16xi32>,
      %jit3A_770 = arith.constant 64 : i32
      %eq3A_771 = arith.constant 0 : i32
      %eq3A_772 = arith.cmpi eq, %jit3A_770, %eq3A_771 : i32
      %jit3A_773 = arith.constant 1 : i32
      %select_n3A_774 = arith.select %eq3A_772, %jit3A_773, %jit3A_770 : i32
      %rem3A_775 = arith.remsi %add3A_632, %select_n3A_774 : i32
      %ne3A_776 = arith.constant 0 : i32
      %ne3A_777 = arith.cmpi ne, %rem3A_775, %ne3A_776 : i32
      %lt3A_778 = arith.constant 0 : i32
      %lt3A_779 = arith.cmpi slt, %rem3A_775, %lt3A_778 : i32
      %lt3A_780 = arith.constant 0 : i32
      %lt3A_781 = arith.cmpi slt, %select_n3A_774, %lt3A_780 : i32
      %ne3A_782 = arith.xori %lt3A_779, %lt3A_781 : i1
      %and3A_783 = arith.andi %ne3A_782, %ne3A_777 : i1
      %add3A_784 = arith.addi %rem3A_775, %select_n3A_774 : i32
      %select_n3A_785 = arith.select %and3A_783, %add3A_784, %rem3A_775 : i32
      %get3A_786 = arith.index_cast %select_n3A_785 : i32 to index
      %get3A_787 = arith.constant 96 : index
      %get3A_788 = tpu.vector_load %arg5[%get3A_786, %get3A_787] {strides = array<i32>} : memref<64x200xi32, #tpu.memory_space<vmem>>, vector<1x16xi32>,
      %get3A_789 = vector.shape_cast %get3A_788 : vector<1x16xi32> to vector<16xi32>
      %swap3A_790 = arith.constant 96 : index
      %swap3A_791 = tpu.vector_load %arg7[%swap3A_790] {strides = array<i32>} : memref<200xi32, #tpu.memory_space<vmem>>, vector<16xi32>,
      %swap3A_792 = vector.shape_cast %swap3A_791 : vector<16xi32> to vector<16xi32>
      %swap3A_793 = vector.shape_cast %get3A_789 : vector<16xi32> to vector<16xi32>
      tpu.vector_store %arg7[%swap3A_790], %swap3A_793 {strides = array<i32>} : memref<200xi32, #tpu.memory_space<vmem>>, vector<16xi32>,
      %jit3A_794 = arith.constant 64 : i32
      %eq3A_795 = arith.constant 0 : i32
      %eq3A_796 = arith.cmpi eq, %jit3A_794, %eq3A_795 : i32
      %jit3A_797 = arith.constant 1 : i32
      %select_n3A_798 = arith.select %eq3A_796, %jit3A_797, %jit3A_794 : i32
      %rem3A_799 = arith.remsi %add3A_632, %select_n3A_798 : i32
      %ne3A_800 = arith.constant 0 : i32
      %ne3A_801 = arith.cmpi ne, %rem3A_799, %ne3A_800 : i32
      %lt3A_802 = arith.constant 0 : i32
      %lt3A_803 = arith.cmpi slt, %rem3A_799, %lt3A_802 : i32
      %lt3A_804 = arith.constant 0 : i32
      %lt3A_805 = arith.cmpi slt, %select_n3A_798, %lt3A_804 : i32
      %ne3A_806 = arith.xori %lt3A_803, %lt3A_805 : i1
      %and3A_807 = arith.andi %ne3A_806, %ne3A_801 : i1
      %add3A_808 = arith.addi %rem3A_799, %select_n3A_798 : i32
      %select_n3A_809 = arith.select %and3A_807, %add3A_808, %rem3A_799 : i32
      %get3A_810 = arith.index_cast %select_n3A_809 : i32 to index
      %get3A_811 = arith.constant 112 : index
      %get3A_812 = tpu.vector_load %arg5[%get3A_810, %get3A_811] {strides = array<i32>} : memref<64x200xi32, #tpu.memory_space<vmem>>, vector<1x16xi32>,
      %get3A_813 = vector.shape_cast %get3A_812 : vector<1x16xi32> to vector<16xi32>
      %swap3A_814 = arith.constant 112 : index
      %swap3A_815 = tpu.vector_load %arg7[%swap3A_814] {strides = array<i32>} : memref<200xi32, #tpu.memory_space<vmem>>, vector<16xi32>,
      %swap3A_816 = vector.shape_cast %swap3A_815 : vector<16xi32> to vector<16xi32>
      %swap3A_817 = vector.shape_cast %get3A_813 : vector<16xi32> to vector<16xi32>
      tpu.vector_store %arg7[%swap3A_814], %swap3A_817 {strides = array<i32>} : memref<200xi32, #tpu.memory_space<vmem>>, vector<16xi32>,
      %jit3A_818 = arith.constant 64 : i32
      %eq3A_819 = arith.constant 0 : i32
      %eq3A_820 = arith.cmpi eq, %jit3A_818, %eq3A_819 : i32
      %jit3A_821 = arith.constant 1 : i32
      %select_n3A_822 = arith.select %eq3A_820, %jit3A_821, %jit3A_818 : i32
      %rem3A_823 = arith.remsi %add3A_632, %select_n3A_822 : i32
      %ne3A_824 = arith.constant 0 : i32
      %ne3A_825 = arith.cmpi ne, %rem3A_823, %ne3A_824 : i32
      %lt3A_826 = arith.constant 0 : i32
      %lt3A_827 = arith.cmpi slt, %rem3A_823, %lt3A_826 : i32
      %lt3A_828 = arith.constant 0 : i32
      %lt3A_829 = arith.cmpi slt, %select_n3A_822, %lt3A_828 : i32
      %ne3A_830 = arith.xori %lt3A_827, %lt3A_829 : i1
      %and3A_831 = arith.andi %ne3A_830, %ne3A_825 : i1
      %add3A_832 = arith.addi %rem3A_823, %select_n3A_822 : i32
      %select_n3A_833 = arith.select %and3A_831, %add3A_832, %rem3A_823 : i32
      %get3A_834 = arith.index_cast %select_n3A_833 : i32 to index
      %get3A_835 = arith.constant 128 : index
      %get3A_836 = tpu.vector_load %arg5[%get3A_834, %get3A_835] {strides = array<i32>} : memref<64x200xi32, #tpu.memory_space<vmem>>, vector<1x16xi32>,
      %get3A_837 = vector.shape_cast %get3A_836 : vector<1x16xi32> to vector<16xi32>
      %swap3A_838 = arith.constant 128 : index
      %swap3A_839 = tpu.vector_load %arg7[%swap3A_838] {strides = array<i32>} : memref<200xi32, #tpu.memory_space<vmem>>, vector<16xi32>,
      %swap3A_840 = vector.shape_cast %swap3A_839 : vector<16xi32> to vector<16xi32>
      %swap3A_841 = vector.shape_cast %get3A_837 : vector<16xi32> to vector<16xi32>
      tpu.vector_store %arg7[%swap3A_838], %swap3A_841 {strides = array<i32>} : memref<200xi32, #tpu.memory_space<vmem>>, vector<16xi32>,
      %jit3A_842 = arith.constant 64 : i32
      %eq3A_843 = arith.constant 0 : i32
      %eq3A_844 = arith.cmpi eq, %jit3A_842, %eq3A_843 : i32
      %jit3A_845 = arith.constant 1 : i32
      %select_n3A_846 = arith.select %eq3A_844, %jit3A_845, %jit3A_842 : i32
      %rem3A_847 = arith.remsi %add3A_632, %select_n3A_846 : i32
      %ne3A_848 = arith.constant 0 : i32
      %ne3A_849 = arith.cmpi ne, %rem3A_847, %ne3A_848 : i32
      %lt3A_850 = arith.constant 0 : i32
      %lt3A_851 = arith.cmpi slt, %rem3A_847, %lt3A_850 : i32
      %lt3A_852 = arith.constant 0 : i32
      %lt3A_853 = arith.cmpi slt, %select_n3A_846, %lt3A_852 : i32
      %ne3A_854 = arith.xori %lt3A_851, %lt3A_853 : i1
      %and3A_855 = arith.andi %ne3A_854, %ne3A_849 : i1
      %add3A_856 = arith.addi %rem3A_847, %select_n3A_846 : i32
      %select_n3A_857 = arith.select %and3A_855, %add3A_856, %rem3A_847 : i32
      %get3A_858 = arith.index_cast %select_n3A_857 : i32 to index
      %get3A_859 = arith.constant 144 : index
      %get3A_860 = tpu.vector_load %arg5[%get3A_858, %get3A_859] {strides = array<i32>} : memref<64x200xi32, #tpu.memory_space<vmem>>, vector<1x16xi32>,
      %get3A_861 = vector.shape_cast %get3A_860 : vector<1x16xi32> to vector<16xi32>
      %swap3A_862 = arith.constant 144 : index
      %swap3A_863 = tpu.vector_load %arg7[%swap3A_862] {strides = array<i32>} : memref<200xi32, #tpu.memory_space<vmem>>, vector<16xi32>,
      %swap3A_864 = vector.shape_cast %swap3A_863 : vector<16xi32> to vector<16xi32>
      %swap3A_865 = vector.shape_cast %get3A_861 : vector<16xi32> to vector<16xi32>
      tpu.vector_store %arg7[%swap3A_862], %swap3A_865 {strides = array<i32>} : memref<200xi32, #tpu.memory_space<vmem>>, vector<16xi32>,
      %jit3A_866 = arith.constant 64 : i32
      %eq3A_867 = arith.constant 0 : i32
      %eq3A_868 = arith.cmpi eq, %jit3A_866, %eq3A_867 : i32
      %jit3A_869 = arith.constant 1 : i32
      %select_n3A_870 = arith.select %eq3A_868, %jit3A_869, %jit3A_866 : i32
      %rem3A_871 = arith.remsi %add3A_632, %select_n3A_870 : i32
      %ne3A_872 = arith.constant 0 : i32
      %ne3A_873 = arith.cmpi ne, %rem3A_871, %ne3A_872 : i32
      %lt3A_874 = arith.constant 0 : i32
      %lt3A_875 = arith.cmpi slt, %rem3A_871, %lt3A_874 : i32
      %lt3A_876 = arith.constant 0 : i32
      %lt3A_877 = arith.cmpi slt, %select_n3A_870, %lt3A_876 : i32
      %ne3A_878 = arith.xori %lt3A_875, %lt3A_877 : i1
      %and3A_879 = arith.andi %ne3A_878, %ne3A_873 : i1
      %add3A_880 = arith.addi %rem3A_871, %select_n3A_870 : i32
      %select_n3A_881 = arith.select %and3A_879, %add3A_880, %rem3A_871 : i32
      %get3A_882 = arith.index_cast %select_n3A_881 : i32 to index
      %get3A_883 = arith.constant 160 : index
      %get3A_884 = tpu.vector_load %arg5[%get3A_882, %get3A_883] {strides = array<i32>} : memref<64x200xi32, #tpu.memory_space<vmem>>, vector<1x16xi32>,
      %get3A_885 = vector.shape_cast %get3A_884 : vector<1x16xi32> to vector<16xi32>
      %swap3A_886 = arith.constant 160 : index
      %swap3A_887 = tpu.vector_load %arg7[%swap3A_886] {strides = array<i32>} : memref<200xi32, #tpu.memory_space<vmem>>, vector<16xi32>,
      %swap3A_888 = vector.shape_cast %swap3A_887 : vector<16xi32> to vector<16xi32>
      %swap3A_889 = vector.shape_cast %get3A_885 : vector<16xi32> to vector<16xi32>
      tpu.vector_store %arg7[%swap3A_886], %swap3A_889 {strides = array<i32>} : memref<200xi32, #tpu.memory_space<vmem>>, vector<16xi32>,
      %jit3A_890 = arith.constant 64 : i32
      %eq3A_891 = arith.constant 0 : i32
      %eq3A_892 = arith.cmpi eq, %jit3A_890, %eq3A_891 : i32
      %jit3A_893 = arith.constant 1 : i32
      %select_n3A_894 = arith.select %eq3A_892, %jit3A_893, %jit3A_890 : i32
      %rem3A_895 = arith.remsi %add3A_632, %select_n3A_894 : i32
      %ne3A_896 = arith.constant 0 : i32
      %ne3A_897 = arith.cmpi ne, %rem3A_895, %ne3A_896 : i32
      %lt3A_898 = arith.constant 0 : i32
      %lt3A_899 = arith.cmpi slt, %rem3A_895, %lt3A_898 : i32
      %lt3A_900 = arith.constant 0 : i32
      %lt3A_901 = arith.cmpi slt, %select_n3A_894, %lt3A_900 : i32
      %ne3A_902 = arith.xori %lt3A_899, %lt3A_901 : i1
      %and3A_903 = arith.andi %ne3A_902, %ne3A_897 : i1
      %add3A_904 = arith.addi %rem3A_895, %select_n3A_894 : i32
      %select_n3A_905 = arith.select %and3A_903, %add3A_904, %rem3A_895 : i32
      %get3A_906 = arith.index_cast %select_n3A_905 : i32 to index
      %get3A_907 = arith.constant 176 : index
      %get3A_908 = tpu.vector_load %arg5[%get3A_906, %get3A_907] {strides = array<i32>} : memref<64x200xi32, #tpu.memory_space<vmem>>, vector<1x16xi32>,
      %get3A_909 = vector.shape_cast %get3A_908 : vector<1x16xi32> to vector<16xi32>
      %swap3A_910 = arith.constant 176 : index
      %swap3A_911 = tpu.vector_load %arg7[%swap3A_910] {strides = array<i32>} : memref<200xi32, #tpu.memory_space<vmem>>, vector<16xi32>,
      %swap3A_912 = vector.shape_cast %swap3A_911 : vector<16xi32> to vector<16xi32>
      %swap3A_913 = vector.shape_cast %get3A_909 : vector<16xi32> to vector<16xi32>
      tpu.vector_store %arg7[%swap3A_910], %swap3A_913 {strides = array<i32>} : memref<200xi32, #tpu.memory_space<vmem>>, vector<16xi32>,
      %jit3A_914 = arith.constant 64 : i32
      %eq3A_915 = arith.constant 0 : i32
      %eq3A_916 = arith.cmpi eq, %jit3A_914, %eq3A_915 : i32
      %jit3A_917 = arith.constant 1 : i32
      %select_n3A_918 = arith.select %eq3A_916, %jit3A_917, %jit3A_914 : i32
      %rem3A_919 = arith.remsi %add3A_632, %select_n3A_918 : i32
      %ne3A_920 = arith.constant 0 : i32
      %ne3A_921 = arith.cmpi ne, %rem3A_919, %ne3A_920 : i32
      %lt3A_922 = arith.constant 0 : i32
      %lt3A_923 = arith.cmpi slt, %rem3A_919, %lt3A_922 : i32
      %lt3A_924 = arith.constant 0 : i32
      %lt3A_925 = arith.cmpi slt, %select_n3A_918, %lt3A_924 : i32
      %ne3A_926 = arith.xori %lt3A_923, %lt3A_925 : i1
      %and3A_927 = arith.andi %ne3A_926, %ne3A_921 : i1
      %add3A_928 = arith.addi %rem3A_919, %select_n3A_918 : i32
      %select_n3A_929 = arith.select %and3A_927, %add3A_928, %rem3A_919 : i32
      %get3A_930 = arith.index_cast %select_n3A_929 : i32 to index
      %get3A_931 = arith.constant 184 : index
      %get3A_932 = tpu.vector_load %arg5[%get3A_930, %get3A_931] {strides = array<i32>} : memref<64x200xi32, #tpu.memory_space<vmem>>, vector<1x16xi32>,
      %get3A_933 = vector.shape_cast %get3A_932 : vector<1x16xi32> to vector<16xi32>
      %swap3A_934 = arith.constant 184 : index
      %swap3A_935 = tpu.vector_load %arg7[%swap3A_934] {strides = array<i32>} : memref<200xi32, #tpu.memory_space<vmem>>, vector<16xi32>,
      %swap3A_936 = vector.shape_cast %swap3A_935 : vector<16xi32> to vector<16xi32>
      %swap3A_937 = vector.shape_cast %get3A_933 : vector<16xi32> to vector<16xi32>
      tpu.vector_store %arg7[%swap3A_934], %swap3A_937 {strides = array<i32>} : memref<200xi32, #tpu.memory_space<vmem>>, vector<16xi32>,
      %dma_start3A_938 = arith.constant 0 : i32
      %dma_start3A_939 = arith.constant 0 : i32
      %dma_start3A_940 = tpu.memref_slice %arg3[%dma_start3A_938, %dma_start3A_939] : memref<1000000x128xf32, #tpu.memory_space<hbm>> -> memref<1000000x128xf32, #tpu.memory_space<hbm>>
      tpu.enqueue_indirect_dma source(%dma_start3A_940 : memref<1000000x128xf32, #tpu.memory_space<hbm>>) target(%arg9 : memref<200x128xf32, #tpu.memory_space<vmem>>) offsets(%arg7 : memref<200xi32, #tpu.memory_space<vmem>>) semaphore(%arg13 : memref<!tpu.dma_semaphore, #tpu.memory_space<semaphore_mem>>)
      %scan3A_941 = arith.constant 0 : i32
      %scan3A_942 = arith.constant 200 : i32
      %scan3A_943 = arith.addi %scan3A_941, %scan3A_942 : i32
      %scan3A_944 = arith.constant 1 : i32
      scf.for %scan3A_1304 = %scan3A_941 to %scan3A_943 step %scan3A_944  : i32 {
        %mul3A_1305 = arith.constant 1 : i32
        %mul3A_1306 = arith.muli %scan3A_1304, %mul3A_1305 : i32
        %add3A_1307 = arith.constant 0 : i32
        %add3A_1308 = arith.addi %add3A_1307, %mul3A_1306 : i32
        %get3A_1309 = arith.index_cast %add3A_1308 : i32 to index
        %get3A_1310 = arith.constant 0 : index
        %get3A_1311 = tpu.vector_load %arg8[%get3A_1309, %get3A_1310] {strides = array<i32>} : memref<200x128xf32, #tpu.memory_space<vmem>>, vector<1x16xf32>,
        %get3A_1312 = vector.shape_cast %get3A_1311 : vector<1x16xf32> to vector<16xf32>
        %swap3A_1313 = arith.index_cast %add3A_1308 : i32 to index
        %swap3A_1314 = arith.constant 0 : index
        %swap3A_1315 = tpu.vector_load %arg10[%swap3A_1313, %swap3A_1314] {strides = array<i32>} : memref<200x64xf32, #tpu.memory_space<vmem>>, vector<1x16xf32>,
        %swap3A_1316 = vector.shape_cast %swap3A_1315 : vector<1x16xf32> to vector<16xf32>
        %swap3A_1317 = vector.shape_cast %get3A_1312 : vector<16xf32> to vector<1x16xf32>
        tpu.vector_store %arg10[%swap3A_1313, %swap3A_1314], %swap3A_1317 {strides = array<i32>} : memref<200x64xf32, #tpu.memory_space<vmem>>, vector<1x16xf32>,
        %get3A_1318 = arith.index_cast %add3A_1308 : i32 to index
        %get3A_1319 = arith.constant 16 : index
        %get3A_1320 = tpu.vector_load %arg8[%get3A_1318, %get3A_1319] {strides = array<i32>} : memref<200x128xf32, #tpu.memory_space<vmem>>, vector<1x16xf32>,
        %get3A_1321 = vector.shape_cast %get3A_1320 : vector<1x16xf32> to vector<16xf32>
        %swap3A_1322 = arith.index_cast %add3A_1308 : i32 to index
        %swap3A_1323 = arith.constant 16 : index
        %swap3A_1324 = tpu.vector_load %arg10[%swap3A_1322, %swap3A_1323] {strides = array<i32>} : memref<200x64xf32, #tpu.memory_space<vmem>>, vector<1x16xf32>,
        %swap3A_1325 = vector.shape_cast %swap3A_1324 : vector<1x16xf32> to vector<16xf32>
        %swap3A_1326 = vector.shape_cast %get3A_1321 : vector<16xf32> to vector<1x16xf32>
        tpu.vector_store %arg10[%swap3A_1322, %swap3A_1323], %swap3A_1326 {strides = array<i32>} : memref<200x64xf32, #tpu.memory_space<vmem>>, vector<1x16xf32>,
        %get3A_1327 = arith.index_cast %add3A_1308 : i32 to index
        %get3A_1328 = arith.constant 32 : index
        %get3A_1329 = tpu.vector_load %arg8[%get3A_1327, %get3A_1328] {strides = array<i32>} : memref<200x128xf32, #tpu.memory_space<vmem>>, vector<1x16xf32>,
        %get3A_1330 = vector.shape_cast %get3A_1329 : vector<1x16xf32> to vector<16xf32>
        %swap3A_1331 = arith.index_cast %add3A_1308 : i32 to index
        %swap3A_1332 = arith.constant 32 : index
        %swap3A_1333 = tpu.vector_load %arg10[%swap3A_1331, %swap3A_1332] {strides = array<i32>} : memref<200x64xf32, #tpu.memory_space<vmem>>, vector<1x16xf32>,
        %swap3A_1334 = vector.shape_cast %swap3A_1333 : vector<1x16xf32> to vector<16xf32>
        %swap3A_1335 = vector.shape_cast %get3A_1330 : vector<16xf32> to vector<1x16xf32>
        tpu.vector_store %arg10[%swap3A_1331, %swap3A_1332], %swap3A_1335 {strides = array<i32>} : memref<200x64xf32, #tpu.memory_space<vmem>>, vector<1x16xf32>,
        %get3A_1336 = arith.index_cast %add3A_1308 : i32 to index
        %get3A_1337 = arith.constant 48 : index
        %get3A_1338 = tpu.vector_load %arg8[%get3A_1336, %get3A_1337] {strides = array<i32>} : memref<200x128xf32, #tpu.memory_space<vmem>>, vector<1x16xf32>,
        %get3A_1339 = vector.shape_cast %get3A_1338 : vector<1x16xf32> to vector<16xf32>
        %swap3A_1340 = arith.index_cast %add3A_1308 : i32 to index
        %swap3A_1341 = arith.constant 48 : index
        %swap3A_1342 = tpu.vector_load %arg10[%swap3A_1340, %swap3A_1341] {strides = array<i32>} : memref<200x64xf32, #tpu.memory_space<vmem>>, vector<1x16xf32>,
        %swap3A_1343 = vector.shape_cast %swap3A_1342 : vector<1x16xf32> to vector<16xf32>
        %swap3A_1344 = vector.shape_cast %get3A_1339 : vector<16xf32> to vector<1x16xf32>
        tpu.vector_store %arg10[%swap3A_1340, %swap3A_1341], %swap3A_1344 {strides = array<i32>} : memref<200x64xf32, #tpu.memory_space<vmem>>, vector<1x16xf32>,
      }
      %scan3A_945 = arith.constant 200 : i32
      %add3A_946 = arith.addi %mul3A_2, %add3A_616 : i32
      %dma_start3A_947 = arith.constant 0 : i32
      %dma_start3A_948 = arith.constant 0 : i32
      %dma_start3A_949 = tpu.memref_slice %arg4[%add3A_946, %dma_start3A_947, %dma_start3A_948] : memref<4096x200x64xf32, #tpu.memory_space<hbm>> -> memref<1x200x64xf32, #tpu.memory_space<hbm>>
      %dma_start3A_950 = tpu.memref_squeeze %dma_start3A_949 : memref<1x200x64xf32, #tpu.memory_space<hbm>> -> memref<200x64xf32, #tpu.memory_space<hbm>>
      %dma_start3A_951 = arith.constant 0 : i32
      %dma_start3A_952 = arith.constant 0 : i32
      %dma_start3A_953 = tpu.memref_slice %arg4[%add3A_946, %dma_start3A_951, %dma_start3A_952] : memref<4096x200x64xf32, #tpu.memory_space<hbm>> -> memref<1x200x64xf32, #tpu.memory_space<hbm>>
      %dma_start3A_954 = tpu.memref_squeeze %dma_start3A_953 : memref<1x200x64xf32, #tpu.memory_space<hbm>> -> memref<200x64xf32, #tpu.memory_space<hbm>>
      tpu.enqueue_dma source(%arg10 : memref<200x64xf32, #tpu.memory_space<vmem>>) target(%dma_start3A_954 : memref<200x64xf32, #tpu.memory_space<hbm>>) target_semaphore(%arg14 : memref<!tpu.dma_semaphore, #tpu.memory_space<semaphore_mem>>)
      %add3A_955 = arith.constant 1 : i32
      %add3A_956 = arith.addi %add3A_616, %add3A_955 : i32
      %dma_wait3A_957 = arith.constant 0 : i32
      %dma_wait3A_958 = arith.constant 0 : i32
      %dma_wait3A_959 = tpu.memref_slice %arg3[%dma_wait3A_957, %dma_wait3A_958] : memref<1000000x128xf32, #tpu.memory_space<hbm>> -> memref<200x128xf32, #tpu.memory_space<hbm>>
      %dma_wait3A_960 = arith.constant 0 : i32
      %dma_wait3A_961 = arith.constant 0 : i32
      %dma_wait3A_962 = tpu.memref_slice %arg3[%dma_wait3A_960, %dma_wait3A_961] : memref<1000000x128xf32, #tpu.memory_space<hbm>> -> memref<200x128xf32, #tpu.memory_space<hbm>>
      tpu.wait_dma2 semaphore(%arg13 : memref<!tpu.dma_semaphore, #tpu.memory_space<semaphore_mem>>) src(%dma_wait3A_962 : memref<200x128xf32, #tpu.memory_space<hbm>>) dst(%arg9 : memref<200x128xf32, #tpu.memory_space<vmem>>)
      %dma_wait3A_963 = arith.constant 0 : i32
      %dma_wait3A_964 = arith.constant 0 : i32
      %dma_wait3A_965 = tpu.memref_slice %arg4[%mul3A_2, %dma_wait3A_963, %dma_wait3A_964] : memref<4096x200x64xf32, #tpu.memory_space<hbm>> -> memref<1x200x64xf32, #tpu.memory_space<hbm>>
      %dma_wait3A_966 = tpu.memref_squeeze %dma_wait3A_965 : memref<1x200x64xf32, #tpu.memory_space<hbm>> -> memref<200x64xf32, #tpu.memory_space<hbm>>
      %dma_wait3A_967 = arith.constant 0 : i32
      %dma_wait3A_968 = arith.constant 0 : i32
      %dma_wait3A_969 = tpu.memref_slice %arg4[%mul3A_2, %dma_wait3A_967, %dma_wait3A_968] : memref<4096x200x64xf32, #tpu.memory_space<hbm>> -> memref<1x200x64xf32, #tpu.memory_space<hbm>>
      %dma_wait3A_970 = tpu.memref_squeeze %dma_wait3A_969 : memref<1x200x64xf32, #tpu.memory_space<hbm>> -> memref<200x64xf32, #tpu.memory_space<hbm>>
      tpu.wait_dma2 semaphore(%arg14 : memref<!tpu.dma_semaphore, #tpu.memory_space<semaphore_mem>>) src(%arg10 : memref<200x64xf32, #tpu.memory_space<vmem>>) dst(%dma_wait3A_970 : memref<200x64xf32, #tpu.memory_space<hbm>>)
      %add3A_971 = arith.constant 1 : i32
      %add3A_972 = arith.addi %add3A_956, %add3A_971 : i32
      %jit3A_973 = arith.constant 64 : i32
      %eq3A_974 = arith.constant 0 : i32
      %eq3A_975 = arith.cmpi eq, %jit3A_973, %eq3A_974 : i32
      %jit3A_976 = arith.constant 1 : i32
      %select_n3A_977 = arith.select %eq3A_975, %jit3A_976, %jit3A_973 : i32
      %rem3A_978 = arith.remsi %add3A_972, %select_n3A_977 : i32
      %ne3A_979 = arith.constant 0 : i32
      %ne3A_980 = arith.cmpi ne, %rem3A_978, %ne3A_979 : i32
      %lt3A_981 = arith.constant 0 : i32
      %lt3A_982 = arith.cmpi slt, %rem3A_978, %lt3A_981 : i32
      %lt3A_983 = arith.constant 0 : i32
      %lt3A_984 = arith.cmpi slt, %select_n3A_977, %lt3A_983 : i32
      %ne3A_985 = arith.xori %lt3A_982, %lt3A_984 : i1
      %and3A_986 = arith.andi %ne3A_985, %ne3A_980 : i1
      %add3A_987 = arith.addi %rem3A_978, %select_n3A_977 : i32
      %select_n3A_988 = arith.select %and3A_986, %add3A_987, %rem3A_978 : i32
      %get3A_989 = arith.index_cast %select_n3A_988 : i32 to index
      %get3A_990 = arith.constant 0 : index
      %get3A_991 = tpu.vector_load %arg5[%get3A_989, %get3A_990] {strides = array<i32>} : memref<64x200xi32, #tpu.memory_space<vmem>>, vector<1x16xi32>,
      %get3A_992 = vector.shape_cast %get3A_991 : vector<1x16xi32> to vector<16xi32>
      %swap3A_993 = arith.constant 0 : index
      %swap3A_994 = tpu.vector_load %arg6[%swap3A_993] {strides = array<i32>} : memref<200xi32, #tpu.memory_space<vmem>>, vector<16xi32>,
      %swap3A_995 = vector.shape_cast %swap3A_994 : vector<16xi32> to vector<16xi32>
      %swap3A_996 = vector.shape_cast %get3A_992 : vector<16xi32> to vector<16xi32>
      tpu.vector_store %arg6[%swap3A_993], %swap3A_996 {strides = array<i32>} : memref<200xi32, #tpu.memory_space<vmem>>, vector<16xi32>,
      %jit3A_997 = arith.constant 64 : i32
      %eq3A_998 = arith.constant 0 : i32
      %eq3A_999 = arith.cmpi eq, %jit3A_997, %eq3A_998 : i32
      %jit3A_1000 = arith.constant 1 : i32
      %select_n3A_1001 = arith.select %eq3A_999, %jit3A_1000, %jit3A_997 : i32
      %rem3A_1002 = arith.remsi %add3A_972, %select_n3A_1001 : i32
      %ne3A_1003 = arith.constant 0 : i32
      %ne3A_1004 = arith.cmpi ne, %rem3A_1002, %ne3A_1003 : i32
      %lt3A_1005 = arith.constant 0 : i32
      %lt3A_1006 = arith.cmpi slt, %rem3A_1002, %lt3A_1005 : i32
      %lt3A_1007 = arith.constant 0 : i32
      %lt3A_1008 = arith.cmpi slt, %select_n3A_1001, %lt3A_1007 : i32
      %ne3A_1009 = arith.xori %lt3A_1006, %lt3A_1008 : i1
      %and3A_1010 = arith.andi %ne3A_1009, %ne3A_1004 : i1
      %add3A_1011 = arith.addi %rem3A_1002, %select_n3A_1001 : i32
      %select_n3A_1012 = arith.select %and3A_1010, %add3A_1011, %rem3A_1002 : i32
      %get3A_1013 = arith.index_cast %select_n3A_1012 : i32 to index
      %get3A_1014 = arith.constant 16 : index
      %get3A_1015 = tpu.vector_load %arg5[%get3A_1013, %get3A_1014] {strides = array<i32>} : memref<64x200xi32, #tpu.memory_space<vmem>>, vector<1x16xi32>,
      %get3A_1016 = vector.shape_cast %get3A_1015 : vector<1x16xi32> to vector<16xi32>
      %swap3A_1017 = arith.constant 16 : index
      %swap3A_1018 = tpu.vector_load %arg6[%swap3A_1017] {strides = array<i32>} : memref<200xi32, #tpu.memory_space<vmem>>, vector<16xi32>,
      %swap3A_1019 = vector.shape_cast %swap3A_1018 : vector<16xi32> to vector<16xi32>
      %swap3A_1020 = vector.shape_cast %get3A_1016 : vector<16xi32> to vector<16xi32>
      tpu.vector_store %arg6[%swap3A_1017], %swap3A_1020 {strides = array<i32>} : memref<200xi32, #tpu.memory_space<vmem>>, vector<16xi32>,
      %jit3A_1021 = arith.constant 64 : i32
      %eq3A_1022 = arith.constant 0 : i32
      %eq3A_1023 = arith.cmpi eq, %jit3A_1021, %eq3A_1022 : i32
      %jit3A_1024 = arith.constant 1 : i32
      %select_n3A_1025 = arith.select %eq3A_1023, %jit3A_1024, %jit3A_1021 : i32
      %rem3A_1026 = arith.remsi %add3A_972, %select_n3A_1025 : i32
      %ne3A_1027 = arith.constant 0 : i32
      %ne3A_1028 = arith.cmpi ne, %rem3A_1026, %ne3A_1027 : i32
      %lt3A_1029 = arith.constant 0 : i32
      %lt3A_1030 = arith.cmpi slt, %rem3A_1026, %lt3A_1029 : i32
      %lt3A_1031 = arith.constant 0 : i32
      %lt3A_1032 = arith.cmpi slt, %select_n3A_1025, %lt3A_1031 : i32
      %ne3A_1033 = arith.xori %lt3A_1030, %lt3A_1032 : i1
      %and3A_1034 = arith.andi %ne3A_1033, %ne3A_1028 : i1
      %add3A_1035 = arith.addi %rem3A_1026, %select_n3A_1025 : i32
      %select_n3A_1036 = arith.select %and3A_1034, %add3A_1035, %rem3A_1026 : i32
      %get3A_1037 = arith.index_cast %select_n3A_1036 : i32 to index
      %get3A_1038 = arith.constant 32 : index
      %get3A_1039 = tpu.vector_load %arg5[%get3A_1037, %get3A_1038] {strides = array<i32>} : memref<64x200xi32, #tpu.memory_space<vmem>>, vector<1x16xi32>,
      %get3A_1040 = vector.shape_cast %get3A_1039 : vector<1x16xi32> to vector<16xi32>
      %swap3A_1041 = arith.constant 32 : index
      %swap3A_1042 = tpu.vector_load %arg6[%swap3A_1041] {strides = array<i32>} : memref<200xi32, #tpu.memory_space<vmem>>, vector<16xi32>,
      %swap3A_1043 = vector.shape_cast %swap3A_1042 : vector<16xi32> to vector<16xi32>
      %swap3A_1044 = vector.shape_cast %get3A_1040 : vector<16xi32> to vector<16xi32>
      tpu.vector_store %arg6[%swap3A_1041], %swap3A_1044 {strides = array<i32>} : memref<200xi32, #tpu.memory_space<vmem>>, vector<16xi32>,
      %jit3A_1045 = arith.constant 64 : i32
      %eq3A_1046 = arith.constant 0 : i32
      %eq3A_1047 = arith.cmpi eq, %jit3A_1045, %eq3A_1046 : i32
      %jit3A_1048 = arith.constant 1 : i32
      %select_n3A_1049 = arith.select %eq3A_1047, %jit3A_1048, %jit3A_1045 : i32
      %rem3A_1050 = arith.remsi %add3A_972, %select_n3A_1049 : i32
      %ne3A_1051 = arith.constant 0 : i32
      %ne3A_1052 = arith.cmpi ne, %rem3A_1050, %ne3A_1051 : i32
      %lt3A_1053 = arith.constant 0 : i32
      %lt3A_1054 = arith.cmpi slt, %rem3A_1050, %lt3A_1053 : i32
      %lt3A_1055 = arith.constant 0 : i32
      %lt3A_1056 = arith.cmpi slt, %select_n3A_1049, %lt3A_1055 : i32
      %ne3A_1057 = arith.xori %lt3A_1054, %lt3A_1056 : i1
      %and3A_1058 = arith.andi %ne3A_1057, %ne3A_1052 : i1
      %add3A_1059 = arith.addi %rem3A_1050, %select_n3A_1049 : i32
      %select_n3A_1060 = arith.select %and3A_1058, %add3A_1059, %rem3A_1050 : i32
      %get3A_1061 = arith.index_cast %select_n3A_1060 : i32 to index
      %get3A_1062 = arith.constant 48 : index
      %get3A_1063 = tpu.vector_load %arg5[%get3A_1061, %get3A_1062] {strides = array<i32>} : memref<64x200xi32, #tpu.memory_space<vmem>>, vector<1x16xi32>,
      %get3A_1064 = vector.shape_cast %get3A_1063 : vector<1x16xi32> to vector<16xi32>
      %swap3A_1065 = arith.constant 48 : index
      %swap3A_1066 = tpu.vector_load %arg6[%swap3A_1065] {strides = array<i32>} : memref<200xi32, #tpu.memory_space<vmem>>, vector<16xi32>,
      %swap3A_1067 = vector.shape_cast %swap3A_1066 : vector<16xi32> to vector<16xi32>
      %swap3A_1068 = vector.shape_cast %get3A_1064 : vector<16xi32> to vector<16xi32>
      tpu.vector_store %arg6[%swap3A_1065], %swap3A_1068 {strides = array<i32>} : memref<200xi32, #tpu.memory_space<vmem>>, vector<16xi32>,
      %jit3A_1069 = arith.constant 64 : i32
      %eq3A_1070 = arith.constant 0 : i32
      %eq3A_1071 = arith.cmpi eq, %jit3A_1069, %eq3A_1070 : i32
      %jit3A_1072 = arith.constant 1 : i32
      %select_n3A_1073 = arith.select %eq3A_1071, %jit3A_1072, %jit3A_1069 : i32
      %rem3A_1074 = arith.remsi %add3A_972, %select_n3A_1073 : i32
      %ne3A_1075 = arith.constant 0 : i32
      %ne3A_1076 = arith.cmpi ne, %rem3A_1074, %ne3A_1075 : i32
      %lt3A_1077 = arith.constant 0 : i32
      %lt3A_1078 = arith.cmpi slt, %rem3A_1074, %lt3A_1077 : i32
      %lt3A_1079 = arith.constant 0 : i32
      %lt3A_1080 = arith.cmpi slt, %select_n3A_1073, %lt3A_1079 : i32
      %ne3A_1081 = arith.xori %lt3A_1078, %lt3A_1080 : i1
      %and3A_1082 = arith.andi %ne3A_1081, %ne3A_1076 : i1
      %add3A_1083 = arith.addi %rem3A_1074, %select_n3A_1073 : i32
      %select_n3A_1084 = arith.select %and3A_1082, %add3A_1083, %rem3A_1074 : i32
      %get3A_1085 = arith.index_cast %select_n3A_1084 : i32 to index
      %get3A_1086 = arith.constant 64 : index
      %get3A_1087 = tpu.vector_load %arg5[%get3A_1085, %get3A_1086] {strides = array<i32>} : memref<64x200xi32, #tpu.memory_space<vmem>>, vector<1x16xi32>,
      %get3A_1088 = vector.shape_cast %get3A_1087 : vector<1x16xi32> to vector<16xi32>
      %swap3A_1089 = arith.constant 64 : index
      %swap3A_1090 = tpu.vector_load %arg6[%swap3A_1089] {strides = array<i32>} : memref<200xi32, #tpu.memory_space<vmem>>, vector<16xi32>,
      %swap3A_1091 = vector.shape_cast %swap3A_1090 : vector<16xi32> to vector<16xi32>
      %swap3A_1092 = vector.shape_cast %get3A_1088 : vector<16xi32> to vector<16xi32>
      tpu.vector_store %arg6[%swap3A_1089], %swap3A_1092 {strides = array<i32>} : memref<200xi32, #tpu.memory_space<vmem>>, vector<16xi32>,
      %jit3A_1093 = arith.constant 64 : i32
      %eq3A_1094 = arith.constant 0 : i32
      %eq3A_1095 = arith.cmpi eq, %jit3A_1093, %eq3A_1094 : i32
      %jit3A_1096 = arith.constant 1 : i32
      %select_n3A_1097 = arith.select %eq3A_1095, %jit3A_1096, %jit3A_1093 : i32
      %rem3A_1098 = arith.remsi %add3A_972, %select_n3A_1097 : i32
      %ne3A_1099 = arith.constant 0 : i32
      %ne3A_1100 = arith.cmpi ne, %rem3A_1098, %ne3A_1099 : i32
      %lt3A_1101 = arith.constant 0 : i32
      %lt3A_1102 = arith.cmpi slt, %rem3A_1098, %lt3A_1101 : i32
      %lt3A_1103 = arith.constant 0 : i32
      %lt3A_1104 = arith.cmpi slt, %select_n3A_1097, %lt3A_1103 : i32
      %ne3A_1105 = arith.xori %lt3A_1102, %lt3A_1104 : i1
      %and3A_1106 = arith.andi %ne3A_1105, %ne3A_1100 : i1
      %add3A_1107 = arith.addi %rem3A_1098, %select_n3A_1097 : i32
      %select_n3A_1108 = arith.select %and3A_1106, %add3A_1107, %rem3A_1098 : i32
      %get3A_1109 = arith.index_cast %select_n3A_1108 : i32 to index
      %get3A_1110 = arith.constant 80 : index
      %get3A_1111 = tpu.vector_load %arg5[%get3A_1109, %get3A_1110] {strides = array<i32>} : memref<64x200xi32, #tpu.memory_space<vmem>>, vector<1x16xi32>,
      %get3A_1112 = vector.shape_cast %get3A_1111 : vector<1x16xi32> to vector<16xi32>
      %swap3A_1113 = arith.constant 80 : index
      %swap3A_1114 = tpu.vector_load %arg6[%swap3A_1113] {strides = array<i32>} : memref<200xi32, #tpu.memory_space<vmem>>, vector<16xi32>,
      %swap3A_1115 = vector.shape_cast %swap3A_1114 : vector<16xi32> to vector<16xi32>
      %swap3A_1116 = vector.shape_cast %get3A_1112 : vector<16xi32> to vector<16xi32>
      tpu.vector_store %arg6[%swap3A_1113], %swap3A_1116 {strides = array<i32>} : memref<200xi32, #tpu.memory_space<vmem>>, vector<16xi32>,
      %jit3A_1117 = arith.constant 64 : i32
      %eq3A_1118 = arith.constant 0 : i32
      %eq3A_1119 = arith.cmpi eq, %jit3A_1117, %eq3A_1118 : i32
      %jit3A_1120 = arith.constant 1 : i32
      %select_n3A_1121 = arith.select %eq3A_1119, %jit3A_1120, %jit3A_1117 : i32
      %rem3A_1122 = arith.remsi %add3A_972, %select_n3A_1121 : i32
      %ne3A_1123 = arith.constant 0 : i32
      %ne3A_1124 = arith.cmpi ne, %rem3A_1122, %ne3A_1123 : i32
      %lt3A_1125 = arith.constant 0 : i32
      %lt3A_1126 = arith.cmpi slt, %rem3A_1122, %lt3A_1125 : i32
      %lt3A_1127 = arith.constant 0 : i32
      %lt3A_1128 = arith.cmpi slt, %select_n3A_1121, %lt3A_1127 : i32
      %ne3A_1129 = arith.xori %lt3A_1126, %lt3A_1128 : i1
      %and3A_1130 = arith.andi %ne3A_1129, %ne3A_1124 : i1
      %add3A_1131 = arith.addi %rem3A_1122, %select_n3A_1121 : i32
      %select_n3A_1132 = arith.select %and3A_1130, %add3A_1131, %rem3A_1122 : i32
      %get3A_1133 = arith.index_cast %select_n3A_1132 : i32 to index
      %get3A_1134 = arith.constant 96 : index
      %get3A_1135 = tpu.vector_load %arg5[%get3A_1133, %get3A_1134] {strides = array<i32>} : memref<64x200xi32, #tpu.memory_space<vmem>>, vector<1x16xi32>,
      %get3A_1136 = vector.shape_cast %get3A_1135 : vector<1x16xi32> to vector<16xi32>
      %swap3A_1137 = arith.constant 96 : index
      %swap3A_1138 = tpu.vector_load %arg6[%swap3A_1137] {strides = array<i32>} : memref<200xi32, #tpu.memory_space<vmem>>, vector<16xi32>,
      %swap3A_1139 = vector.shape_cast %swap3A_1138 : vector<16xi32> to vector<16xi32>
      %swap3A_1140 = vector.shape_cast %get3A_1136 : vector<16xi32> to vector<16xi32>
      tpu.vector_store %arg6[%swap3A_1137], %swap3A_1140 {strides = array<i32>} : memref<200xi32, #tpu.memory_space<vmem>>, vector<16xi32>,
      %jit3A_1141 = arith.constant 64 : i32
      %eq3A_1142 = arith.constant 0 : i32
      %eq3A_1143 = arith.cmpi eq, %jit3A_1141, %eq3A_1142 : i32
      %jit3A_1144 = arith.constant 1 : i32
      %select_n3A_1145 = arith.select %eq3A_1143, %jit3A_1144, %jit3A_1141 : i32
      %rem3A_1146 = arith.remsi %add3A_972, %select_n3A_1145 : i32
      %ne3A_1147 = arith.constant 0 : i32
      %ne3A_1148 = arith.cmpi ne, %rem3A_1146, %ne3A_1147 : i32
      %lt3A_1149 = arith.constant 0 : i32
      %lt3A_1150 = arith.cmpi slt, %rem3A_1146, %lt3A_1149 : i32
      %lt3A_1151 = arith.constant 0 : i32
      %lt3A_1152 = arith.cmpi slt, %select_n3A_1145, %lt3A_1151 : i32
      %ne3A_1153 = arith.xori %lt3A_1150, %lt3A_1152 : i1
      %and3A_1154 = arith.andi %ne3A_1153, %ne3A_1148 : i1
      %add3A_1155 = arith.addi %rem3A_1146, %select_n3A_1145 : i32
      %select_n3A_1156 = arith.select %and3A_1154, %add3A_1155, %rem3A_1146 : i32
      %get3A_1157 = arith.index_cast %select_n3A_1156 : i32 to index
      %get3A_1158 = arith.constant 112 : index
      %get3A_1159 = tpu.vector_load %arg5[%get3A_1157, %get3A_1158] {strides = array<i32>} : memref<64x200xi32, #tpu.memory_space<vmem>>, vector<1x16xi32>,
      %get3A_1160 = vector.shape_cast %get3A_1159 : vector<1x16xi32> to vector<16xi32>
      %swap3A_1161 = arith.constant 112 : index
      %swap3A_1162 = tpu.vector_load %arg6[%swap3A_1161] {strides = array<i32>} : memref<200xi32, #tpu.memory_space<vmem>>, vector<16xi32>,
      %swap3A_1163 = vector.shape_cast %swap3A_1162 : vector<16xi32> to vector<16xi32>
      %swap3A_1164 = vector.shape_cast %get3A_1160 : vector<16xi32> to vector<16xi32>
      tpu.vector_store %arg6[%swap3A_1161], %swap3A_1164 {strides = array<i32>} : memref<200xi32, #tpu.memory_space<vmem>>, vector<16xi32>,
      %jit3A_1165 = arith.constant 64 : i32
      %eq3A_1166 = arith.constant 0 : i32
      %eq3A_1167 = arith.cmpi eq, %jit3A_1165, %eq3A_1166 : i32
      %jit3A_1168 = arith.constant 1 : i32
      %select_n3A_1169 = arith.select %eq3A_1167, %jit3A_1168, %jit3A_1165 : i32
      %rem3A_1170 = arith.remsi %add3A_972, %select_n3A_1169 : i32
      %ne3A_1171 = arith.constant 0 : i32
      %ne3A_1172 = arith.cmpi ne, %rem3A_1170, %ne3A_1171 : i32
      %lt3A_1173 = arith.constant 0 : i32
      %lt3A_1174 = arith.cmpi slt, %rem3A_1170, %lt3A_1173 : i32
      %lt3A_1175 = arith.constant 0 : i32
      %lt3A_1176 = arith.cmpi slt, %select_n3A_1169, %lt3A_1175 : i32
      %ne3A_1177 = arith.xori %lt3A_1174, %lt3A_1176 : i1
      %and3A_1178 = arith.andi %ne3A_1177, %ne3A_1172 : i1
      %add3A_1179 = arith.addi %rem3A_1170, %select_n3A_1169 : i32
      %select_n3A_1180 = arith.select %and3A_1178, %add3A_1179, %rem3A_1170 : i32
      %get3A_1181 = arith.index_cast %select_n3A_1180 : i32 to index
      %get3A_1182 = arith.constant 128 : index
      %get3A_1183 = tpu.vector_load %arg5[%get3A_1181, %get3A_1182] {strides = array<i32>} : memref<64x200xi32, #tpu.memory_space<vmem>>, vector<1x16xi32>,
      %get3A_1184 = vector.shape_cast %get3A_1183 : vector<1x16xi32> to vector<16xi32>
      %swap3A_1185 = arith.constant 128 : index
      %swap3A_1186 = tpu.vector_load %arg6[%swap3A_1185] {strides = array<i32>} : memref<200xi32, #tpu.memory_space<vmem>>, vector<16xi32>,
      %swap3A_1187 = vector.shape_cast %swap3A_1186 : vector<16xi32> to vector<16xi32>
      %swap3A_1188 = vector.shape_cast %get3A_1184 : vector<16xi32> to vector<16xi32>
      tpu.vector_store %arg6[%swap3A_1185], %swap3A_1188 {strides = array<i32>} : memref<200xi32, #tpu.memory_space<vmem>>, vector<16xi32>,
      %jit3A_1189 = arith.constant 64 : i32
      %eq3A_1190 = arith.constant 0 : i32
      %eq3A_1191 = arith.cmpi eq, %jit3A_1189, %eq3A_1190 : i32
      %jit3A_1192 = arith.constant 1 : i32
      %select_n3A_1193 = arith.select %eq3A_1191, %jit3A_1192, %jit3A_1189 : i32
      %rem3A_1194 = arith.remsi %add3A_972, %select_n3A_1193 : i32
      %ne3A_1195 = arith.constant 0 : i32
      %ne3A_1196 = arith.cmpi ne, %rem3A_1194, %ne3A_1195 : i32
      %lt3A_1197 = arith.constant 0 : i32
      %lt3A_1198 = arith.cmpi slt, %rem3A_1194, %lt3A_1197 : i32
      %lt3A_1199 = arith.constant 0 : i32
      %lt3A_1200 = arith.cmpi slt, %select_n3A_1193, %lt3A_1199 : i32
      %ne3A_1201 = arith.xori %lt3A_1198, %lt3A_1200 : i1
      %and3A_1202 = arith.andi %ne3A_1201, %ne3A_1196 : i1
      %add3A_1203 = arith.addi %rem3A_1194, %select_n3A_1193 : i32
      %select_n3A_1204 = arith.select %and3A_1202, %add3A_1203, %rem3A_1194 : i32
      %get3A_1205 = arith.index_cast %select_n3A_1204 : i32 to index
      %get3A_1206 = arith.constant 144 : index
      %get3A_1207 = tpu.vector_load %arg5[%get3A_1205, %get3A_1206] {strides = array<i32>} : memref<64x200xi32, #tpu.memory_space<vmem>>, vector<1x16xi32>,
      %get3A_1208 = vector.shape_cast %get3A_1207 : vector<1x16xi32> to vector<16xi32>
      %swap3A_1209 = arith.constant 144 : index
      %swap3A_1210 = tpu.vector_load %arg6[%swap3A_1209] {strides = array<i32>} : memref<200xi32, #tpu.memory_space<vmem>>, vector<16xi32>,
      %swap3A_1211 = vector.shape_cast %swap3A_1210 : vector<16xi32> to vector<16xi32>
      %swap3A_1212 = vector.shape_cast %get3A_1208 : vector<16xi32> to vector<16xi32>
      tpu.vector_store %arg6[%swap3A_1209], %swap3A_1212 {strides = array<i32>} : memref<200xi32, #tpu.memory_space<vmem>>, vector<16xi32>,
      %jit3A_1213 = arith.constant 64 : i32
      %eq3A_1214 = arith.constant 0 : i32
      %eq3A_1215 = arith.cmpi eq, %jit3A_1213, %eq3A_1214 : i32
      %jit3A_1216 = arith.constant 1 : i32
      %select_n3A_1217 = arith.select %eq3A_1215, %jit3A_1216, %jit3A_1213 : i32
      %rem3A_1218 = arith.remsi %add3A_972, %select_n3A_1217 : i32
      %ne3A_1219 = arith.constant 0 : i32
      %ne3A_1220 = arith.cmpi ne, %rem3A_1218, %ne3A_1219 : i32
      %lt3A_1221 = arith.constant 0 : i32
      %lt3A_1222 = arith.cmpi slt, %rem3A_1218, %lt3A_1221 : i32
      %lt3A_1223 = arith.constant 0 : i32
      %lt3A_1224 = arith.cmpi slt, %select_n3A_1217, %lt3A_1223 : i32
      %ne3A_1225 = arith.xori %lt3A_1222, %lt3A_1224 : i1
      %and3A_1226 = arith.andi %ne3A_1225, %ne3A_1220 : i1
      %add3A_1227 = arith.addi %rem3A_1218, %select_n3A_1217 : i32
      %select_n3A_1228 = arith.select %and3A_1226, %add3A_1227, %rem3A_1218 : i32
      %get3A_1229 = arith.index_cast %select_n3A_1228 : i32 to index
      %get3A_1230 = arith.constant 160 : index
      %get3A_1231 = tpu.vector_load %arg5[%get3A_1229, %get3A_1230] {strides = array<i32>} : memref<64x200xi32, #tpu.memory_space<vmem>>, vector<1x16xi32>,
      %get3A_1232 = vector.shape_cast %get3A_1231 : vector<1x16xi32> to vector<16xi32>
      %swap3A_1233 = arith.constant 160 : index
      %swap3A_1234 = tpu.vector_load %arg6[%swap3A_1233] {strides = array<i32>} : memref<200xi32, #tpu.memory_space<vmem>>, vector<16xi32>,
      %swap3A_1235 = vector.shape_cast %swap3A_1234 : vector<16xi32> to vector<16xi32>
      %swap3A_1236 = vector.shape_cast %get3A_1232 : vector<16xi32> to vector<16xi32>
      tpu.vector_store %arg6[%swap3A_1233], %swap3A_1236 {strides = array<i32>} : memref<200xi32, #tpu.memory_space<vmem>>, vector<16xi32>,
      %jit3A_1237 = arith.constant 64 : i32
      %eq3A_1238 = arith.constant 0 : i32
      %eq3A_1239 = arith.cmpi eq, %jit3A_1237, %eq3A_1238 : i32
      %jit3A_1240 = arith.constant 1 : i32
      %select_n3A_1241 = arith.select %eq3A_1239, %jit3A_1240, %jit3A_1237 : i32
      %rem3A_1242 = arith.remsi %add3A_972, %select_n3A_1241 : i32
      %ne3A_1243 = arith.constant 0 : i32
      %ne3A_1244 = arith.cmpi ne, %rem3A_1242, %ne3A_1243 : i32
      %lt3A_1245 = arith.constant 0 : i32
      %lt3A_1246 = arith.cmpi slt, %rem3A_1242, %lt3A_1245 : i32
      %lt3A_1247 = arith.constant 0 : i32
      %lt3A_1248 = arith.cmpi slt, %select_n3A_1241, %lt3A_1247 : i32
      %ne3A_1249 = arith.xori %lt3A_1246, %lt3A_1248 : i1
      %and3A_1250 = arith.andi %ne3A_1249, %ne3A_1244 : i1
      %add3A_1251 = arith.addi %rem3A_1242, %select_n3A_1241 : i32
      %select_n3A_1252 = arith.select %and3A_1250, %add3A_1251, %rem3A_1242 : i32
      %get3A_1253 = arith.index_cast %select_n3A_1252 : i32 to index
      %get3A_1254 = arith.constant 176 : index
      %get3A_1255 = tpu.vector_load %arg5[%get3A_1253, %get3A_1254] {strides = array<i32>} : memref<64x200xi32, #tpu.memory_space<vmem>>, vector<1x16xi32>,
      %get3A_1256 = vector.shape_cast %get3A_1255 : vector<1x16xi32> to vector<16xi32>
      %swap3A_1257 = arith.constant 176 : index
      %swap3A_1258 = tpu.vector_load %arg6[%swap3A_1257] {strides = array<i32>} : memref<200xi32, #tpu.memory_space<vmem>>, vector<16xi32>,
      %swap3A_1259 = vector.shape_cast %swap3A_1258 : vector<16xi32> to vector<16xi32>
      %swap3A_1260 = vector.shape_cast %get3A_1256 : vector<16xi32> to vector<16xi32>
      tpu.vector_store %arg6[%swap3A_1257], %swap3A_1260 {strides = array<i32>} : memref<200xi32, #tpu.memory_space<vmem>>, vector<16xi32>,
      %jit3A_1261 = arith.constant 64 : i32
      %eq3A_1262 = arith.constant 0 : i32
      %eq3A_1263 = arith.cmpi eq, %jit3A_1261, %eq3A_1262 : i32
      %jit3A_1264 = arith.constant 1 : i32
      %select_n3A_1265 = arith.select %eq3A_1263, %jit3A_1264, %jit3A_1261 : i32
      %rem3A_1266 = arith.remsi %add3A_972, %select_n3A_1265 : i32
      %ne3A_1267 = arith.constant 0 : i32
      %ne3A_1268 = arith.cmpi ne, %rem3A_1266, %ne3A_1267 : i32
      %lt3A_1269 = arith.constant 0 : i32
      %lt3A_1270 = arith.cmpi slt, %rem3A_1266, %lt3A_1269 : i32
      %lt3A_1271 = arith.constant 0 : i32
      %lt3A_1272 = arith.cmpi slt, %select_n3A_1265, %lt3A_1271 : i32
      %ne3A_1273 = arith.xori %lt3A_1270, %lt3A_1272 : i1
      %and3A_1274 = arith.andi %ne3A_1273, %ne3A_1268 : i1
      %add3A_1275 = arith.addi %rem3A_1266, %select_n3A_1265 : i32
      %select_n3A_1276 = arith.select %and3A_1274, %add3A_1275, %rem3A_1266 : i32
      %get3A_1277 = arith.index_cast %select_n3A_1276 : i32 to index
      %get3A_1278 = arith.constant 184 : index
      %get3A_1279 = tpu.vector_load %arg5[%get3A_1277, %get3A_1278] {strides = array<i32>} : memref<64x200xi32, #tpu.memory_space<vmem>>, vector<1x16xi32>,
      %get3A_1280 = vector.shape_cast %get3A_1279 : vector<1x16xi32> to vector<16xi32>
      %swap3A_1281 = arith.constant 184 : index
      %swap3A_1282 = tpu.vector_load %arg6[%swap3A_1281] {strides = array<i32>} : memref<200xi32, #tpu.memory_space<vmem>>, vector<16xi32>,
      %swap3A_1283 = vector.shape_cast %swap3A_1282 : vector<16xi32> to vector<16xi32>
      %swap3A_1284 = vector.shape_cast %get3A_1280 : vector<16xi32> to vector<16xi32>
      tpu.vector_store %arg6[%swap3A_1281], %swap3A_1284 {strides = array<i32>} : memref<200xi32, #tpu.memory_space<vmem>>, vector<16xi32>,
      %dma_start3A_1285 = arith.constant 0 : i32
      %dma_start3A_1286 = arith.constant 0 : i32
      %dma_start3A_1287 = tpu.memref_slice %arg3[%dma_start3A_1285, %dma_start3A_1286] : memref<1000000x128xf32, #tpu.memory_space<hbm>> -> memref<1000000x128xf32, #tpu.memory_space<hbm>>
      tpu.enqueue_indirect_dma source(%dma_start3A_1287 : memref<1000000x128xf32, #tpu.memory_space<hbm>>) target(%arg8 : memref<200x128xf32, #tpu.memory_space<vmem>>) offsets(%arg6 : memref<200xi32, #tpu.memory_space<vmem>>) semaphore(%arg12 : memref<!tpu.dma_semaphore, #tpu.memory_space<semaphore_mem>>)
      %scan3A_1288 = arith.constant 0 : i32
      %scan3A_1289 = arith.constant 200 : i32
      %scan3A_1290 = arith.addi %scan3A_1288, %scan3A_1289 : i32
      %scan3A_1291 = arith.constant 1 : i32
      scf.for %scan3A_1304 = %scan3A_1288 to %scan3A_1290 step %scan3A_1291  : i32 {
        %mul3A_1305 = arith.constant 1 : i32
        %mul3A_1306 = arith.muli %scan3A_1304, %mul3A_1305 : i32
        %add3A_1307 = arith.constant 0 : i32
        %add3A_1308 = arith.addi %add3A_1307, %mul3A_1306 : i32
        %get3A_1309 = arith.index_cast %add3A_1308 : i32 to index
        %get3A_1310 = arith.constant 0 : index
        %get3A_1311 = tpu.vector_load %arg9[%get3A_1309, %get3A_1310] {strides = array<i32>} : memref<200x128xf32, #tpu.memory_space<vmem>>, vector<1x16xf32>,
        %get3A_1312 = vector.shape_cast %get3A_1311 : vector<1x16xf32> to vector<16xf32>
        %swap3A_1313 = arith.index_cast %add3A_1308 : i32 to index
        %swap3A_1314 = arith.constant 0 : index
        %swap3A_1315 = tpu.vector_load %arg11[%swap3A_1313, %swap3A_1314] {strides = array<i32>} : memref<200x64xf32, #tpu.memory_space<vmem>>, vector<1x16xf32>,
        %swap3A_1316 = vector.shape_cast %swap3A_1315 : vector<1x16xf32> to vector<16xf32>
        %swap3A_1317 = vector.shape_cast %get3A_1312 : vector<16xf32> to vector<1x16xf32>
        tpu.vector_store %arg11[%swap3A_1313, %swap3A_1314], %swap3A_1317 {strides = array<i32>} : memref<200x64xf32, #tpu.memory_space<vmem>>, vector<1x16xf32>,
        %get3A_1318 = arith.index_cast %add3A_1308 : i32 to index
        %get3A_1319 = arith.constant 16 : index
        %get3A_1320 = tpu.vector_load %arg9[%get3A_1318, %get3A_1319] {strides = array<i32>} : memref<200x128xf32, #tpu.memory_space<vmem>>, vector<1x16xf32>,
        %get3A_1321 = vector.shape_cast %get3A_1320 : vector<1x16xf32> to vector<16xf32>
        %swap3A_1322 = arith.index_cast %add3A_1308 : i32 to index
        %swap3A_1323 = arith.constant 16 : index
        %swap3A_1324 = tpu.vector_load %arg11[%swap3A_1322, %swap3A_1323] {strides = array<i32>} : memref<200x64xf32, #tpu.memory_space<vmem>>, vector<1x16xf32>,
        %swap3A_1325 = vector.shape_cast %swap3A_1324 : vector<1x16xf32> to vector<16xf32>
        %swap3A_1326 = vector.shape_cast %get3A_1321 : vector<16xf32> to vector<1x16xf32>
        tpu.vector_store %arg11[%swap3A_1322, %swap3A_1323], %swap3A_1326 {strides = array<i32>} : memref<200x64xf32, #tpu.memory_space<vmem>>, vector<1x16xf32>,
        %get3A_1327 = arith.index_cast %add3A_1308 : i32 to index
        %get3A_1328 = arith.constant 32 : index
        %get3A_1329 = tpu.vector_load %arg9[%get3A_1327, %get3A_1328] {strides = array<i32>} : memref<200x128xf32, #tpu.memory_space<vmem>>, vector<1x16xf32>,
        %get3A_1330 = vector.shape_cast %get3A_1329 : vector<1x16xf32> to vector<16xf32>
        %swap3A_1331 = arith.index_cast %add3A_1308 : i32 to index
        %swap3A_1332 = arith.constant 32 : index
        %swap3A_1333 = tpu.vector_load %arg11[%swap3A_1331, %swap3A_1332] {strides = array<i32>} : memref<200x64xf32, #tpu.memory_space<vmem>>, vector<1x16xf32>,
        %swap3A_1334 = vector.shape_cast %swap3A_1333 : vector<1x16xf32> to vector<16xf32>
        %swap3A_1335 = vector.shape_cast %get3A_1330 : vector<16xf32> to vector<1x16xf32>
        tpu.vector_store %arg11[%swap3A_1331, %swap3A_1332], %swap3A_1335 {strides = array<i32>} : memref<200x64xf32, #tpu.memory_space<vmem>>, vector<1x16xf32>,
        %get3A_1336 = arith.index_cast %add3A_1308 : i32 to index
        %get3A_1337 = arith.constant 48 : index
        %get3A_1338 = tpu.vector_load %arg9[%get3A_1336, %get3A_1337] {strides = array<i32>} : memref<200x128xf32, #tpu.memory_space<vmem>>, vector<1x16xf32>,
        %get3A_1339 = vector.shape_cast %get3A_1338 : vector<1x16xf32> to vector<16xf32>
        %swap3A_1340 = arith.index_cast %add3A_1308 : i32 to index
        %swap3A_1341 = arith.constant 48 : index
        %swap3A_1342 = tpu.vector_load %arg11[%swap3A_1340, %swap3A_1341] {strides = array<i32>} : memref<200x64xf32, #tpu.memory_space<vmem>>, vector<1x16xf32>,
        %swap3A_1343 = vector.shape_cast %swap3A_1342 : vector<1x16xf32> to vector<16xf32>
        %swap3A_1344 = vector.shape_cast %get3A_1339 : vector<16xf32> to vector<1x16xf32>
        tpu.vector_store %arg11[%swap3A_1340, %swap3A_1341], %swap3A_1344 {strides = array<i32>} : memref<200x64xf32, #tpu.memory_space<vmem>>, vector<1x16xf32>,
      }
      %scan3A_1292 = arith.constant 200 : i32
      %add3A_1293 = arith.addi %mul3A_2, %add3A_956 : i32
      %dma_start3A_1294 = arith.constant 0 : i32
      %dma_start3A_1295 = arith.constant 0 : i32
      %dma_start3A_1296 = tpu.memref_slice %arg4[%add3A_1293, %dma_start3A_1294, %dma_start3A_1295] : memref<4096x200x64xf32, #tpu.memory_space<hbm>> -> memref<1x200x64xf32, #tpu.memory_space<hbm>>
      %dma_start3A_1297 = tpu.memref_squeeze %dma_start3A_1296 : memref<1x200x64xf32, #tpu.memory_space<hbm>> -> memref<200x64xf32, #tpu.memory_space<hbm>>
      %dma_start3A_1298 = arith.constant 0 : i32
      %dma_start3A_1299 = arith.constant 0 : i32
      %dma_start3A_1300 = tpu.memref_slice %arg4[%add3A_1293, %dma_start3A_1298, %dma_start3A_1299] : memref<4096x200x64xf32, #tpu.memory_space<hbm>> -> memref<1x200x64xf32, #tpu.memory_space<hbm>>
      %dma_start3A_1301 = tpu.memref_squeeze %dma_start3A_1300 : memref<1x200x64xf32, #tpu.memory_space<hbm>> -> memref<200x64xf32, #tpu.memory_space<hbm>>
      tpu.enqueue_dma source(%arg11 : memref<200x64xf32, #tpu.memory_space<vmem>>) target(%dma_start3A_1301 : memref<200x64xf32, #tpu.memory_space<hbm>>) target_semaphore(%arg15 : memref<!tpu.dma_semaphore, #tpu.memory_space<semaphore_mem>>)
      %add3A_1302 = arith.constant 1 : i32
      %add3A_1303 = arith.addi %add3A_956, %add3A_1302 : i32
    }
    %scan3A_421 = arith.constant 31 : i32
    %dma_wait3A_422 = arith.constant 0 : i32
    %dma_wait3A_423 = arith.constant 0 : i32
    %dma_wait3A_424 = tpu.memref_slice %arg3[%dma_wait3A_422, %dma_wait3A_423] : memref<1000000x128xf32, #tpu.memory_space<hbm>> -> memref<200x128xf32, #tpu.memory_space<hbm>>
    %dma_wait3A_425 = arith.constant 0 : i32
    %dma_wait3A_426 = arith.constant 0 : i32
    %dma_wait3A_427 = tpu.memref_slice %arg3[%dma_wait3A_425, %dma_wait3A_426] : memref<1000000x128xf32, #tpu.memory_space<hbm>> -> memref<200x128xf32, #tpu.memory_space<hbm>>
    tpu.wait_dma2 semaphore(%arg12 : memref<!tpu.dma_semaphore, #tpu.memory_space<semaphore_mem>>) src(%dma_wait3A_427 : memref<200x128xf32, #tpu.memory_space<hbm>>) dst(%arg8 : memref<200x128xf32, #tpu.memory_space<vmem>>)
    %dma_wait3A_428 = arith.constant 0 : i32
    %dma_wait3A_429 = arith.constant 0 : i32
    %dma_wait3A_430 = tpu.memref_slice %arg4[%mul3A_2, %dma_wait3A_428, %dma_wait3A_429] : memref<4096x200x64xf32, #tpu.memory_space<hbm>> -> memref<1x200x64xf32, #tpu.memory_space<hbm>>
    %dma_wait3A_431 = tpu.memref_squeeze %dma_wait3A_430 : memref<1x200x64xf32, #tpu.memory_space<hbm>> -> memref<200x64xf32, #tpu.memory_space<hbm>>
    %dma_wait3A_432 = arith.constant 0 : i32
    %dma_wait3A_433 = arith.constant 0 : i32
    %dma_wait3A_434 = tpu.memref_slice %arg4[%mul3A_2, %dma_wait3A_432, %dma_wait3A_433] : memref<4096x200x64xf32, #tpu.memory_space<hbm>> -> memref<1x200x64xf32, #tpu.memory_space<hbm>>
    %dma_wait3A_435 = tpu.memref_squeeze %dma_wait3A_434 : memref<1x200x64xf32, #tpu.memory_space<hbm>> -> memref<200x64xf32, #tpu.memory_space<hbm>>
    tpu.wait_dma2 semaphore(%arg15 : memref<!tpu.dma_semaphore, #tpu.memory_space<semaphore_mem>>) src(%arg11 : memref<200x64xf32, #tpu.memory_space<vmem>>) dst(%dma_wait3A_435 : memref<200x64xf32, #tpu.memory_space<hbm>>)
    %get3A_436 = arith.constant 63 : i32
    %get3A_437 = arith.index_cast %get3A_436 : i32 to index
    %get3A_438 = arith.constant 0 : index
    %get3A_439 = tpu.vector_load %arg5[%get3A_437, %get3A_438] {strides = array<i32>} : memref<64x200xi32, #tpu.memory_space<vmem>>, vector<1x16xi32>,
    %get3A_440 = vector.shape_cast %get3A_439 : vector<1x16xi32> to vector<16xi32>
    %swap3A_441 = arith.constant 0 : index
    %swap3A_442 = tpu.vector_load %arg7[%swap3A_441] {strides = array<i32>} : memref<200xi32, #tpu.memory_space<vmem>>, vector<16xi32>,
    %swap3A_443 = vector.shape_cast %swap3A_442 : vector<16xi32> to vector<16xi32>
    %swap3A_444 = vector.shape_cast %get3A_440 : vector<16xi32> to vector<16xi32>
    tpu.vector_store %arg7[%swap3A_441], %swap3A_444 {strides = array<i32>} : memref<200xi32, #tpu.memory_space<vmem>>, vector<16xi32>,
    %get3A_445 = arith.constant 63 : i32
    %get3A_446 = arith.index_cast %get3A_445 : i32 to index
    %get3A_447 = arith.constant 16 : index
    %get3A_448 = tpu.vector_load %arg5[%get3A_446, %get3A_447] {strides = array<i32>} : memref<64x200xi32, #tpu.memory_space<vmem>>, vector<1x16xi32>,
    %get3A_449 = vector.shape_cast %get3A_448 : vector<1x16xi32> to vector<16xi32>
    %swap3A_450 = arith.constant 16 : index
    %swap3A_451 = tpu.vector_load %arg7[%swap3A_450] {strides = array<i32>} : memref<200xi32, #tpu.memory_space<vmem>>, vector<16xi32>,
    %swap3A_452 = vector.shape_cast %swap3A_451 : vector<16xi32> to vector<16xi32>
    %swap3A_453 = vector.shape_cast %get3A_449 : vector<16xi32> to vector<16xi32>
    tpu.vector_store %arg7[%swap3A_450], %swap3A_453 {strides = array<i32>} : memref<200xi32, #tpu.memory_space<vmem>>, vector<16xi32>,
    %get3A_454 = arith.constant 63 : i32
    %get3A_455 = arith.index_cast %get3A_454 : i32 to index
    %get3A_456 = arith.constant 32 : index
    %get3A_457 = tpu.vector_load %arg5[%get3A_455, %get3A_456] {strides = array<i32>} : memref<64x200xi32, #tpu.memory_space<vmem>>, vector<1x16xi32>,
    %get3A_458 = vector.shape_cast %get3A_457 : vector<1x16xi32> to vector<16xi32>
    %swap3A_459 = arith.constant 32 : index
    %swap3A_460 = tpu.vector_load %arg7[%swap3A_459] {strides = array<i32>} : memref<200xi32, #tpu.memory_space<vmem>>, vector<16xi32>,
    %swap3A_461 = vector.shape_cast %swap3A_460 : vector<16xi32> to vector<16xi32>
    %swap3A_462 = vector.shape_cast %get3A_458 : vector<16xi32> to vector<16xi32>
    tpu.vector_store %arg7[%swap3A_459], %swap3A_462 {strides = array<i32>} : memref<200xi32, #tpu.memory_space<vmem>>, vector<16xi32>,
    %get3A_463 = arith.constant 63 : i32
    %get3A_464 = arith.index_cast %get3A_463 : i32 to index
    %get3A_465 = arith.constant 48 : index
    %get3A_466 = tpu.vector_load %arg5[%get3A_464, %get3A_465] {strides = array<i32>} : memref<64x200xi32, #tpu.memory_space<vmem>>, vector<1x16xi32>,
    %get3A_467 = vector.shape_cast %get3A_466 : vector<1x16xi32> to vector<16xi32>
    %swap3A_468 = arith.constant 48 : index
    %swap3A_469 = tpu.vector_load %arg7[%swap3A_468] {strides = array<i32>} : memref<200xi32, #tpu.memory_space<vmem>>, vector<16xi32>,
    %swap3A_470 = vector.shape_cast %swap3A_469 : vector<16xi32> to vector<16xi32>
    %swap3A_471 = vector.shape_cast %get3A_467 : vector<16xi32> to vector<16xi32>
    tpu.vector_store %arg7[%swap3A_468], %swap3A_471 {strides = array<i32>} : memref<200xi32, #tpu.memory_space<vmem>>, vector<16xi32>,
    %get3A_472 = arith.constant 63 : i32
    %get3A_473 = arith.index_cast %get3A_472 : i32 to index
    %get3A_474 = arith.constant 64 : index
    %get3A_475 = tpu.vector_load %arg5[%get3A_473, %get3A_474] {strides = array<i32>} : memref<64x200xi32, #tpu.memory_space<vmem>>, vector<1x16xi32>,
    %get3A_476 = vector.shape_cast %get3A_475 : vector<1x16xi32> to vector<16xi32>
    %swap3A_477 = arith.constant 64 : index
    %swap3A_478 = tpu.vector_load %arg7[%swap3A_477] {strides = array<i32>} : memref<200xi32, #tpu.memory_space<vmem>>, vector<16xi32>,
    %swap3A_479 = vector.shape_cast %swap3A_478 : vector<16xi32> to vector<16xi32>
    %swap3A_480 = vector.shape_cast %get3A_476 : vector<16xi32> to vector<16xi32>
    tpu.vector_store %arg7[%swap3A_477], %swap3A_480 {strides = array<i32>} : memref<200xi32, #tpu.memory_space<vmem>>, vector<16xi32>,
    %get3A_481 = arith.constant 63 : i32
    %get3A_482 = arith.index_cast %get3A_481 : i32 to index
    %get3A_483 = arith.constant 80 : index
    %get3A_484 = tpu.vector_load %arg5[%get3A_482, %get3A_483] {strides = array<i32>} : memref<64x200xi32, #tpu.memory_space<vmem>>, vector<1x16xi32>,
    %get3A_485 = vector.shape_cast %get3A_484 : vector<1x16xi32> to vector<16xi32>
    %swap3A_486 = arith.constant 80 : index
    %swap3A_487 = tpu.vector_load %arg7[%swap3A_486] {strides = array<i32>} : memref<200xi32, #tpu.memory_space<vmem>>, vector<16xi32>,
    %swap3A_488 = vector.shape_cast %swap3A_487 : vector<16xi32> to vector<16xi32>
    %swap3A_489 = vector.shape_cast %get3A_485 : vector<16xi32> to vector<16xi32>
    tpu.vector_store %arg7[%swap3A_486], %swap3A_489 {strides = array<i32>} : memref<200xi32, #tpu.memory_space<vmem>>, vector<16xi32>,
    %get3A_490 = arith.constant 63 : i32
    %get3A_491 = arith.index_cast %get3A_490 : i32 to index
    %get3A_492 = arith.constant 96 : index
    %get3A_493 = tpu.vector_load %arg5[%get3A_491, %get3A_492] {strides = array<i32>} : memref<64x200xi32, #tpu.memory_space<vmem>>, vector<1x16xi32>,
    %get3A_494 = vector.shape_cast %get3A_493 : vector<1x16xi32> to vector<16xi32>
    %swap3A_495 = arith.constant 96 : index
    %swap3A_496 = tpu.vector_load %arg7[%swap3A_495] {strides = array<i32>} : memref<200xi32, #tpu.memory_space<vmem>>, vector<16xi32>,
    %swap3A_497 = vector.shape_cast %swap3A_496 : vector<16xi32> to vector<16xi32>
    %swap3A_498 = vector.shape_cast %get3A_494 : vector<16xi32> to vector<16xi32>
    tpu.vector_store %arg7[%swap3A_495], %swap3A_498 {strides = array<i32>} : memref<200xi32, #tpu.memory_space<vmem>>, vector<16xi32>,
    %get3A_499 = arith.constant 63 : i32
    %get3A_500 = arith.index_cast %get3A_499 : i32 to index
    %get3A_501 = arith.constant 112 : index
    %get3A_502 = tpu.vector_load %arg5[%get3A_500, %get3A_501] {strides = array<i32>} : memref<64x200xi32, #tpu.memory_space<vmem>>, vector<1x16xi32>,
    %get3A_503 = vector.shape_cast %get3A_502 : vector<1x16xi32> to vector<16xi32>
    %swap3A_504 = arith.constant 112 : index
    %swap3A_505 = tpu.vector_load %arg7[%swap3A_504] {strides = array<i32>} : memref<200xi32, #tpu.memory_space<vmem>>, vector<16xi32>,
    %swap3A_506 = vector.shape_cast %swap3A_505 : vector<16xi32> to vector<16xi32>
    %swap3A_507 = vector.shape_cast %get3A_503 : vector<16xi32> to vector<16xi32>
    tpu.vector_store %arg7[%swap3A_504], %swap3A_507 {strides = array<i32>} : memref<200xi32, #tpu.memory_space<vmem>>, vector<16xi32>,
    %get3A_508 = arith.constant 63 : i32
    %get3A_509 = arith.index_cast %get3A_508 : i32 to index
    %get3A_510 = arith.constant 128 : index
    %get3A_511 = tpu.vector_load %arg5[%get3A_509, %get3A_510] {strides = array<i32>} : memref<64x200xi32, #tpu.memory_space<vmem>>, vector<1x16xi32>,
    %get3A_512 = vector.shape_cast %get3A_511 : vector<1x16xi32> to vector<16xi32>
    %swap3A_513 = arith.constant 128 : index
    %swap3A_514 = tpu.vector_load %arg7[%swap3A_513] {strides = array<i32>} : memref<200xi32, #tpu.memory_space<vmem>>, vector<16xi32>,
    %swap3A_515 = vector.shape_cast %swap3A_514 : vector<16xi32> to vector<16xi32>
    %swap3A_516 = vector.shape_cast %get3A_512 : vector<16xi32> to vector<16xi32>
    tpu.vector_store %arg7[%swap3A_513], %swap3A_516 {strides = array<i32>} : memref<200xi32, #tpu.memory_space<vmem>>, vector<16xi32>,
    %get3A_517 = arith.constant 63 : i32
    %get3A_518 = arith.index_cast %get3A_517 : i32 to index
    %get3A_519 = arith.constant 144 : index
    %get3A_520 = tpu.vector_load %arg5[%get3A_518, %get3A_519] {strides = array<i32>} : memref<64x200xi32, #tpu.memory_space<vmem>>, vector<1x16xi32>,
    %get3A_521 = vector.shape_cast %get3A_520 : vector<1x16xi32> to vector<16xi32>
    %swap3A_522 = arith.constant 144 : index
    %swap3A_523 = tpu.vector_load %arg7[%swap3A_522] {strides = array<i32>} : memref<200xi32, #tpu.memory_space<vmem>>, vector<16xi32>,
    %swap3A_524 = vector.shape_cast %swap3A_523 : vector<16xi32> to vector<16xi32>
    %swap3A_525 = vector.shape_cast %get3A_521 : vector<16xi32> to vector<16xi32>
    tpu.vector_store %arg7[%swap3A_522], %swap3A_525 {strides = array<i32>} : memref<200xi32, #tpu.memory_space<vmem>>, vector<16xi32>,
    %get3A_526 = arith.constant 63 : i32
    %get3A_527 = arith.index_cast %get3A_526 : i32 to index
    %get3A_528 = arith.constant 160 : index
    %get3A_529 = tpu.vector_load %arg5[%get3A_527, %get3A_528] {strides = array<i32>} : memref<64x200xi32, #tpu.memory_space<vmem>>, vector<1x16xi32>,
    %get3A_530 = vector.shape_cast %get3A_529 : vector<1x16xi32> to vector<16xi32>
    %swap3A_531 = arith.constant 160 : index
    %swap3A_532 = tpu.vector_load %arg7[%swap3A_531] {strides = array<i32>} : memref<200xi32, #tpu.memory_space<vmem>>, vector<16xi32>,
    %swap3A_533 = vector.shape_cast %swap3A_532 : vector<16xi32> to vector<16xi32>
    %swap3A_534 = vector.shape_cast %get3A_530 : vector<16xi32> to vector<16xi32>
    tpu.vector_store %arg7[%swap3A_531], %swap3A_534 {strides = array<i32>} : memref<200xi32, #tpu.memory_space<vmem>>, vector<16xi32>,
    %get3A_535 = arith.constant 63 : i32
    %get3A_536 = arith.index_cast %get3A_535 : i32 to index
    %get3A_537 = arith.constant 176 : index
    %get3A_538 = tpu.vector_load %arg5[%get3A_536, %get3A_537] {strides = array<i32>} : memref<64x200xi32, #tpu.memory_space<vmem>>, vector<1x16xi32>,
    %get3A_539 = vector.shape_cast %get3A_538 : vector<1x16xi32> to vector<16xi32>
    %swap3A_540 = arith.constant 176 : index
    %swap3A_541 = tpu.vector_load %arg7[%swap3A_540] {strides = array<i32>} : memref<200xi32, #tpu.memory_space<vmem>>, vector<16xi32>,
    %swap3A_542 = vector.shape_cast %swap3A_541 : vector<16xi32> to vector<16xi32>
    %swap3A_543 = vector.shape_cast %get3A_539 : vector<16xi32> to vector<16xi32>
    tpu.vector_store %arg7[%swap3A_540], %swap3A_543 {strides = array<i32>} : memref<200xi32, #tpu.memory_space<vmem>>, vector<16xi32>,
    %get3A_544 = arith.constant 63 : i32
    %get3A_545 = arith.index_cast %get3A_544 : i32 to index
    %get3A_546 = arith.constant 184 : index
    %get3A_547 = tpu.vector_load %arg5[%get3A_545, %get3A_546] {strides = array<i32>} : memref<64x200xi32, #tpu.memory_space<vmem>>, vector<1x16xi32>,
    %get3A_548 = vector.shape_cast %get3A_547 : vector<1x16xi32> to vector<16xi32>
    %swap3A_549 = arith.constant 184 : index
    %swap3A_550 = tpu.vector_load %arg7[%swap3A_549] {strides = array<i32>} : memref<200xi32, #tpu.memory_space<vmem>>, vector<16xi32>,
    %swap3A_551 = vector.shape_cast %swap3A_550 : vector<16xi32> to vector<16xi32>
    %swap3A_552 = vector.shape_cast %get3A_548 : vector<16xi32> to vector<16xi32>
    tpu.vector_store %arg7[%swap3A_549], %swap3A_552 {strides = array<i32>} : memref<200xi32, #tpu.memory_space<vmem>>, vector<16xi32>,
    %dma_start3A_553 = arith.constant 0 : i32
    %dma_start3A_554 = arith.constant 0 : i32
    %dma_start3A_555 = tpu.memref_slice %arg3[%dma_start3A_553, %dma_start3A_554] : memref<1000000x128xf32, #tpu.memory_space<hbm>> -> memref<1000000x128xf32, #tpu.memory_space<hbm>>
    tpu.enqueue_indirect_dma source(%dma_start3A_555 : memref<1000000x128xf32, #tpu.memory_space<hbm>>) target(%arg9 : memref<200x128xf32, #tpu.memory_space<vmem>>) offsets(%arg7 : memref<200xi32, #tpu.memory_space<vmem>>) semaphore(%arg13 : memref<!tpu.dma_semaphore, #tpu.memory_space<semaphore_mem>>)
    %scan3A_556 = arith.constant 0 : i32
    %scan3A_557 = arith.constant 200 : i32
    %scan3A_558 = arith.addi %scan3A_556, %scan3A_557 : i32
    %scan3A_559 = arith.constant 1 : i32
    scf.for %scan3A_608 = %scan3A_556 to %scan3A_558 step %scan3A_559  : i32 {
      %mul3A_609 = arith.constant 1 : i32
      %mul3A_610 = arith.muli %scan3A_608, %mul3A_609 : i32
      %add3A_611 = arith.constant 0 : i32
      %add3A_612 = arith.addi %add3A_611, %mul3A_610 : i32
      %get3A_613 = arith.index_cast %add3A_612 : i32 to index
      %get3A_614 = arith.constant 0 : index
      %get3A_615 = tpu.vector_load %arg8[%get3A_613, %get3A_614] {strides = array<i32>} : memref<200x128xf32, #tpu.memory_space<vmem>>, vector<1x16xf32>,
      %get3A_616 = vector.shape_cast %get3A_615 : vector<1x16xf32> to vector<16xf32>
      %swap3A_617 = arith.index_cast %add3A_612 : i32 to index
      %swap3A_618 = arith.constant 0 : index
      %swap3A_619 = tpu.vector_load %arg10[%swap3A_617, %swap3A_618] {strides = array<i32>} : memref<200x64xf32, #tpu.memory_space<vmem>>, vector<1x16xf32>,
      %swap3A_620 = vector.shape_cast %swap3A_619 : vector<1x16xf32> to vector<16xf32>
      %swap3A_621 = vector.shape_cast %get3A_616 : vector<16xf32> to vector<1x16xf32>
      tpu.vector_store %arg10[%swap3A_617, %swap3A_618], %swap3A_621 {strides = array<i32>} : memref<200x64xf32, #tpu.memory_space<vmem>>, vector<1x16xf32>,
      %get3A_622 = arith.index_cast %add3A_612 : i32 to index
      %get3A_623 = arith.constant 16 : index
      %get3A_624 = tpu.vector_load %arg8[%get3A_622, %get3A_623] {strides = array<i32>} : memref<200x128xf32, #tpu.memory_space<vmem>>, vector<1x16xf32>,
      %get3A_625 = vector.shape_cast %get3A_624 : vector<1x16xf32> to vector<16xf32>
      %swap3A_626 = arith.index_cast %add3A_612 : i32 to index
      %swap3A_627 = arith.constant 16 : index
      %swap3A_628 = tpu.vector_load %arg10[%swap3A_626, %swap3A_627] {strides = array<i32>} : memref<200x64xf32, #tpu.memory_space<vmem>>, vector<1x16xf32>,
      %swap3A_629 = vector.shape_cast %swap3A_628 : vector<1x16xf32> to vector<16xf32>
      %swap3A_630 = vector.shape_cast %get3A_625 : vector<16xf32> to vector<1x16xf32>
      tpu.vector_store %arg10[%swap3A_626, %swap3A_627], %swap3A_630 {strides = array<i32>} : memref<200x64xf32, #tpu.memory_space<vmem>>, vector<1x16xf32>,
      %get3A_631 = arith.index_cast %add3A_612 : i32 to index
      %get3A_632 = arith.constant 32 : index
      %get3A_633 = tpu.vector_load %arg8[%get3A_631, %get3A_632] {strides = array<i32>} : memref<200x128xf32, #tpu.memory_space<vmem>>, vector<1x16xf32>,
      %get3A_634 = vector.shape_cast %get3A_633 : vector<1x16xf32> to vector<16xf32>
      %swap3A_635 = arith.index_cast %add3A_612 : i32 to index
      %swap3A_636 = arith.constant 32 : index
      %swap3A_637 = tpu.vector_load %arg10[%swap3A_635, %swap3A_636] {strides = array<i32>} : memref<200x64xf32, #tpu.memory_space<vmem>>, vector<1x16xf32>,
      %swap3A_638 = vector.shape_cast %swap3A_637 : vector<1x16xf32> to vector<16xf32>
      %swap3A_639 = vector.shape_cast %get3A_634 : vector<16xf32> to vector<1x16xf32>
      tpu.vector_store %arg10[%swap3A_635, %swap3A_636], %swap3A_639 {strides = array<i32>} : memref<200x64xf32, #tpu.memory_space<vmem>>, vector<1x16xf32>,
      %get3A_640 = arith.index_cast %add3A_612 : i32 to index
      %get3A_641 = arith.constant 48 : index
      %get3A_642 = tpu.vector_load %arg8[%get3A_640, %get3A_641] {strides = array<i32>} : memref<200x128xf32, #tpu.memory_space<vmem>>, vector<1x16xf32>,
      %get3A_643 = vector.shape_cast %get3A_642 : vector<1x16xf32> to vector<16xf32>
      %swap3A_644 = arith.index_cast %add3A_612 : i32 to index
      %swap3A_645 = arith.constant 48 : index
      %swap3A_646 = tpu.vector_load %arg10[%swap3A_644, %swap3A_645] {strides = array<i32>} : memref<200x64xf32, #tpu.memory_space<vmem>>, vector<1x16xf32>,
      %swap3A_647 = vector.shape_cast %swap3A_646 : vector<1x16xf32> to vector<16xf32>
      %swap3A_648 = vector.shape_cast %get3A_643 : vector<16xf32> to vector<1x16xf32>
      tpu.vector_store %arg10[%swap3A_644, %swap3A_645], %swap3A_648 {strides = array<i32>} : memref<200x64xf32, #tpu.memory_space<vmem>>, vector<1x16xf32>,
    }
    %scan3A_560 = arith.constant 200 : i32
    %add3A_561 = arith.constant 126 : i32
    %add3A_562 = arith.addi %mul3A_2, %add3A_561 : i32
    %dma_start3A_563 = arith.constant 0 : i32
    %dma_start3A_564 = arith.constant 0 : i32
    %dma_start3A_565 = tpu.memref_slice %arg4[%add3A_562, %dma_start3A_563, %dma_start3A_564] : memref<4096x200x64xf32, #tpu.memory_space<hbm>> -> memref<1x200x64xf32, #tpu.memory_space<hbm>>
    %dma_start3A_566 = tpu.memref_squeeze %dma_start3A_565 : memref<1x200x64xf32, #tpu.memory_space<hbm>> -> memref<200x64xf32, #tpu.memory_space<hbm>>
    %dma_start3A_567 = arith.constant 0 : i32
    %dma_start3A_568 = arith.constant 0 : i32
    %dma_start3A_569 = tpu.memref_slice %arg4[%add3A_562, %dma_start3A_567, %dma_start3A_568] : memref<4096x200x64xf32, #tpu.memory_space<hbm>> -> memref<1x200x64xf32, #tpu.memory_space<hbm>>
    %dma_start3A_570 = tpu.memref_squeeze %dma_start3A_569 : memref<1x200x64xf32, #tpu.memory_space<hbm>> -> memref<200x64xf32, #tpu.memory_space<hbm>>
    tpu.enqueue_dma source(%arg10 : memref<200x64xf32, #tpu.memory_space<vmem>>) target(%dma_start3A_570 : memref<200x64xf32, #tpu.memory_space<hbm>>) target_semaphore(%arg14 : memref<!tpu.dma_semaphore, #tpu.memory_space<semaphore_mem>>)
    %dma_wait3A_571 = arith.constant 0 : i32
    %dma_wait3A_572 = arith.constant 0 : i32
    %dma_wait3A_573 = tpu.memref_slice %arg3[%dma_wait3A_571, %dma_wait3A_572] : memref<1000000x128xf32, #tpu.memory_space<hbm>> -> memref<200x128xf32, #tpu.memory_space<hbm>>
    %dma_wait3A_574 = arith.constant 0 : i32
    %dma_wait3A_575 = arith.constant 0 : i32
    %dma_wait3A_576 = tpu.memref_slice %arg3[%dma_wait3A_574, %dma_wait3A_575] : memref<1000000x128xf32, #tpu.memory_space<hbm>> -> memref<200x128xf32, #tpu.memory_space<hbm>>
    tpu.wait_dma2 semaphore(%arg13 : memref<!tpu.dma_semaphore, #tpu.memory_space<semaphore_mem>>) src(%dma_wait3A_576 : memref<200x128xf32, #tpu.memory_space<hbm>>) dst(%arg9 : memref<200x128xf32, #tpu.memory_space<vmem>>)
    %dma_wait3A_577 = arith.constant 0 : i32
    %dma_wait3A_578 = arith.constant 0 : i32
    %dma_wait3A_579 = tpu.memref_slice %arg4[%mul3A_2, %dma_wait3A_577, %dma_wait3A_578] : memref<4096x200x64xf32, #tpu.memory_space<hbm>> -> memref<1x200x64xf32, #tpu.memory_space<hbm>>
    %dma_wait3A_580 = tpu.memref_squeeze %dma_wait3A_579 : memref<1x200x64xf32, #tpu.memory_space<hbm>> -> memref<200x64xf32, #tpu.memory_space<hbm>>
    %dma_wait3A_581 = arith.constant 0 : i32
    %dma_wait3A_582 = arith.constant 0 : i32
    %dma_wait3A_583 = tpu.memref_slice %arg4[%mul3A_2, %dma_wait3A_581, %dma_wait3A_582] : memref<4096x200x64xf32, #tpu.memory_space<hbm>> -> memref<1x200x64xf32, #tpu.memory_space<hbm>>
    %dma_wait3A_584 = tpu.memref_squeeze %dma_wait3A_583 : memref<1x200x64xf32, #tpu.memory_space<hbm>> -> memref<200x64xf32, #tpu.memory_space<hbm>>
    tpu.wait_dma2 semaphore(%arg14 : memref<!tpu.dma_semaphore, #tpu.memory_space<semaphore_mem>>) src(%arg10 : memref<200x64xf32, #tpu.memory_space<vmem>>) dst(%dma_wait3A_584 : memref<200x64xf32, #tpu.memory_space<hbm>>)
    %scan3A_585 = arith.constant 0 : i32
    %scan3A_586 = arith.constant 200 : i32
    %scan3A_587 = arith.addi %scan3A_585, %scan3A_586 : i32
    %scan3A_588 = arith.constant 1 : i32
    scf.for %scan3A_608 = %scan3A_585 to %scan3A_587 step %scan3A_588  : i32 {
      %mul3A_609 = arith.constant 1 : i32
      %mul3A_610 = arith.muli %scan3A_608, %mul3A_609 : i32
      %add3A_611 = arith.constant 0 : i32
      %add3A_612 = arith.addi %add3A_611, %mul3A_610 : i32
      %get3A_613 = arith.index_cast %add3A_612 : i32 to index
      %get3A_614 = arith.constant 0 : index
      %get3A_615 = tpu.vector_load %arg9[%get3A_613, %get3A_614] {strides = array<i32>} : memref<200x128xf32, #tpu.memory_space<vmem>>, vector<1x16xf32>,
      %get3A_616 = vector.shape_cast %get3A_615 : vector<1x16xf32> to vector<16xf32>
      %swap3A_617 = arith.index_cast %add3A_612 : i32 to index
      %swap3A_618 = arith.constant 0 : index
      %swap3A_619 = tpu.vector_load %arg11[%swap3A_617, %swap3A_618] {strides = array<i32>} : memref<200x64xf32, #tpu.memory_space<vmem>>, vector<1x16xf32>,
      %swap3A_620 = vector.shape_cast %swap3A_619 : vector<1x16xf32> to vector<16xf32>
      %swap3A_621 = vector.shape_cast %get3A_616 : vector<16xf32> to vector<1x16xf32>
      tpu.vector_store %arg11[%swap3A_617, %swap3A_618], %swap3A_621 {strides = array<i32>} : memref<200x64xf32, #tpu.memory_space<vmem>>, vector<1x16xf32>,
      %get3A_622 = arith.index_cast %add3A_612 : i32 to index
      %get3A_623 = arith.constant 16 : index
      %get3A_624 = tpu.vector_load %arg9[%get3A_622, %get3A_623] {strides = array<i32>} : memref<200x128xf32, #tpu.memory_space<vmem>>, vector<1x16xf32>,
      %get3A_625 = vector.shape_cast %get3A_624 : vector<1x16xf32> to vector<16xf32>
      %swap3A_626 = arith.index_cast %add3A_612 : i32 to index
      %swap3A_627 = arith.constant 16 : index
      %swap3A_628 = tpu.vector_load %arg11[%swap3A_626, %swap3A_627] {strides = array<i32>} : memref<200x64xf32, #tpu.memory_space<vmem>>, vector<1x16xf32>,
      %swap3A_629 = vector.shape_cast %swap3A_628 : vector<1x16xf32> to vector<16xf32>
      %swap3A_630 = vector.shape_cast %get3A_625 : vector<16xf32> to vector<1x16xf32>
      tpu.vector_store %arg11[%swap3A_626, %swap3A_627], %swap3A_630 {strides = array<i32>} : memref<200x64xf32, #tpu.memory_space<vmem>>, vector<1x16xf32>,
      %get3A_631 = arith.index_cast %add3A_612 : i32 to index
      %get3A_632 = arith.constant 32 : index
      %get3A_633 = tpu.vector_load %arg9[%get3A_631, %get3A_632] {strides = array<i32>} : memref<200x128xf32, #tpu.memory_space<vmem>>, vector<1x16xf32>,
      %get3A_634 = vector.shape_cast %get3A_633 : vector<1x16xf32> to vector<16xf32>
      %swap3A_635 = arith.index_cast %add3A_612 : i32 to index
      %swap3A_636 = arith.constant 32 : index
      %swap3A_637 = tpu.vector_load %arg11[%swap3A_635, %swap3A_636] {strides = array<i32>} : memref<200x64xf32, #tpu.memory_space<vmem>>, vector<1x16xf32>,
      %swap3A_638 = vector.shape_cast %swap3A_637 : vector<1x16xf32> to vector<16xf32>
      %swap3A_639 = vector.shape_cast %get3A_634 : vector<16xf32> to vector<1x16xf32>
      tpu.vector_store %arg11[%swap3A_635, %swap3A_636], %swap3A_639 {strides = array<i32>} : memref<200x64xf32, #tpu.memory_space<vmem>>, vector<1x16xf32>,
      %get3A_640 = arith.index_cast %add3A_612 : i32 to index
      %get3A_641 = arith.constant 48 : index
      %get3A_642 = tpu.vector_load %arg9[%get3A_640, %get3A_641] {strides = array<i32>} : memref<200x128xf32, #tpu.memory_space<vmem>>, vector<1x16xf32>,
      %get3A_643 = vector.shape_cast %get3A_642 : vector<1x16xf32> to vector<16xf32>
      %swap3A_644 = arith.index_cast %add3A_612 : i32 to index
      %swap3A_645 = arith.constant 48 : index
      %swap3A_646 = tpu.vector_load %arg11[%swap3A_644, %swap3A_645] {strides = array<i32>} : memref<200x64xf32, #tpu.memory_space<vmem>>, vector<1x16xf32>,
      %swap3A_647 = vector.shape_cast %swap3A_646 : vector<1x16xf32> to vector<16xf32>
      %swap3A_648 = vector.shape_cast %get3A_643 : vector<16xf32> to vector<1x16xf32>
      tpu.vector_store %arg11[%swap3A_644, %swap3A_645], %swap3A_648 {strides = array<i32>} : memref<200x64xf32, #tpu.memory_space<vmem>>, vector<1x16xf32>,
    }
    %scan3A_589 = arith.constant 200 : i32
    %add3A_590 = arith.constant 127 : i32
    %add3A_591 = arith.addi %mul3A_2, %add3A_590 : i32
    %dma_start3A_592 = arith.constant 0 : i32
    %dma_start3A_593 = arith.constant 0 : i32
    %dma_start3A_594 = tpu.memref_slice %arg4[%add3A_591, %dma_start3A_592, %dma_start3A_593] : memref<4096x200x64xf32, #tpu.memory_space<hbm>> -> memref<1x200x64xf32, #tpu.memory_space<hbm>>
    %dma_start3A_595 = tpu.memref_squeeze %dma_start3A_594 : memref<1x200x64xf32, #tpu.memory_space<hbm>> -> memref<200x64xf32, #tpu.memory_space<hbm>>
    %dma_start3A_596 = arith.constant 0 : i32
    %dma_start3A_597 = arith.constant 0 : i32
    %dma_start3A_598 = tpu.memref_slice %arg4[%add3A_591, %dma_start3A_596, %dma_start3A_597] : memref<4096x200x64xf32, #tpu.memory_space<hbm>> -> memref<1x200x64xf32, #tpu.memory_space<hbm>>
    %dma_start3A_599 = tpu.memref_squeeze %dma_start3A_598 : memref<1x200x64xf32, #tpu.memory_space<hbm>> -> memref<200x64xf32, #tpu.memory_space<hbm>>
    tpu.enqueue_dma source(%arg11 : memref<200x64xf32, #tpu.memory_space<vmem>>) target(%dma_start3A_599 : memref<200x64xf32, #tpu.memory_space<hbm>>) target_semaphore(%arg15 : memref<!tpu.dma_semaphore, #tpu.memory_space<semaphore_mem>>)
    %dma_wait3A_600 = arith.constant 0 : i32
    %dma_wait3A_601 = arith.constant 0 : i32
    %dma_wait3A_602 = tpu.memref_slice %arg4[%mul3A_2, %dma_wait3A_600, %dma_wait3A_601] : memref<4096x200x64xf32, #tpu.memory_space<hbm>> -> memref<1x200x64xf32, #tpu.memory_space<hbm>>
    %dma_wait3A_603 = tpu.memref_squeeze %dma_wait3A_602 : memref<1x200x64xf32, #tpu.memory_space<hbm>> -> memref<200x64xf32, #tpu.memory_space<hbm>>
    %dma_wait3A_604 = arith.constant 0 : i32
    %dma_wait3A_605 = arith.constant 0 : i32
    %dma_wait3A_606 = tpu.memref_slice %arg4[%mul3A_2, %dma_wait3A_604, %dma_wait3A_605] : memref<4096x200x64xf32, #tpu.memory_space<hbm>> -> memref<1x200x64xf32, #tpu.memory_space<hbm>>
    %dma_wait3A_607 = tpu.memref_squeeze %dma_wait3A_606 : memref<1x200x64xf32, #tpu.memory_space<hbm>> -> memref<200x64xf32, #tpu.memory_space<hbm>>
    tpu.wait_dma2 semaphore(%arg15 : memref<!tpu.dma_semaphore, #tpu.memory_space<semaphore_mem>>) src(%arg11 : memref<200x64xf32, #tpu.memory_space<vmem>>) dst(%dma_wait3A_607 : memref<200x64xf32, #tpu.memory_space<hbm>>)
    return
  }
}

</mosaic_0001>

<sc_bundles>
// kernel: _embedding_sc.3.cloned.1.call-start
scs
__scs_entry_jumppad:
0x0: {  	(pc) =	sbr.rel $0x88, $3  }
0x1: {  	(tag) =	ssettag $0x0;
	lr =	simm.s32 $0x1  }
0x2: {  	[smem:$0x3F9F] =	sst lr;
	_ =	strace $0xD0000000  }
0x3: {  	_ = 	snop  }
0x4: {  	_ = 	snop  }
0x5: {  	_ = 	snop  }
0x6: {  	_ = 	snop  }
0x7: {  	_ = 	snop  }
__scs_overlays_trampoline_lowered:
0x8: {  	[smem:$0x3FAE] =	sst s0  }
0x9: {  	[smem:$0x3FAF] =	sst s1  }
0xa: {  	[smem:$0x3FB0] =	sst s2  }
0xb: {  	[smem:$0x3FB1] =	sst s3  }
0xc: {  	[smem:$0x3FB2] =	sst s4  }
0xd: {  	[smem:$0x3FB3] =	sst s5  }
0xe: {  	[smem:$0x3FB4] =	sst s6  }
0xf: {  	[smem:$0x3FB5] =	sst s7  }
0x10: {  	[smem:$0x3FB6] =	sst s8  }
0x11: {  	[smem:$0x3FB7] =	sst s9;
	s0 =	simm.s32 @!p0 $0x0  }
0x12: {  	s1 =	sld [smem:$0x3F9D];
	s0 =	simm.s32 @p0 $0x1  }
0x13: {  	[smem:$0x3FB8] =	sst s0;
	s0 =	simm.s32 @!p1 $0x0  }
0x14: {  	s2 =	sld [smem:$0x3F9C];
	s0 =	simm.s32 @p1 $0x1  }
0x15: {  	[smem:$0x3FB9] =	sst s0;
	s0 =	simm.s32 @!p2 $0x0  }
0x16: {  	s3 =	sld [smem:$0x3FDB];
	s0 =	simm.s32 @p2 $0x1  }
0x17: {  	s4 =	simm.s32 $0x1BF5;
	[smem:$0x3FBB] =	sst s0  }
0x18: {  	s0 =	sld [smem:$0x3F9E];
	_ =	swait.ge [sflag:s4], $0x0  }
0x19: {  	s7 =	sld [smem:$0x3F9F]  }
0x1a: {  	s8 =	sadd.s32 $0xFFFFE003, lr  }
0x1b: {  	s9 =	sadd.s32 $0xFFFFFEF7, lr;
	s5 =	simm.s32 $0xFFFFFFFF;
	p2 =	slt.u32 s8, $0xFFFFF086  }
0x1c: {  	p1 =	slt.u32 s9, $0xF7A;
	s5 =	simm.s32 @!p2 $0x0  }
0x1d: {  	s5 =	simm.s32 @p1 $0x1;
	p0 =	seq.s32 s7, s2  }
0x1e: {  	s7 =	smul.u32 @!p0 $0xF7A, s2;
	p2 =	seq.s32 @!p0 s5, $0x0  }
0x1f: {  	s9 =	smul.u32 $0xF7A, s1;
	s8 =	simm.s32 @!p0 $0x1BF5;
	p2 =	por !p2, p0  }
0x20: {  	[sflag:s8] =	ssyncset.s32 @!p0 $0xFFFFF086;
	s6 =	sadd.s32 @!p0 s3, s7;
	s7 =	simm.s32 @!p0 $0x108  }
0x21: {  	s3 =	sadd.s32 s3, s9;
	s6 =	sadd.s32 @!p0 $0x88, s6;
	s7 =	simm.s32 @p2 $0x1082  }
0x22: {  	[simem:s7], [sflag:s8] =	dma.local @!p0 [hbm:s6], $0xF7A  }
0x23: {  	s9 =	sor.u32 $0xD0000000, s2;
	s6 =	simm.s32 $0x108;
	_ =	swait.ge @!p0 [sflag:s8], $0x0  }
0x24: {  	s3 =	sadd.s32 $0x88, s3;
	s6 =	simm.s32 @!p1 $0x1082;
	[sflag:s4] =	ssyncset.s32 $0xFFFFF086  }
0x25: {  	[simem:s6], [sflag:s4] =	dma.local [hbm:s3], $0xF7A  }
0x26: {  	[smem:$0x3F9F] =	sst s1;
	(tag) =	ssettag s2;
	_ =	strace s9  }
0x27: {  	s1 =	sld [smem:$0x3FAF]  }
0x28: {  	s2 =	sld [smem:$0x3FB0]  }
0x29: {  	s4 =	sld [smem:$0x3FB2]  }
0x2a: {  	p0 =	seq.s32 s5, $0x0;
	s5 =	sld [smem:$0x3FB3]  }
0x2b: {  	s6 =	sld [smem:$0x3FB4]  }
0x2c: {  	s7 =	sld [smem:$0x3FB5]  }
0x2d: {  	s3 =	simm.s32 $0x108;
	s8 =	sld [smem:$0x3FB6]  }
0x2e: {  	s3 =	simm.s32 @!p0 $0x1082;
	s9 =	sld [smem:$0x3FB7]  }
0x2f: {  	lr =	sadd.s32 s0, s3;
	s0 =	sld [smem:$0x3FAE]  }
0x30: {  	s3 =	sld [smem:$0x3FB1]  }
0x31: {  	[smem:$0x3FBA] =	sst s10  }
0x32: {  	s10 =	sld [smem:$0x3FB8];
	_ =	sdelay $0x3  }
0x33: {  	p0 =	seq.s32 s10, $0x1;
	s10 =	sld [smem:$0x3FBA];
	_ =	sdelay $0x3  }
0x34: {  	[smem:$0x3FBA] =	sst s10  }
0x35: {  	s10 =	sld [smem:$0x3FB9];
	_ =	sdelay $0x3  }
0x36: {  	p1 =	seq.s32 s10, $0x1;
	s10 =	sld [smem:$0x3FBA];
	_ =	sdelay $0x3  }
0x37: {  	[smem:$0x3FBA] =	sst s10  }
0x38: {  	s10 =	sld [smem:$0x3FBB]  }
0x39: {  	_ = 	snop;
	(pc) =	sbr.ind lr, $3  }
0x3a: {  	_ = 	snop  }
0x3b: {  	_ = 	snop  }
0x3c: {  	p2 =	seq.s32 s10, $0x1;
	s10 =	sld [smem:$0x3FBA]  }
0x3d: {  	_ =	shalt  }
0x3e: {  	_ =	shalt  }
0x3f: {  	_ =	shalt  }
0x40: {  	_ =	shalt  }
0x41: {  	_ =	shalt  }
0x42: {  	_ =	shalt  }
0x43: {  	_ =	shalt  }
0x44: {  	_ =	shalt  }
0x45: {  	_ =	shalt  }
0x46: {  	_ =	shalt  }
0x47: {  	_ =	shalt  }
0x48: {  	_ =	shalt  }
0x49: {  	_ =	shalt  }
0x4a: {  	_ =	shalt  }
0x4b: {  	_ =	shalt  }
0x4c: {  	_ =	shalt  }
0x4d: {  	_ =	shalt  }
0x4e: {  	_ =	shalt  }
0x4f: {  	_ =	shalt  }
0x50: {  	_ =	shalt  }
0x51: {  	_ =	shalt  }
0x52: {  	_ =	shalt  }
0x53: {  	_ =	shalt  }
0x54: {  	_ =	shalt  }
0x55: {  	_ =	shalt  }
0x56: {  	_ =	shalt  }
0x57: {  	_ =	shalt  }
0x58: {  	_ =	shalt  }
0x59: {  	_ =	shalt  }
0x5a: {  	_ =	shalt  }
0x5b: {  	_ =	shalt  }
0x5c: {  	_ =	shalt  }
0x5d: {  	_ =	shalt  }
0x5e: {  	_ =	shalt  }
0x5f: {  	_ =	shalt  }
0x60: {  	_ =	shalt  }
0x61: {  	_ =	shalt  }
0x62: {  	_ =	shalt  }
0x63: {  	_ =	shalt  }
0x64: {  	_ =	shalt  }
0x65: {  	_ =	shalt  }
0x66: {  	_ =	shalt  }
0x67: {  	_ =	shalt  }
0x68: {  	_ =	shalt  }
0x69: {  	_ =	shalt  }
0x6a: {  	_ =	shalt  }
0x6b: {  	_ =	shalt  }
0x6c: {  	_ =	shalt  }
0x6d: {  	_ =	shalt  }
0x6e: {  	_ =	shalt  }
0x6f: {  	_ =	shalt  }
0x70: {  	_ =	shalt  }
0x71: {  	_ =	shalt  }
0x72: {  	_ =	shalt  }
0x73: {  	_ =	shalt  }
0x74: {  	_ =	shalt  }
0x75: {  	_ =	shalt  }
0x76: {  	_ =	shalt  }
0x77: {  	_ =	shalt  }
0x78: {  	_ =	shalt  }
0x79: {  	_ =	shalt  }
0x7a: {  	_ =	shalt  }
0x7b: {  	_ =	shalt  }
0x7c: {  	_ =	shalt  }
0x7d: {  	_ =	shalt  }
0x7e: {  	_ =	shalt  }
0x7f: {  	_ =	shalt  }
0x80: {  	_ =	shalt  }
0x81: {  	_ =	shalt  }
0x82: {  	_ =	shalt  }
0x83: {  	_ =	shalt  }
0x84: {  	_ =	shalt  }
0x85: {  	_ =	shalt  }
0x86: {  	_ =	shalt  }
0x87: {  	_ =	shalt  }
.Lfunc_end0:
.L_simem_size_0:
called_computation_lowered:
.L_overlay_start_0:
0x88: {  	s2 =	sld [smem:$0x3FD9]  }
0x89: {  	s3 =	sld [smem:$0x3FFE];
	_ =	sdelay $0x1  }
0x8a: {  	s1 =	srdreg.scid  }
0x8b: {  	s0 =	sand.u32 $0x1, s1  }
0x8c: {  	s17 =	sshll.u32 s0, $0xA;
	s2 =	sadd.s32 s3, s2  }
0x8d: {  	s2 =	sadd.s32 s2, s17  }
0x8e: {  	[smem:$0x3FC6] =	sst s2  }
0x8f: {  	_ = 	snop  }
0x90: {  	s2 =	sld [smem:$0x3FD0];
	(tm) =	ssettm $0x1  }
0x91: {  	s18 =	sld [smem:$0x3FFB];
	_ =	sdelay $0x3  }
0x92: {  	_ =	strace s18  }
0x93: {  	s3 =	sld [smem:$0x3FFC];
	_ =	sdelay $0x3  }
0x94: {  	_ =	strace s3  }
0x95: {  	s3 =	sld [smem:$0x3FFD];
	_ =	sdelay $0x3  }
0x96: {  	_ =	strace s3  }
0x97: {  	_ =	strace $0x8FFFFFFF  }
0x98: {  	s19 =	sld [smem:$0x3FDB];
	_ =	sdelay $0x1  }
0x99: {  	s4 =	simm.s32 $_scs_section_size  }
0x9a: {  	s5 =	simm.s32 $_size__tile_overlayer_lowered;
	s6 =	simm.s32 $_tile_overlayer_lowered  }
0x9b: {  	s22 =	simm.s32 $0x1BFF;
	s21 =	sshll.u32 s6, $0x1;
	s3 =	sadd.s32 s4, s19  }
0x9c: {  	s7 =	simm.s32 $0x0;
	s20 =	sshll.u32 s5, $0x1;
	s5 =	sadd.s32 s21, s3  }
0x9d: {  	[timem:s7], [sflag:s22] =	dma.local [hbm:s5], s20  }
0x9e: {  	_ =	swait.ge [sflag:s22], s20  }
0x9f: {  	s4 =	ssub.s32 $0x0, s20;
	[sflag:s22] =	ssyncset.done $0x0  }
0xa0: {  	[sflag:s22] =	ssyncadd.s32 s4;
	_ =	sdelay $0x1  }
0xa1: {  	s23 =	simm.s32 $0x1B8B  }
0xa2: {  	_ =	swait.ge [sflag:s23], $0x1  }
0xa3: {  	[sflag:s23] =	ssyncset.done $0x0  }
0xa4: {  	s25 =	simm.s32 $0x1B8E;
	s24 =	sld [smem:$0x3FFE];
	[sflag:s23] =	ssyncadd.s32 $0xFFFFFFFF  }
0xa5: {  	s26 =	simm.s32 $execute0_lowered;
	[smem:$0x3FD2] =	sst s25  }
0xa6: {  	s5 =	sshll.u32 s26, $0x1;
	_ =	strace $0x80000046;
	[dreg:$0x1] =	wrdreg $0xFFFFFFFF  }
0xa7: {  	s28 =	simm.s32 $_size_execute0_lowered;
	s3 =	sadd.s32 s3, s5;
	[dreg:$0x0] =	wrdreg $0x0  }
0xa8: {  	s5 =	sshll.u32 s28, $0x1;
	[dreg:$0x2] =	wrdreg s3  }
0xa9: {  	[dreg:$0x3] =	wrdreg s5  }
0xaa: {  	[dreg:$0x4] =	wrdreg $0xC0  }
0xab: {  	_ =	task [dreg:s7], $0x5FFFF  }
0xac: {  	[dreg:$0x1] =	wrdreg $0xFFFFFFFF  }
0xad: {  	[dreg:$0x0] =	wrdreg $0x60  }
0xae: {  	[dreg:$0x2] =	wrdreg s2  }
0xaf: {  	[dreg:$0x3] =	wrdreg s24  }
0xb0: {  	[dreg:$0x4] =	wrdreg $0x9  }
0xb1: {  	_ =	task.clear_ibuf [dreg:s7], $0x5FFFF;
	_ =	strace $0x90000046  }
0xb2: {  	s29 =	simm.s32 $0x9;
	_ =	strace $0x80000048  }
0xb3: {  	_ =	swait.ge [sflag:s29], $0x1  }
0xb4: {  	[sflag:s29] =	ssyncadd.s32 $0xFFFFFFFF  }
0xb5: {  	_ =	strace $0x90000048  }
0xb6: {  	_ =	sfence  }
0xb7: {  	s30 =	sld [smem:$0x0];
	_ =	sdelay $0x2  }
0xb8: {  	s31 =	sshll.u32 s1, $0xD;
	s1 =	sshrl.u32 s1, $0x2  }
0xb9: {  	s3 =	sand.u32 $0x4000, s31;
	s1 =	sadd.s32 s1, s30  }
0xba: {  	s0 =	sor.u32 s3, s0;
	s1 =	sshll.u32 s1, $0x11  }
0xbb: {  	s0 =	sor.u32 s1, s0  }
0xbc: {  	s0 =	sadd.s32 $0x8F2B, s0  }
0xbd: {  	[sflag:s0] =	ssyncadd.remote.s32 $0x1  }
0xbe: {  	_ =	sfence.sel $0xFFFF  }
0xbf: {  	[dreg:$0x0] =	wrdreg $0xFFFFFFFF;
	(pc) =	sbr.abs _section_cstart, $3  }
0xc0: {  	[dreg:$0x1] =	wrdreg $0xFFFFFFFF  }
0xc1: {  	_ =	task.clear_ibuf [dreg:s7], $0x2FFFF;
	_ =	strace $0x9FFFFFFF  }
0xc2: {  	(tm) =	ssettm $0x7FFFFFFF  }
0xc3: {  	_ =	shalt  }
tec
execute0_lowered:
.L_overlay_start_1:
0x0: {  	(tag) =	ssettag $0x1  }
0x1: {  	s6 =	rddreg [dreg:$0x0]  }
0x2: {  	s5 =	rddreg [dreg:$0x1]  }
0x3: {  	s3 =	srdreg.scid;
	s2 =	simm.s32 $0x0;
	s1 =	stileid.u32  }
0x4: {  	s13 =	simm.s32 $0x5;
	s14 =	simm.s32 $0xC8;
	s15 =	simm.s32 $0x4000  }
0x5: {  	s16 =	simm.s32 $0x4200;
	s17 =	simm.s32 $0x1;
	s18 =	simm.s32 $0x4100  }
0x6: {  	s19 =	simm.s32 $0xA600;
	s20 =	simm.s32 $0x10A00;
	s21 =	simm.s32 $0x2  }
0x7: {  	s22 =	simm.s32 $0x3;
	s23 =	simm.s32 $0x16E00;
	s24 =	simm.s32 $0x4  }
0x8: {  	s25 =	simm.s32 $0x0;
	s7 =	sand.u32 $0x1, s3;
	[smem:$0x7FF] =	sst s2  }
0x9: {  	v0 =	vimm.s32 $0xFEDCBA98;
	s30 =	sshll.u32 s1, $0x8;
	s4 =	sshll.u32 s7, $0x7;
	_ =	strace $0x80000047  }
0xa: {  	v1 =	vimm.s32 $0x76543210;
	v0 =	vunpack.c.l.s4.s8 v0;
	s7 =	ssub.s32 $0x2, s7;
	s3 =	sor.u32 s4, s30;
	s4 =	sadd.s32 $0xF42A00, s5  }
0xb: {  	v1 =	vunpack.c.l.s4.s8 v1;
	s5 =	sadd.s32 $0x600, s5;
	s9 =	sshrl.u32 s7, $0x1;
	s8 =	smul.u32 $0x6400, s3  }
0xc: {  	v0 =	vunpack.c.0.s8.s32 v0;
	s10 =	smul.u32 $0xC80, s3;
	s12 =	ssub.s32 s7, s9;
	s31 =	sshll.u32 s3, $0x5  }
0xd: {  	v1 =	vunpack.c.0.s8.s32 v1;
	s6 =	sadd.s32 s6, s31;
	s12 =	smax.u32 s12, $0x1;
	s8 =	sshrl.u32 s8, $0x3  }
0xe: {  	v0 =	vand.u32 $0xF, v0;
	s7 =	sadd.s32 s5, s10;
	s11 =	sadd.s32 s5, s8;
	s8 =	sadd.s32 $0x800, s6  }
0xf: {  	vm0 =	vmmov $0xff;
	v0 =	vcombine.low v0, v1;
	s9 =	sadd.s32 $0x31380, s11;
	s10 =	sadd.s32 $0x62700, s11;
	s11 =	sadd.s32 $0x63380, s11  }
.LBB2_1:
0x10: {  	[tilespmem:s2], [sflag:$0x5] =	stream.linear.gather [hbm4b:s6+s2], $0x4000, $0x38;
	[tilespmem:$0x1D200] =	vst v63  }
0x11: {  	_ =	swait.ge [sflag:s13], $0x4000  }
0x12: {  	[sflag:s13] =	ssyncset.done $0x0  }
0x13: {  	[sflag:s13] =	ssyncadd.s32 $0xFFFFC000  }
0x14: {  	v1 =	vld [tilespmem:$0x0]  }
0x15: {  	v2 =	vld [tilespmem:$0x10]  }
0x16: {  	v3 =	vld [tilespmem:$0x20]  }
0x17: {  	v4 =	vld [tilespmem:$0x30]  }
0x18: {  	v5 =	vld [tilespmem:$0x40]  }
0x19: {  	v6 =	vld [tilespmem:$0x50]  }
0x1a: {  	v7 =	vld [tilespmem:$0x60]  }
0x1b: {  	[tilespmem:$0x4000] =	vst v1;
	v1 =	vld [tilespmem:$0x70]  }
0x1c: {  	[tilespmem:$0x4010] =	vst v2;
	v2 =	vld [tilespmem:$0x400]  }
0x1d: {  	[tilespmem:$0x4020] =	vst v3;
	v3 =	vld [tilespmem:$0x410]  }
0x1e: {  	[tilespmem:$0x4030] =	vst v4;
	v4 =	vld [tilespmem:$0x430]  }
0x1f: {  	[tilespmem:$0x4040] =	vst v5;
	v5 =	vld.msk [tilespmem:$0x440], $0xff  }
0x20: {  	[tilespmem:$0x4050] =	vst v6;
	v6 =	vld [tilespmem:$0x420]  }
0x21: {  	[tilespmem:$0x4060] =	vst v7  }
0x22: {  	[tilespmem:$0x4070] =	vst v1  }
0x23: {  	[tilespmem:$0x4080] =	vst v2  }
0x24: {  	[tilespmem:$0x4090] =	vst v3;
	v1 =	vperm.xlane v4, v0;
	v2 =	vperm.xlane v5, v0  }
0x25: {  	[tilespmem:$0x40A0] =	vst v6  }
0x26: {  	[tilespmem:$0x40B0] =	vst v4;
	v1 =	vsel vm0, v1, v2  }
0x27: {  	[tilespmem:$0x40B8] =	vst v1  }
0x28: {  	[tilespmem:s16], [sflag:$0x1] =	stream.indirect.gather [hbm4b:s4+s14], $0x80, s15, s14, $0xb8;
	[tilespmem:$0x1D200] =	vst v63  }
0x29: {  	_ =	swait.ge [sflag:s17], $0x6400  }
0x2a: {  	[sflag:s17] =	ssyncset.done $0x0  }
0x2b: {  	[sflag:s17] =	ssyncadd.s32 $0xFFFF9C00  }
0x2c: {  	v1 =	vld [tilespmem:$0x80]  }
0x2d: {  	v2 =	vld [tilespmem:$0x90]  }
0x2e: {  	v3 =	vld [tilespmem:$0xA0]  }
0x2f: {  	v4 =	vld [tilespmem:$0xB0]  }
0x30: {  	v5 =	vld [tilespmem:$0xC0]  }
0x31: {  	v6 =	vld [tilespmem:$0xD0]  }
0x32: {  	v7 =	vld [tilespmem:$0xE0]  }
0x33: {  	[tilespmem:$0x4100] =	vst v1;
	v1 =	vld [tilespmem:$0xF0]  }
0x34: {  	[tilespmem:$0x4110] =	vst v2;
	v2 =	vld [tilespmem:$0x480]  }
0x35: {  	[tilespmem:$0x4120] =	vst v3;
	v3 =	vld [tilespmem:$0x490]  }
0x36: {  	[tilespmem:$0x4130] =	vst v4;
	v4 =	vld [tilespmem:$0x4B0]  }
0x37: {  	[tilespmem:$0x4140] =	vst v5;
	v5 =	vld.msk [tilespmem:$0x4C0], $0xff  }
0x38: {  	[tilespmem:$0x4150] =	vst v6;
	v6 =	vld [tilespmem:$0x4A0]  }
0x39: {  	[tilespmem:$0x4160] =	vst v7  }
0x3a: {  	[tilespmem:$0x4170] =	vst v1  }
0x3b: {  	[tilespmem:$0x4180] =	vst v2  }
0x3c: {  	[tilespmem:$0x4190] =	vst v3;
	v1 =	vperm.xlane v4, v0;
	v2 =	vperm.xlane v5, v0  }
0x3d: {  	[tilespmem:$0x41A0] =	vst v6  }
0x3e: {  	[tilespmem:$0x41B0] =	vst v4;
	v1 =	vsel vm0, v1, v2  }
0x3f: {  	s26 =	simm.s32 $0x0;
	[tilespmem:$0x41B8] =	vst v1  }
0x40: {  	[tilespmem:s19], [sflag:$0x2] =	stream.indirect.gather [hbm4b:s4+s14], $0x80, s18, s14, $0xb8;
	[tilespmem:$0x1D200] =	vst v63  }
0x41: {  	v1 =	vld [tilespmem:s26+$0x4230]  }
0x42: {  	v2 =	vld [tilespmem:s26+$0x4200]  }
0x43: {  	v3 =	vld [tilespmem:s26+$0x4210]  }
0x44: {  	s28 =	simm.s32 $0x200;
	v4 =	vld [tilespmem:s26+$0x4220]  }
.LBB2_2:
0x45: {  	p0 =	sne.s32 s28, $0x18E00  }
.Ltmp0:
0x46: {  	s29 =	sshra.s32 s28, $0x2;
	s28 =	sadd.s32 $0x200, s28;
	[tilespmem:s26+$0x10A30] =	vst v1;
	(pc) =	sbr.rel @p0 .LBB2_2-.Ltmp0, $4  }
0x47: {  	v1 =	vld [tilespmem:s29+$0x4230];
	[tilespmem:s26+$0x10A00] =	vst v2  }
0x48: {  	v2 =	vld [tilespmem:s29+$0x4200];
	[tilespmem:s26+$0x10A10] =	vst v3  }
0x49: {  	v3 =	vld [tilespmem:s29+$0x4210];
	[tilespmem:s26+$0x10A20] =	vst v4;
	s26 =	smov.u32 s29  }
0x4a: {  	v4 =	vld [tilespmem:s26+$0x4220]  }
0x4b: {  	_ = 	snop  }
0x4c: {  	[tilespmem:s26+$0x10A30] =	vst v1  }
0x4d: {  	[tilespmem:s26+$0x10A00] =	vst v2  }
0x4e: {  	[tilespmem:s26+$0x10A10] =	vst v3  }
0x4f: {  	[tilespmem:s26+$0x10A20] =	vst v4;
	s26 =	simm.s32 $0x0  }
0x50: {  	[hbm4b:s7+s26] =	stream.linear.scatter [tilespmem:s20], [sflag:$0x3], $0x6400, $0x38;
	[tilespmem:$0x1D200] =	vst v63  }
.LBB2_4:
0x51: {  	_ =	swait.ge [sflag:s21], $0x6400  }
0x52: {  	s29 =	sshll.u32 s26, $0x1;
	[sflag:s21] =	ssyncset.done $0x0  }
0x53: {  	s28 =	sadd.s32 $0x2, s29;
	[sflag:s21] =	ssyncadd.s32 $0xFFFF9C00  }
0x54: {  	s30 =	sshll.u32 s28, $0x8;
	s31 =	sshll.u32 s28, $0x7;
	_ =	swait.ge [sflag:s22], $0x6400  }
0x55: {  	s30 =	sand.u32 $0x3800, s30;
	s31 =	sand.u32 $0x300, s31;
	[sflag:s22] =	ssyncset.done $0x0  }
0x56: {  	s30 =	sor.u32 s31, s30;
	[sflag:s22] =	ssyncadd.s32 $0xFFFF9C00  }
0x57: {  	v1 =	vld [tilespmem:s30+$0x0];
	_ =	sdelay $0x4  }
0x58: {  	[tilespmem:$0x4000] =	vst v1  }
0x59: {  	v1 =	vld [tilespmem:s30+$0x10];
	_ =	sdelay $0x4  }
0x5a: {  	[tilespmem:$0x4010] =	vst v1  }
0x5b: {  	v1 =	vld [tilespmem:s30+$0x20];
	_ =	sdelay $0x4  }
0x5c: {  	[tilespmem:$0x4020] =	vst v1  }
0x5d: {  	v1 =	vld [tilespmem:s30+$0x30];
	_ =	sdelay $0x4  }
0x5e: {  	[tilespmem:$0x4030] =	vst v1  }
0x5f: {  	v1 =	vld [tilespmem:s30+$0x40];
	_ =	sdelay $0x4  }
0x60: {  	[tilespmem:$0x4040] =	vst v1  }
0x61: {  	v1 =	vld [tilespmem:s30+$0x50];
	_ =	sdelay $0x4  }
0x62: {  	[tilespmem:$0x4050] =	vst v1  }
0x63: {  	v1 =	vld [tilespmem:s30+$0x60];
	_ =	sdelay $0x4  }
0x64: {  	[tilespmem:$0x4060] =	vst v1  }
0x65: {  	v1 =	vld [tilespmem:s30+$0x70];
	_ =	sdelay $0x4  }
0x66: {  	[tilespmem:$0x4070] =	vst v1  }
0x67: {  	v1 =	vld [tilespmem:s30+$0x400];
	_ =	sdelay $0x4  }
0x68: {  	[tilespmem:$0x4080] =	vst v1  }
0x69: {  	v1 =	vld [tilespmem:s30+$0x410];
	_ =	sdelay $0x4  }
0x6a: {  	[tilespmem:$0x4090] =	vst v1  }
0x6b: {  	v1 =	vld [tilespmem:s30+$0x420];
	_ =	sdelay $0x4  }
0x6c: {  	[tilespmem:$0x40A0] =	vst v1  }
0x6d: {  	v1 =	vld [tilespmem:s30+$0x430];
	_ =	sdelay $0x4  }
0x6e: {  	s30 =	sor.u32 $0x440, s30;
	[tilespmem:$0x40B0] =	vst v1  }
0x6f: {  	v2 =	vld.msk [tilespmem:s30+$0x0], $0xff;
	_ =	sdelay $0x4  }
0x70: {  	v1 =	vperm.xlane v1, v0;
	v2 =	vperm.xlane v2, v0;
	_ =	sdelay $0x1  }
0x71: {  	v1 =	vsel vm0, v1, v2  }
0x72: {  	s30 =	simm.s32 $0x0;
	[tilespmem:$0x40B8] =	vst v1  }
0x73: {  	[tilespmem:s16], [sflag:$0x1] =	stream.indirect.gather [hbm4b:s4+s14], $0x80, s15, s14, $0xb8;
	[tilespmem:$0x1D200] =	vst v63  }
0x74: {  	v3 =	vld [tilespmem:s30+$0xA630]  }
0x75: {  	v1 =	vld [tilespmem:s30+$0xA600]  }
0x76: {  	v2 =	vld [tilespmem:s30+$0xA610]  }
0x77: {  	s31 =	simm.s32 $0x200;
	v4 =	vld [tilespmem:s30+$0xA620]  }
.LBB2_5:
0x78: {  	p0 =	sne.s32 s31, $0x18E00  }
.Ltmp1:
0x79: {  	s0 =	sshra.s32 s31, $0x2;
	s31 =	sadd.s32 $0x200, s31;
	[tilespmem:s30+$0x16E30] =	vst v3;
	(pc) =	sbr.rel @p0 .LBB2_5-.Ltmp1, $4  }
0x7a: {  	v3 =	vld [tilespmem:s0+$0xA630];
	[tilespmem:s30+$0x16E00] =	vst v1  }
0x7b: {  	v1 =	vld [tilespmem:s0+$0xA600];
	[tilespmem:s30+$0x16E10] =	vst v2  }
0x7c: {  	v2 =	vld [tilespmem:s0+$0xA610];
	[tilespmem:s30+$0x16E20] =	vst v4;
	s30 =	smov.u32 s0  }
0x7d: {  	v4 =	vld [tilespmem:s30+$0xA620]  }
0x7e: {  	s0 =	sadd.s32 s29, s3  }
0x7f: {  	[tilespmem:s30+$0x16E30] =	vst v3;
	s0 =	smul.u32 $0xC80, s0  }
0x80: {  	[tilespmem:s30+$0x16E00] =	vst v1  }
0x81: {  	[tilespmem:s30+$0x16E10] =	vst v2;
	s0 =	sadd.s32 s5, s0  }
0x82: {  	[tilespmem:s30+$0x16E20] =	vst v4;
	s0 =	sadd.s32 $0xC80, s0;
	s30 =	simm.s32 $0x0  }
0x83: {  	[hbm4b:s0+s30] =	stream.linear.scatter [tilespmem:s23], [sflag:$0x4], $0x6400, $0x38;
	[tilespmem:$0x1D200] =	vst v63  }
0x84: {  	_ =	swait.ge [sflag:s17], $0x6400  }
0x85: {  	[sflag:s17] =	ssyncset.done $0x0  }
0x86: {  	s31 =	sadd.s32 $0x3, s29;
	[sflag:s17] =	ssyncadd.s32 $0xFFFF9C00  }
0x87: {  	s29 =	sshll.u32 s31, $0x8;
	s0 =	sshll.u32 s31, $0x7;
	_ =	swait.ge [sflag:s24], $0x6400  }
0x88: {  	s29 =	sand.u32 $0x3800, s29;
	s0 =	sand.u32 $0x380, s0;
	[sflag:s24] =	ssyncset.done $0x0  }
0x89: {  	s0 =	sor.u32 s0, s29;
	[sflag:s24] =	ssyncadd.s32 $0xFFFF9C00  }
0x8a: {  	v1 =	vld [tilespmem:s0+$0x0];
	_ =	sdelay $0x4  }
0x8b: {  	[tilespmem:$0x4100] =	vst v1  }
0x8c: {  	v1 =	vld [tilespmem:s0+$0x10];
	_ =	sdelay $0x4  }
0x8d: {  	[tilespmem:$0x4110] =	vst v1  }
0x8e: {  	v1 =	vld [tilespmem:s0+$0x20];
	_ =	sdelay $0x4  }
0x8f: {  	[tilespmem:$0x4120] =	vst v1  }
0x90: {  	v1 =	vld [tilespmem:s0+$0x30];
	_ =	sdelay $0x4  }
0x91: {  	[tilespmem:$0x4130] =	vst v1  }
0x92: {  	v1 =	vld [tilespmem:s0+$0x40];
	_ =	sdelay $0x4  }
0x93: {  	[tilespmem:$0x4140] =	vst v1  }
0x94: {  	v1 =	vld [tilespmem:s0+$0x50];
	_ =	sdelay $0x4  }
0x95: {  	[tilespmem:$0x4150] =	vst v1  }
0x96: {  	v1 =	vld [tilespmem:s0+$0x60];
	_ =	sdelay $0x4  }
0x97: {  	[tilespmem:$0x4160] =	vst v1  }
0x98: {  	v1 =	vld [tilespmem:s0+$0x70];
	_ =	sdelay $0x4  }
0x99: {  	[tilespmem:$0x4170] =	vst v1  }
0x9a: {  	v1 =	vld [tilespmem:s0+$0x400];
	_ =	sdelay $0x4  }
0x9b: {  	[tilespmem:$0x4180] =	vst v1  }
0x9c: {  	v1 =	vld [tilespmem:s0+$0x410];
	_ =	sdelay $0x4  }
0x9d: {  	[tilespmem:$0x4190] =	vst v1  }
0x9e: {  	v1 =	vld [tilespmem:s0+$0x420];
	_ =	sdelay $0x4  }
0x9f: {  	[tilespmem:$0x41A0] =	vst v1  }
0xa0: {  	v1 =	vld [tilespmem:s0+$0x430];
	_ =	sdelay $0x4  }
0xa1: {  	s0 =	sor.u32 $0x440, s0;
	[tilespmem:$0x41B0] =	vst v1  }
0xa2: {  	v2 =	vld.msk [tilespmem:s0+$0x0], $0xff;
	_ =	sdelay $0x4  }
0xa3: {  	v1 =	vperm.xlane v1, v0;
	v2 =	vperm.xlane v2, v0;
	_ =	sdelay $0x1  }
0xa4: {  	v1 =	vsel vm0, v1, v2  }
0xa5: {  	s29 =	simm.s32 $0x0;
	[tilespmem:$0x41B8] =	vst v1  }
0xa6: {  	[tilespmem:s19], [sflag:$0x2] =	stream.indirect.gather [hbm4b:s4+s14], $0x80, s18, s14, $0xb8;
	[tilespmem:$0x1D200] =	vst v63  }
0xa7: {  	v3 =	vld [tilespmem:s29+$0x4230]  }
0xa8: {  	v2 =	vld [tilespmem:s29+$0x4200]  }
0xa9: {  	v1 =	vld [tilespmem:s29+$0x4210]  }
0xaa: {  	s30 =	simm.s32 $0x200;
	v4 =	vld [tilespmem:s29+$0x4220]  }
.LBB2_7:
0xab: {  	p0 =	sne.s32 s30, $0x18E00  }
.Ltmp2:
0xac: {  	s0 =	sshra.s32 s30, $0x2;
	s30 =	sadd.s32 $0x200, s30;
	[tilespmem:s29+$0x10A30] =	vst v3;
	(pc) =	sbr.rel @p0 .LBB2_7-.Ltmp2, $4  }
0xad: {  	v3 =	vld [tilespmem:s0+$0x4230];
	[tilespmem:s29+$0x10A00] =	vst v2  }
0xae: {  	v2 =	vld [tilespmem:s0+$0x4200];
	[tilespmem:s29+$0x10A10] =	vst v1  }
0xaf: {  	v1 =	vld [tilespmem:s0+$0x4210];
	[tilespmem:s29+$0x10A20] =	vst v4;
	s29 =	smov.u32 s0  }
0xb0: {  	v4 =	vld [tilespmem:s29+$0x4220]  }
0xb1: {  	s26 =	sadd.s32 $0x1, s26  }
0xb2: {  	p0 =	sne.s32 s26, $0x1F  }
.Ltmp3:
0xb3: {  	s0 =	sadd.s32 s3, s28;
	[tilespmem:s29+$0x10A30] =	vst v3;
	(pc) =	sbr.rel @p0 .LBB2_4-.Ltmp3, $4  }
0xb4: {  	s0 =	smul.u32 $0xC80, s0;
	[tilespmem:s29+$0x10A00] =	vst v2  }
0xb5: {  	[tilespmem:s29+$0x10A10] =	vst v1  }
0xb6: {  	s0 =	sadd.s32 s5, s0;
	[tilespmem:s29+$0x10A20] =	vst v4  }
0xb7: {  	[hbm4b:s0+s2] =	stream.linear.scatter [tilespmem:s20], [sflag:$0x3], $0x6400, $0x38;
	[tilespmem:$0x1D200] =	vst v63  }
0xb8: {  	_ =	swait.ge [sflag:s21], $0x6400  }
0xb9: {  	[sflag:s21] =	ssyncset.done $0x0  }
0xba: {  	s0 =	simm.s32 $0x0;
	[sflag:s21] =	ssyncadd.s32 $0xFFFF9C00  }
0xbb: {  	[tilespmem:s0], [sflag:$0x5] =	stream.linear.gather [hbm4b:s8+s0], $0x4000, $0x38;
	[tilespmem:$0x1D200] =	vst v63  }
0xbc: {  	_ =	swait.ge [sflag:s13], $0x4000  }
0xbd: {  	[sflag:s13] =	ssyncset.done $0x0  }
0xbe: {  	[sflag:s13] =	ssyncadd.s32 $0xFFFFC000  }
0xbf: {  	_ =	swait.ge [sflag:s22], $0x6400  }
0xc0: {  	[sflag:s22] =	ssyncset.done $0x0  }
0xc1: {  	[sflag:s22] =	ssyncadd.s32 $0xFFFF9C00  }
0xc2: {  	v1 =	vld [tilespmem:$0x0]  }
0xc3: {  	v2 =	vld [tilespmem:$0x10]  }
0xc4: {  	v3 =	vld [tilespmem:$0x20]  }
0xc5: {  	v4 =	vld [tilespmem:$0x30]  }
0xc6: {  	v5 =	vld [tilespmem:$0x40]  }
0xc7: {  	v6 =	vld [tilespmem:$0x50]  }
0xc8: {  	v7 =	vld [tilespmem:$0x60]  }
0xc9: {  	[tilespmem:$0x4000] =	vst v1;
	v1 =	vld [tilespmem:$0x70]  }
0xca: {  	[tilespmem:$0x4010] =	vst v2;
	v2 =	vld [tilespmem:$0x400]  }
0xcb: {  	[tilespmem:$0x4020] =	vst v3;
	v3 =	vld [tilespmem:$0x410]  }
0xcc: {  	[tilespmem:$0x4030] =	vst v4;
	v4 =	vld [tilespmem:$0x430]  }
0xcd: {  	[tilespmem:$0x4040] =	vst v5;
	v5 =	vld.msk [tilespmem:$0x440], $0xff  }
0xce: {  	[tilespmem:$0x4050] =	vst v6;
	v6 =	vld [tilespmem:$0x420]  }
0xcf: {  	[tilespmem:$0x4060] =	vst v7  }
0xd0: {  	[tilespmem:$0x4070] =	vst v1  }
0xd1: {  	[tilespmem:$0x4080] =	vst v2  }
0xd2: {  	[tilespmem:$0x4090] =	vst v3;
	v1 =	vperm.xlane v4, v0;
	v2 =	vperm.xlane v5, v0  }
0xd3: {  	[tilespmem:$0x40A0] =	vst v6  }
0xd4: {  	[tilespmem:$0x40B0] =	vst v4;
	v1 =	vsel vm0, v1, v2  }
0xd5: {  	s26 =	simm.s32 $0x0;
	[tilespmem:$0x40B8] =	vst v1  }
0xd6: {  	[tilespmem:s16], [sflag:$0x1] =	stream.indirect.gather [hbm4b:s4+s14], $0x80, s15, s14, $0xb8;
	[tilespmem:$0x1D200] =	vst v63  }
0xd7: {  	v1 =	vld [tilespmem:s26+$0xA630]  }
0xd8: {  	v2 =	vld [tilespmem:s26+$0xA600]  }
0xd9: {  	v3 =	vld [tilespmem:s26+$0xA610]  }
0xda: {  	s28 =	simm.s32 $0x200;
	v4 =	vld [tilespmem:s26+$0xA620]  }
.LBB2_10:
0xdb: {  	p0 =	sne.s32 s28, $0x18E00  }
.Ltmp4:
0xdc: {  	s0 =	sshra.s32 s28, $0x2;
	s28 =	sadd.s32 $0x200, s28;
	[tilespmem:s26+$0x16E30] =	vst v1;
	(pc) =	sbr.rel @p0 .LBB2_10-.Ltmp4, $4  }
0xdd: {  	v1 =	vld [tilespmem:s0+$0xA630];
	[tilespmem:s26+$0x16E00] =	vst v2  }
0xde: {  	v2 =	vld [tilespmem:s0+$0xA600];
	[tilespmem:s26+$0x16E10] =	vst v3  }
0xdf: {  	v3 =	vld [tilespmem:s0+$0xA610];
	[tilespmem:s26+$0x16E20] =	vst v4;
	s26 =	smov.u32 s0  }
0xe0: {  	v4 =	vld [tilespmem:s26+$0xA620]  }
0xe1: {  	_ = 	snop  }
0xe2: {  	[tilespmem:s26+$0x16E30] =	vst v1  }
0xe3: {  	[tilespmem:s26+$0x16E00] =	vst v2  }
0xe4: {  	[tilespmem:s26+$0x16E10] =	vst v3  }
0xe5: {  	[tilespmem:s26+$0x16E20] =	vst v4;
	s26 =	simm.s32 $0x0  }
0xe6: {  	[hbm4b:s9+s26] =	stream.linear.scatter [tilespmem:s23], [sflag:$0x4], $0x6400, $0x38;
	[tilespmem:$0x1D200] =	vst v63  }
.LBB2_12:
0xe7: {  	_ =	swait.ge [sflag:s17], $0x6400  }
0xe8: {  	s29 =	sshll.u32 s26, $0x1;
	[sflag:s17] =	ssyncset.done $0x0  }
0xe9: {  	s28 =	sor.u32 $0x41, s29;
	[sflag:s17] =	ssyncadd.s32 $0xFFFF9C00  }
0xea: {  	s0 =	sshll.u32 s26, $0x9;
	s30 =	sshll.u32 s28, $0x7;
	_ =	swait.ge [sflag:s24], $0x6400  }
0xeb: {  	s0 =	sand.u32 $0x3800, s0;
	s30 =	sand.u32 $0x380, s30;
	[sflag:s24] =	ssyncset.done $0x0  }
0xec: {  	s0 =	sor.u32 s30, s0;
	[sflag:s24] =	ssyncadd.s32 $0xFFFF9C00  }
0xed: {  	v1 =	vld [tilespmem:s0+$0x0];
	_ =	sdelay $0x4  }
0xee: {  	[tilespmem:$0x4100] =	vst v1  }
0xef: {  	v1 =	vld [tilespmem:s0+$0x10];
	_ =	sdelay $0x4  }
0xf0: {  	[tilespmem:$0x4110] =	vst v1  }
0xf1: {  	v1 =	vld [tilespmem:s0+$0x20];
	_ =	sdelay $0x4  }
0xf2: {  	[tilespmem:$0x4120] =	vst v1  }
0xf3: {  	v1 =	vld [tilespmem:s0+$0x30];
	_ =	sdelay $0x4  }
0xf4: {  	[tilespmem:$0x4130] =	vst v1  }
0xf5: {  	v1 =	vld [tilespmem:s0+$0x40];
	_ =	sdelay $0x4  }
0xf6: {  	[tilespmem:$0x4140] =	vst v1  }
0xf7: {  	v1 =	vld [tilespmem:s0+$0x50];
	_ =	sdelay $0x4  }
0xf8: {  	[tilespmem:$0x4150] =	vst v1  }
0xf9: {  	v1 =	vld [tilespmem:s0+$0x60];
	_ =	sdelay $0x4  }
0xfa: {  	[tilespmem:$0x4160] =	vst v1  }
0xfb: {  	v1 =	vld [tilespmem:s0+$0x70];
	_ =	sdelay $0x4  }
0xfc: {  	[tilespmem:$0x4170] =	vst v1  }
0xfd: {  	v1 =	vld [tilespmem:s0+$0x400];
	_ =	sdelay $0x4  }
0xfe: {  	[tilespmem:$0x4180] =	vst v1  }
0xff: {  	v1 =	vld [tilespmem:s0+$0x410];
	_ =	sdelay $0x4  }
0x100: {  	[tilespmem:$0x4190] =	vst v1  }
0x101: {  	v1 =	vld [tilespmem:s0+$0x420];
	_ =	sdelay $0x4  }
0x102: {  	[tilespmem:$0x41A0] =	vst v1  }
0x103: {  	v1 =	vld [tilespmem:s0+$0x430];
	_ =	sdelay $0x4  }
0x104: {  	s0 =	sor.u32 $0x440, s0;
	[tilespmem:$0x41B0] =	vst v1  }
0x105: {  	v2 =	vld.msk [tilespmem:s0+$0x0], $0xff;
	_ =	sdelay $0x4  }
0x106: {  	v1 =	vperm.xlane v1, v0;
	v2 =	vperm.xlane v2, v0;
	_ =	sdelay $0x1  }
0x107: {  	v1 =	vsel vm0, v1, v2  }
0x108: {  	s30 =	simm.s32 $0x0;
	[tilespmem:$0x41B8] =	vst v1  }
0x109: {  	[tilespmem:s19], [sflag:$0x2] =	stream.indirect.gather [hbm4b:s4+s14], $0x80, s18, s14, $0xb8;
	[tilespmem:$0x1D200] =	vst v63  }
0x10a: {  	v3 =	vld [tilespmem:s30+$0x4230]  }
0x10b: {  	v1 =	vld [tilespmem:s30+$0x4200]  }
0x10c: {  	v2 =	vld [tilespmem:s30+$0x4210]  }
0x10d: {  	s31 =	simm.s32 $0x200;
	v4 =	vld [tilespmem:s30+$0x4220]  }
.LBB2_13:
0x10e: {  	p0 =	sne.s32 s31, $0x18E00  }
.Ltmp5:
0x10f: {  	s0 =	sshra.s32 s31, $0x2;
	s31 =	sadd.s32 $0x200, s31;
	[tilespmem:s30+$0x10A30] =	vst v3;
	(pc) =	sbr.rel @p0 .LBB2_13-.Ltmp5, $4  }
0x110: {  	v3 =	vld [tilespmem:s0+$0x4230];
	[tilespmem:s30+$0x10A00] =	vst v1  }
0x111: {  	v1 =	vld [tilespmem:s0+$0x4200];
	[tilespmem:s30+$0x10A10] =	vst v2  }
0x112: {  	v2 =	vld [tilespmem:s0+$0x4210];
	[tilespmem:s30+$0x10A20] =	vst v4;
	s30 =	smov.u32 s0  }
0x113: {  	v4 =	vld [tilespmem:s30+$0x4220]  }
0x114: {  	s0 =	sadd.s32 s29, s3  }
0x115: {  	[tilespmem:s30+$0x10A30] =	vst v3;
	s0 =	smul.u32 $0xC80, s0  }
0x116: {  	[tilespmem:s30+$0x10A00] =	vst v1  }
0x117: {  	[tilespmem:s30+$0x10A10] =	vst v2;
	s0 =	sadd.s32 s5, s0  }
0x118: {  	[tilespmem:s30+$0x10A20] =	vst v4;
	s0 =	sadd.s32 $0x32000, s0;
	s30 =	simm.s32 $0x0  }
0x119: {  	[hbm4b:s0+s30] =	stream.linear.scatter [tilespmem:s20], [sflag:$0x3], $0x6400, $0x38;
	[tilespmem:$0x1D200] =	vst v63  }
0x11a: {  	_ =	swait.ge [sflag:s21], $0x6400  }
0x11b: {  	[sflag:s21] =	ssyncset.done $0x0  }
0x11c: {  	s31 =	sadd.s32 $0x2, s29;
	[sflag:s21] =	ssyncadd.s32 $0xFFFF9C00  }
0x11d: {  	s29 =	sshll.u32 s31, $0x8;
	s0 =	sshll.u32 s31, $0x7;
	_ =	swait.ge [sflag:s22], $0x6400  }
0x11e: {  	s29 =	sand.u32 $0x3800, s29;
	s0 =	sand.u32 $0x300, s0;
	[sflag:s22] =	ssyncset.done $0x0  }
0x11f: {  	s0 =	sor.u32 s0, s29;
	[sflag:s22] =	ssyncadd.s32 $0xFFFF9C00  }
0x120: {  	v1 =	vld [tilespmem:s0+$0x0];
	_ =	sdelay $0x4  }
0x121: {  	[tilespmem:$0x4000] =	vst v1  }
0x122: {  	v1 =	vld [tilespmem:s0+$0x10];
	_ =	sdelay $0x4  }
0x123: {  	[tilespmem:$0x4010] =	vst v1  }
0x124: {  	v1 =	vld [tilespmem:s0+$0x20];
	_ =	sdelay $0x4  }
0x125: {  	[tilespmem:$0x4020] =	vst v1  }
0x126: {  	v1 =	vld [tilespmem:s0+$0x30];
	_ =	sdelay $0x4  }
0x127: {  	[tilespmem:$0x4030] =	vst v1  }
0x128: {  	v1 =	vld [tilespmem:s0+$0x40];
	_ =	sdelay $0x4  }
0x129: {  	[tilespmem:$0x4040] =	vst v1  }
0x12a: {  	v1 =	vld [tilespmem:s0+$0x50];
	_ =	sdelay $0x4  }
0x12b: {  	[tilespmem:$0x4050] =	vst v1  }
0x12c: {  	v1 =	vld [tilespmem:s0+$0x60];
	_ =	sdelay $0x4  }
0x12d: {  	[tilespmem:$0x4060] =	vst v1  }
0x12e: {  	v1 =	vld [tilespmem:s0+$0x70];
	_ =	sdelay $0x4  }
0x12f: {  	[tilespmem:$0x4070] =	vst v1  }
0x130: {  	v1 =	vld [tilespmem:s0+$0x400];
	_ =	sdelay $0x4  }
0x131: {  	[tilespmem:$0x4080] =	vst v1  }
0x132: {  	v1 =	vld [tilespmem:s0+$0x410];
	_ =	sdelay $0x4  }
0x133: {  	[tilespmem:$0x4090] =	vst v1  }
0x134: {  	v1 =	vld [tilespmem:s0+$0x420];
	_ =	sdelay $0x4  }
0x135: {  	[tilespmem:$0x40A0] =	vst v1  }
0x136: {  	v1 =	vld [tilespmem:s0+$0x430];
	_ =	sdelay $0x4  }
0x137: {  	s0 =	sor.u32 $0x440, s0;
	[tilespmem:$0x40B0] =	vst v1  }
0x138: {  	v2 =	vld.msk [tilespmem:s0+$0x0], $0xff;
	_ =	sdelay $0x4  }
0x139: {  	v1 =	vperm.xlane v1, v0;
	v2 =	vperm.xlane v2, v0;
	_ =	sdelay $0x1  }
0x13a: {  	v1 =	vsel vm0, v1, v2  }
0x13b: {  	s29 =	simm.s32 $0x0;
	[tilespmem:$0x40B8] =	vst v1  }
0x13c: {  	[tilespmem:s16], [sflag:$0x1] =	stream.indirect.gather [hbm4b:s4+s14], $0x80, s15, s14, $0xb8;
	[tilespmem:$0x1D200] =	vst v63  }
0x13d: {  	v3 =	vld [tilespmem:s29+$0xA630]  }
0x13e: {  	v2 =	vld [tilespmem:s29+$0xA600]  }
0x13f: {  	v1 =	vld [tilespmem:s29+$0xA610]  }
0x140: {  	s30 =	simm.s32 $0x200;
	v4 =	vld [tilespmem:s29+$0xA620]  }
.LBB2_15:
0x141: {  	p0 =	sne.s32 s30, $0x18E00  }
.Ltmp6:
0x142: {  	s0 =	sshra.s32 s30, $0x2;
	s30 =	sadd.s32 $0x200, s30;
	[tilespmem:s29+$0x16E30] =	vst v3;
	(pc) =	sbr.rel @p0 .LBB2_15-.Ltmp6, $4  }
0x143: {  	v3 =	vld [tilespmem:s0+$0xA630];
	[tilespmem:s29+$0x16E00] =	vst v2  }
0x144: {  	v2 =	vld [tilespmem:s0+$0xA600];
	[tilespmem:s29+$0x16E10] =	vst v1  }
0x145: {  	v1 =	vld [tilespmem:s0+$0xA610];
	[tilespmem:s29+$0x16E20] =	vst v4;
	s29 =	smov.u32 s0  }
0x146: {  	v4 =	vld [tilespmem:s29+$0xA620]  }
0x147: {  	s26 =	sadd.s32 $0x1, s26  }
0x148: {  	p0 =	sne.s32 s26, $0x1F  }
.Ltmp7:
0x149: {  	s0 =	sadd.s32 s3, s28;
	[tilespmem:s29+$0x16E30] =	vst v3;
	(pc) =	sbr.rel @p0 .LBB2_12-.Ltmp7, $4  }
0x14a: {  	s0 =	smul.u32 $0xC80, s0;
	[tilespmem:s29+$0x16E00] =	vst v2  }
0x14b: {  	[tilespmem:s29+$0x16E10] =	vst v1  }
0x14c: {  	s0 =	sadd.s32 s5, s0;
	[tilespmem:s29+$0x16E20] =	vst v4  }
0x14d: {  	[hbm4b:s0+s2] =	stream.linear.scatter [tilespmem:s23], [sflag:$0x4], $0x6400, $0x38;
	[tilespmem:$0x1D200] =	vst v63  }
0x14e: {  	_ =	swait.ge [sflag:s17], $0x6400  }
0x14f: {  	[sflag:s17] =	ssyncset.done $0x0  }
0x150: {  	[sflag:s17] =	ssyncadd.s32 $0xFFFF9C00  }
0x151: {  	_ =	swait.ge [sflag:s24], $0x6400  }
0x152: {  	[sflag:s24] =	ssyncset.done $0x0  }
0x153: {  	[sflag:s24] =	ssyncadd.s32 $0xFFFF9C00  }
0x154: {  	v1 =	vld [tilespmem:$0x3B80]  }
0x155: {  	v2 =	vld [tilespmem:$0x3B90]  }
0x156: {  	v3 =	vld [tilespmem:$0x3BA0]  }
0x157: {  	v4 =	vld [tilespmem:$0x3BB0]  }
0x158: {  	v5 =	vld [tilespmem:$0x3BC0]  }
0x159: {  	v6 =	vld [tilespmem:$0x3BD0]  }
0x15a: {  	v7 =	vld [tilespmem:$0x3BE0]  }
0x15b: {  	[tilespmem:$0x4100] =	vst v1;
	v1 =	vld [tilespmem:$0x3BF0]  }
0x15c: {  	[tilespmem:$0x4110] =	vst v2;
	v2 =	vld [tilespmem:$0x3F80]  }
0x15d: {  	[tilespmem:$0x4120] =	vst v3;
	v3 =	vld [tilespmem:$0x3F90]  }
0x15e: {  	[tilespmem:$0x4130] =	vst v4;
	v4 =	vld [tilespmem:$0x3FB0]  }
0x15f: {  	[tilespmem:$0x4140] =	vst v5;
	v5 =	vld.msk [tilespmem:$0x3FC0], $0xff  }
0x160: {  	[tilespmem:$0x4150] =	vst v6;
	v6 =	vld [tilespmem:$0x3FA0]  }
0x161: {  	[tilespmem:$0x4160] =	vst v7  }
0x162: {  	[tilespmem:$0x4170] =	vst v1  }
0x163: {  	[tilespmem:$0x4180] =	vst v2  }
0x164: {  	[tilespmem:$0x4190] =	vst v3;
	v1 =	vperm.xlane v4, v0;
	v2 =	vperm.xlane v5, v0  }
0x165: {  	[tilespmem:$0x41A0] =	vst v6  }
0x166: {  	[tilespmem:$0x41B0] =	vst v4;
	v1 =	vsel vm0, v1, v2  }
0x167: {  	s26 =	simm.s32 $0x0;
	[tilespmem:$0x41B8] =	vst v1  }
0x168: {  	[tilespmem:s19], [sflag:$0x2] =	stream.indirect.gather [hbm4b:s4+s14], $0x80, s18, s14, $0xb8;
	[tilespmem:$0x1D200] =	vst v63  }
0x169: {  	v1 =	vld [tilespmem:s26+$0x4230]  }
0x16a: {  	v2 =	vld [tilespmem:s26+$0x4200]  }
0x16b: {  	v3 =	vld [tilespmem:s26+$0x4210]  }
0x16c: {  	s28 =	simm.s32 $0x200;
	v4 =	vld [tilespmem:s26+$0x4220]  }
.LBB2_18:
0x16d: {  	p0 =	sne.s32 s28, $0x18E00  }
.Ltmp8:
0x16e: {  	s0 =	sshra.s32 s28, $0x2;
	s28 =	sadd.s32 $0x200, s28;
	[tilespmem:s26+$0x10A30] =	vst v1;
	(pc) =	sbr.rel @p0 .LBB2_18-.Ltmp8, $4  }
0x16f: {  	v1 =	vld [tilespmem:s0+$0x4230];
	[tilespmem:s26+$0x10A00] =	vst v2  }
0x170: {  	v2 =	vld [tilespmem:s0+$0x4200];
	[tilespmem:s26+$0x10A10] =	vst v3  }
0x171: {  	v3 =	vld [tilespmem:s0+$0x4210];
	[tilespmem:s26+$0x10A20] =	vst v4;
	s26 =	smov.u32 s0  }
0x172: {  	v4 =	vld [tilespmem:s26+$0x4220]  }
0x173: {  	_ = 	snop  }
0x174: {  	[tilespmem:s26+$0x10A30] =	vst v1  }
0x175: {  	[tilespmem:s26+$0x10A00] =	vst v2  }
0x176: {  	[tilespmem:s26+$0x10A10] =	vst v3  }
0x177: {  	s0 =	simm.s32 $0x0;
	[tilespmem:s26+$0x10A20] =	vst v4  }
0x178: {  	[hbm4b:s10+s0] =	stream.linear.scatter [tilespmem:s20], [sflag:$0x3], $0x6400, $0x38;
	[tilespmem:$0x1D200] =	vst v63  }
0x179: {  	_ =	swait.ge [sflag:s21], $0x6400  }
0x17a: {  	[sflag:s21] =	ssyncset.done $0x0  }
0x17b: {  	[sflag:s21] =	ssyncadd.s32 $0xFFFF9C00  }
0x17c: {  	_ =	swait.ge [sflag:s22], $0x6400  }
0x17d: {  	[sflag:s22] =	ssyncset.done $0x0  }
0x17e: {  	s26 =	simm.s32 $0x0;
	[sflag:s22] =	ssyncadd.s32 $0xFFFF9C00  }
0x17f: {  	v1 =	vld [tilespmem:s26+$0xA630]  }
0x180: {  	v2 =	vld [tilespmem:s26+$0xA600]  }
0x181: {  	v3 =	vld [tilespmem:s26+$0xA610]  }
0x182: {  	s28 =	simm.s32 $0x200;
	v4 =	vld [tilespmem:s26+$0xA620]  }
.LBB2_20:
0x183: {  	p0 =	sne.s32 s28, $0x18E00  }
.Ltmp9:
0x184: {  	s0 =	sshra.s32 s28, $0x2;
	s28 =	sadd.s32 $0x200, s28;
	[tilespmem:s26+$0x16E30] =	vst v1;
	(pc) =	sbr.rel @p0 .LBB2_20-.Ltmp9, $4  }
0x185: {  	v1 =	vld [tilespmem:s0+$0xA630];
	[tilespmem:s26+$0x16E00] =	vst v2  }
0x186: {  	v2 =	vld [tilespmem:s0+$0xA600];
	[tilespmem:s26+$0x16E10] =	vst v3  }
0x187: {  	v3 =	vld [tilespmem:s0+$0xA610];
	[tilespmem:s26+$0x16E20] =	vst v4;
	s26 =	smov.u32 s0  }
0x188: {  	v4 =	vld [tilespmem:s26+$0xA620]  }
0x189: {  	_ = 	snop  }
0x18a: {  	[tilespmem:s26+$0x16E30] =	vst v1  }
0x18b: {  	s25 =	sadd.s32 $0x1, s25;
	[tilespmem:s26+$0x16E00] =	vst v2  }
0x18c: {  	p0 =	sne.s32 s25, s12;
	[tilespmem:s26+$0x16E10] =	vst v3  }
.Ltmp10:
0x18d: {  	[tilespmem:s26+$0x16E20] =	vst v4;
	(pc) =	sbr.rel @p0 .LBB2_1-.Ltmp10, $4  }
0x18e: {  	[hbm4b:s11+s2] =	stream.linear.scatter [tilespmem:s23], [sflag:$0x4], $0x6400, $0x38;
	[tilespmem:$0x1D200] =	vst v63  }
0x18f: {  	_ =	swait.ge [sflag:s24], $0x6400  }
0x190: {  	[sflag:s24] =	ssyncset.done $0x0  }
0x191: {  	[sflag:s24] =	ssyncadd.s32 $0xFFFF9C00  }
0x192: {  	_ =	sfence.sel $0x180000  }
0x193: {  	[bflag:$0x0] =	sbarrier.arrive $0xFFFF  }
0x194: {  	_ =	strace $0x90000047  }
0x195: {  	[bflag:$0x2] =	sbarrier.arrive $0xFFFF  }
0x196: {  	p0 =	sne.s32 s1, $0x0;
	s0 =	rddreg [dreg:$0x2]  }
0x197: {  	s0 =	sadd.s32 @!p0 $0x100000, s0  }
0x198: {  	[sflag:s0] =	ssyncadd.tile.s32 @!p0 $0x1;
	_ =	shalt  }
.Lfunc_end2:
_tile_overlayer_lowered:
.L_overlay_start_2:
0x199: {  	(tag) =	ssettag $0x2  }
0x19a: {  	s0 =	rddreg [dreg:$0x0];
	s2 =	stileid.u32  }
0x19b: {  	s1 =	rddreg [dreg:$0x1];
	p0 =	sne.s32 s2, $0x0  }
0x19c: {  	s3 =	rddreg [dreg:$0x2];
	[bflag:$0x3] =	sbarrier.arrive $0xFFFF;
	s2 =	simm.s32 @!p0 $0x1C05  }
0x19d: {  	[timem:s3], [sflag:s2] =	dma.local @!p0 [hbm:s0], s1  }
0x19e: {  	s0 =	simm.s32 @!p0 $0x5  }
0x19f: {  	_ =	swait.ge @!p0 [sflag:s0], s1  }
0x1a0: {  	s1 =	ssub.s32 @!p0 $0x0, s1;
	[sflag:s0] =	ssyncset.done @!p0 $0x0  }
0x1a1: {  	[sflag:s0] =	ssyncadd.s32 @!p0 s1  }
0x1a2: {  	[bflag:$0x3] =	sbarrier.arrive $0xFFFF  }
0x1a3: {  	_ =	shalt  }

</sc_bundles>
